<compile_context>
chip_gen: v7x
topology: tpu7x:2x2x1
jax: 0.10.2.dev20260603
libtpu: 0.0.44.dev20260713+nightly
codegen_flags: <defaults>
</compile_context>

<pallas_src>
import functools

import jax
import jax.numpy as jnp
from jax import lax
from jax.experimental import pallas as pl
from jax.experimental.pallas import tpu as pltpu
from jax.experimental.pallas import tpu_sc as plsc

N = 16384
L = 16
D = 4
G = L * D
NB = 64
NC = 2
NS = 16
NW = NC * NS
GPT = G // NW
LANES = 16
GS = NB + 1
SUBH = LANES * GS
CWORDS = GPT * SUBH

_mesh = plsc.VectorSubcoreMesh(
    core_axis_name="c", subcore_axis_name="s", num_cores=NC, num_subcores=NS)
_params = pltpu.CompilerParams(
    needs_layout_passes=False, use_tc_tiling_on_sc=False)

_ACC = 8


@functools.partial(
    pl.kernel,
    out_type=jax.ShapeDtypeStruct((NW, LANES), jnp.float32),
    mesh=_mesh,
    compiler_params=_params,
    scratch_types=[pltpu.VMEM((GPT, 128, 128), jnp.float32),
                   pltpu.VMEM((GPT, 128, 128), jnp.float32),
                   pltpu.VMEM((CWORDS,), jnp.float32),
                   pltpu.VMEM((CWORDS,), jnp.float32),
                   pltpu.VMEM((LANES,), jnp.float32),
                   pltpu.SemaphoreType.DMA,
                   pltpu.SemaphoreType.DMA,
                   pltpu.SemaphoreType.DMA,
                   pltpu.SemaphoreType.DMA],
)
def _sc_hist_loss(xr_hbm, xf_hbm, out_hbm, rbuf, fbuf, cr, cf, obuf,
                  rsem0, fsem0, rsem1, fsem1):
    wid = lax.axis_index("s") * NC + lax.axis_index("c")
    l0 = (GPT * wid) // D
    d0 = (GPT * wid) % D
    l1 = (GPT * wid + 1) // D
    d1 = (GPT * wid + 1) % D
    rcp0 = pltpu.async_copy(xr_hbm.at[l0, :, d0, :], rbuf.at[0], rsem0)
    rcp1 = pltpu.async_copy(xr_hbm.at[l1, :, d1, :], rbuf.at[1], rsem1)
    fcp0 = pltpu.async_copy(xf_hbm.at[l0, :, d0, :], fbuf.at[0], fsem0)
    fcp1 = pltpu.async_copy(xf_hbm.at[l1, :, d1, :], fbuf.at[1], fsem1)

    zeros = jnp.zeros((LANES,), jnp.float32)

    @plsc.parallel_loop(0, CWORDS // LANES, unroll=5)
    def _(i):
        cr[pl.ds(i * LANES, LANES)] = zeros
        cf[pl.ds(i * LANES, LANES)] = zeros

    lane = jnp.arange(LANES, dtype=jnp.int32)
    ones = jnp.ones((LANES,), jnp.float32)
    rwaits = [rcp0.wait, rcp1.wait]
    fwaits = [fcp0.wait, fcp1.wait]
    params = []
    for g in range(GPT):
        rwaits[g]()
        first = [rbuf[g, 0, pl.ds(k * LANES, LANES)] for k in range(_ACC)]

        def mbody(i, carry, g=g):
            out_mn, out_mx = [], []
            for k in range(_ACC):
                j = i * _ACC + k
                x = rbuf[g, j // 8, pl.ds((j % 8) * LANES, LANES)]
                out_mn.append(jnp.minimum(carry[k], x))
                out_mx.append(jnp.maximum(carry[_ACC + k], x))
            return tuple(out_mn + out_mx)

        red = lax.fori_loop(1, N // LANES // _ACC, mbody, tuple(first) * 2)
        mn_v = red[0]
        mx_v = red[_ACC]
        for k in range(1, _ACC):
            mn_v = jnp.minimum(mn_v, red[k])
            mx_v = jnp.maximum(mx_v, red[_ACC + k])
        mn = jnp.min(mn_v)
        mx = jnp.max(mx_v)
        degen = jnp.abs(mx - mn) < 1e-10
        mx = jnp.where(degen, mx + 1e-05, mx)
        mn = jnp.where(degen, mn - 1e-05, mn)
        delta = (mx - mn) * (1.0 / NB)
        mnb = jnp.full((LANES,), mn, jnp.float32)
        deltab = jnp.full((LANES,), delta, jnp.float32)
        invdb = 1.0 / deltab
        halfwb = deltab * 0.5
        params.append((mnb, deltab, invdb, halfwb, delta))

    losses = []
    for g in range(GPT):
        mnb, deltab, invdb, halfwb, delta = params[g]
        cbase = g * SUBH + lane * GS
        fwaits[g]()

        @plsc.parallel_loop(0, N // LANES, unroll=8)
        def _(i, g=g, mnb=mnb, deltab=deltab, invdb=invdb,
              halfwb=halfwb, cbase=cbase):
            xr_v = rbuf[g, i // 8, pl.ds((i % 8) * LANES, LANES)]
            tr = (xr_v - mnb) * invdb
            ir = tr.astype(jnp.int32)
            plsc.addupdate_scatter(cr, [cbase + ir], ones)
            xf_v = fbuf[g, i // 8, pl.ds((i % 8) * LANES, LANES)]
            tf = (xf_v - mnb) * invdb
            jf = tf.astype(jnp.int32)
            jf = jnp.minimum(jnp.maximum(jf, 0), NB)
            jff = jf.astype(jnp.float32)
            hit = (tf > jff) & (tf < jff + 1.0)
            plsc.addupdate_scatter(cf, [cbase + jf], ones, mask=hit)

        nj = NB // LANES

        def fbody(s, carry, g=g):
            out = []
            for j in range(nj):
                off = g * SUBH + s * GS + j * LANES
                out.append(carry[j] + cr[pl.ds(off, LANES)])
            for j in range(nj):
                off = g * SUBH + s * GS + j * LANES
                out.append(carry[nj + j] + cf[pl.ds(off, LANES)])
            return tuple(out)

        acc = lax.fori_loop(0, LANES, fbody,
                            (jnp.zeros((LANES,), jnp.float32),) * (2 * nj))
        pads = plsc.load_gather(cr, [g * SUBH + lane * GS + NB])
        accr_last = acc[nj - 1] + jnp.sum(pads) * (lane == LANES - 1)
        svec = jnp.abs(acc[2 * nj - 1] - accr_last)
        for j in range(nj - 1):
            svec = svec + jnp.abs(acc[nj + j] - acc[j])
        losses.append((jnp.sum(svec), delta))

    lv = jnp.where(lane == 0, losses[0][0], losses[1][0])
    dv = jnp.where(lane == 0, losses[0][1], losses[1][1])
    obuf[...] = lv / (dv * float(NB * N))
    pltpu.sync_copy(obuf, out_hbm.at[wid])


def _as_tiled_view(x):
    return x.transpose(1, 0, 2).reshape(L, 128, 128, D).transpose(0, 1, 3, 2)


def kernel(x_fake, x_real):
    out = _sc_hist_loss(_as_tiled_view(x_real), _as_tiled_view(x_fake))
    return out[:, :GPT].reshape(L, D)

# --- scband reference (transcript-rebuilt; emitter-appended) ---
"""Pipeline reference for scband-histogram-loss-67551245631988 (READ-ONLY COPY).

The authoritative reference and input builder live on the scoring server;
editing this copy changes nothing except your own understanding.
"""

import jax, jax.numpy as jnp
import numpy as np

N_REAL = 16384
N_FAKE = 16384
L = 16
D = 4
N_BINS = 64


def setup_inputs(seed: int = 0) -> dict:
    key = jax.random.key(seed)
    k1, k2 = jax.random.split(key)
    x_fake = jax.random.normal(k1, (N_FAKE, L, D), dtype=jnp.float32)
    # 'learned' state: the real data tensor passed to __init__ (buffers derived from it)
    x_real = jax.random.normal(k2, (N_REAL, L, D), dtype=jnp.float32) * 1.5 + 0.1
    return {"x_fake": x_fake, "x_real": x_real}


def _precompute_histograms(x_real):
    # Mirrors HistogramLoss.precompute_histograms (no NaNs present in generated data).
    # (N, L, D) -> (L*D, N): one row per (time_step, feature) pair.
    x = jnp.transpose(x_real, (1, 2, 0)).reshape(L * D, -1)
    n = x.shape[1]
    mn = x.min(axis=1)
    mx = x.max(axis=1)
    degen = jnp.abs(mx - mn) < 1e-10
    mx = jnp.where(degen, mx + 1e-05, mx)
    mn = jnp.where(degen, mn - 1e-05, mn)
    delta = (mx - mn) / N_BINS  # bin width == bins[1]-bins[0] of linspace(mn, mx, N_BINS+1)
    # center_bin_loc = 0.5*(bins[1:]+bins[:-1]) = mn + delta*(i+0.5)
    centers = mn[:, None] + delta[:, None] * (jnp.arange(N_BINS, dtype=jnp.float32) + 0.5)
    # torch.histc over [mn, mx] with N_BINS bins; max value lands in last bin (clip handles it)
    idx = jnp.clip(jnp.floor((x - mn[:, None]) / delta[:, None]).astype(jnp.int32), 0, N_BINS - 1)
    g = jnp.arange(L * D)[:, None]
    counts = jnp.zeros((L * D, N_BINS), dtype=jnp.float32).at[g, idx].add(1.0)
    density = counts / (delta[:, None] * n)  # density=True normalization
    return density, centers, delta


def reference(x_fake, x_real):
    real_density, centers, widths = _precompute_histograms(x_real)
    xf = jnp.transpose(x_fake, (1, 2, 0)).reshape(L * D, -1)  # (groups, N_fake)

    def per_group(args):
        x_ti, loc, w, rd = args
        # dist = |x_ti - center_bin_loc|; counter = (bin_width/2 - dist > 0).float()
        dist = jnp.abs(x_ti[:, None] - loc[None, :])
        counter = ((w / 2.0 - dist) > 0.0).astype(jnp.float32)
        fake_density = counter.mean(axis=0) / w
        return jnp.abs(fake_density - rd).mean()

    losses = jax.lax.map(per_group, (xf, centers, widths, real_density))
    return losses.reshape(L, D)


if False:  # reference __main__ guard neutralized (emitter)
    out = reference(**setup_inputs())
    print(out.shape, out.dtype)

if __name__ == "__main__":
    import jax
    _d = setup_inputs()
    print(jax.jit(kernel)(*tuple(_d.values())))

</pallas_src>

<mosaic_0001>
#map = affine_map<(d0, d1) -> (0, 0, 0, 0)>
#map1 = affine_map<(d0, d1) -> (0, 0)>
module attributes {stable_mosaic.version = 14 : i64} {
  func.func @_sc_hist_loss(%arg0: i32, %arg1: i32, %arg2: memref<16x128x4x128xf32, #tpu.memory_space<hbm>>, %arg3: memref<16x128x4x128xf32, #tpu.memory_space<hbm>>, %arg4: memref<32x16xf32, #tpu.memory_space<hbm>>, %arg5: memref<2x128x128xf32, #tpu.memory_space<vmem>>, %arg6: memref<2x128x128xf32, #tpu.memory_space<vmem>>, %arg7: memref<2080xf32, #tpu.memory_space<vmem>>, %arg8: memref<2080xf32, #tpu.memory_space<vmem>>, %arg9: memref<16xf32, #tpu.memory_space<vmem>>, %arg10: memref<!tpu.dma_semaphore, #tpu.memory_space<semaphore_mem>>, %arg11: memref<!tpu.dma_semaphore, #tpu.memory_space<semaphore_mem>>, %arg12: memref<!tpu.dma_semaphore, #tpu.memory_space<semaphore_mem>>, %arg13: memref<!tpu.dma_semaphore, #tpu.memory_space<semaphore_mem>>) attributes {dimension_semantics = [#tpu.dimension_semantics<core_parallel>, #tpu.dimension_semantics<subcore_parallel>], iteration_bounds = array<i64: 2, 16>, scalar_prefetch = 0 : i64, scratch_operands = 9 : i64, tpu.core_type = #tpu.core_type<sc_vector_subcore>, window_params = [{transform_indices = #map}, {transform_indices = #map}, {transform_indices = #map1}]} {
    %mul3A = arith.constant 2 : i32
    %mul3A_0 = arith.muli %arg1, %mul3A : i32
    %add3A = arith.addi %mul3A_0, %arg0 : i32
    %mul3A_1 = arith.constant 2 : i32
    %mul3A_2 = arith.muli %mul3A_1, %add3A : i32
    %jit3A = arith.constant 4 : i32
    %div3A = arith.divsi %mul3A_2, %jit3A : i32
    %sign3A = arith.constant 0 : i32
    %sign3A_3 = arith.cmpi sgt, %mul3A_2, %sign3A : i32
    %sign3A_4 = arith.extui %sign3A_3 : i1 to i32
    %sign3A_5 = arith.constant 0 : i32
    %sign3A_6 = arith.cmpi slt, %mul3A_2, %sign3A_5 : i32
    %sign3A_7 = arith.extui %sign3A_6 : i1 to i32
    %sign3A_8 = arith.subi %sign3A_4, %sign3A_7 : i32
    %sign3A_9 = arith.constant 0 : i32
    %sign3A_10 = arith.cmpi sgt, %jit3A, %sign3A_9 : i32
    %sign3A_11 = arith.extui %sign3A_10 : i1 to i32
    %sign3A_12 = arith.constant 0 : i32
    %sign3A_13 = arith.cmpi slt, %jit3A, %sign3A_12 : i32
    %sign3A_14 = arith.extui %sign3A_13 : i1 to i32
    %sign3A_15 = arith.subi %sign3A_11, %sign3A_14 : i32
    %ne3A = arith.cmpi ne, %sign3A_8, %sign3A_15 : i32
    %rem3A = arith.remsi %mul3A_2, %jit3A : i32
    %ne3A_16 = arith.constant 0 : i32
    %ne3A_17 = arith.cmpi ne, %rem3A, %ne3A_16 : i32
    %and3A = arith.andi %ne3A, %ne3A_17 : i1
    %sub3A = arith.constant 1 : i32
    %sub3A_18 = arith.subi %div3A, %sub3A : i32
    %select_n3A = arith.select %and3A, %sub3A_18, %div3A : i32
    %mul3A_19 = arith.constant 2 : i32
    %mul3A_20 = arith.muli %mul3A_19, %add3A : i32
    %jit3A_21 = arith.constant 4 : i32
    %eq3A = arith.constant 0 : i32
    %eq3A_22 = arith.cmpi eq, %jit3A_21, %eq3A : i32
    %jit3A_23 = arith.constant 1 : i32
    %select_n3A_24 = arith.select %eq3A_22, %jit3A_23, %jit3A_21 : i32
    %rem3A_25 = arith.remsi %mul3A_20, %select_n3A_24 : i32
    %ne3A_26 = arith.constant 0 : i32
    %ne3A_27 = arith.cmpi ne, %rem3A_25, %ne3A_26 : i32
    %lt3A = arith.constant 0 : i32
    %lt3A_28 = arith.cmpi slt, %rem3A_25, %lt3A : i32
    %lt3A_29 = arith.constant 0 : i32
    %lt3A_30 = arith.cmpi slt, %select_n3A_24, %lt3A_29 : i32
    %ne3A_31 = arith.xori %lt3A_28, %lt3A_30 : i1
    %and3A_32 = arith.andi %ne3A_31, %ne3A_27 : i1
    %add3A_33 = arith.addi %rem3A_25, %select_n3A_24 : i32
    %select_n3A_34 = arith.select %and3A_32, %add3A_33, %rem3A_25 : i32
    %mul3A_35 = arith.constant 2 : i32
    %mul3A_36 = arith.muli %mul3A_35, %add3A : i32
    %add3A_37 = arith.constant 1 : i32
    %add3A_38 = arith.addi %mul3A_36, %add3A_37 : i32
    %jit3A_39 = arith.constant 4 : i32
    %div3A_40 = arith.divsi %add3A_38, %jit3A_39 : i32
    %sign3A_41 = arith.constant 0 : i32
    %sign3A_42 = arith.cmpi sgt, %add3A_38, %sign3A_41 : i32
    %sign3A_43 = arith.extui %sign3A_42 : i1 to i32
    %sign3A_44 = arith.constant 0 : i32
    %sign3A_45 = arith.cmpi slt, %add3A_38, %sign3A_44 : i32
    %sign3A_46 = arith.extui %sign3A_45 : i1 to i32
    %sign3A_47 = arith.subi %sign3A_43, %sign3A_46 : i32
    %sign3A_48 = arith.constant 0 : i32
    %sign3A_49 = arith.cmpi sgt, %jit3A_39, %sign3A_48 : i32
    %sign3A_50 = arith.extui %sign3A_49 : i1 to i32
    %sign3A_51 = arith.constant 0 : i32
    %sign3A_52 = arith.cmpi slt, %jit3A_39, %sign3A_51 : i32
    %sign3A_53 = arith.extui %sign3A_52 : i1 to i32
    %sign3A_54 = arith.subi %sign3A_50, %sign3A_53 : i32
    %ne3A_55 = arith.cmpi ne, %sign3A_47, %sign3A_54 : i32
    %rem3A_56 = arith.remsi %add3A_38, %jit3A_39 : i32
    %ne3A_57 = arith.constant 0 : i32
    %ne3A_58 = arith.cmpi ne, %rem3A_56, %ne3A_57 : i32
    %and3A_59 = arith.andi %ne3A_55, %ne3A_58 : i1
    %sub3A_60 = arith.constant 1 : i32
    %sub3A_61 = arith.subi %div3A_40, %sub3A_60 : i32
    %select_n3A_62 = arith.select %and3A_59, %sub3A_61, %div3A_40 : i32
    %mul3A_63 = arith.constant 2 : i32
    %mul3A_64 = arith.muli %mul3A_63, %add3A : i32
    %add3A_65 = arith.constant 1 : i32
    %add3A_66 = arith.addi %mul3A_64, %add3A_65 : i32
    %jit3A_67 = arith.constant 4 : i32
    %eq3A_68 = arith.constant 0 : i32
    %eq3A_69 = arith.cmpi eq, %jit3A_67, %eq3A_68 : i32
    %jit3A_70 = arith.constant 1 : i32
    %select_n3A_71 = arith.select %eq3A_69, %jit3A_70, %jit3A_67 : i32
    %rem3A_72 = arith.remsi %add3A_66, %select_n3A_71 : i32
    %ne3A_73 = arith.constant 0 : i32
    %ne3A_74 = arith.cmpi ne, %rem3A_72, %ne3A_73 : i32
    %lt3A_75 = arith.constant 0 : i32
    %lt3A_76 = arith.cmpi slt, %rem3A_72, %lt3A_75 : i32
    %lt3A_77 = arith.constant 0 : i32
    %lt3A_78 = arith.cmpi slt, %select_n3A_71, %lt3A_77 : i32
    %ne3A_79 = arith.xori %lt3A_76, %lt3A_78 : i1
    %and3A_80 = arith.andi %ne3A_79, %ne3A_74 : i1
    %add3A_81 = arith.addi %rem3A_72, %select_n3A_71 : i32
    %select_n3A_82 = arith.select %and3A_80, %add3A_81, %rem3A_72 : i32
    %dma_start3A = arith.constant 0 : i32
    %dma_start3A_83 = arith.constant 0 : i32
    %dma_start3A_84 = arith.constant 0 : i32
    %dma_start3A_85 = tpu.memref_slice %arg5[%dma_start3A, %dma_start3A_83, %dma_start3A_84] : memref<2x128x128xf32, #tpu.memory_space<vmem>> -> memref<1x128x128xf32, #tpu.memory_space<vmem>>
    %dma_start3A_86 = tpu.memref_squeeze %dma_start3A_85 : memref<1x128x128xf32, #tpu.memory_space<vmem>> -> memref<128x128xf32, #tpu.memory_space<vmem>>
    %dma_start3A_87 = arith.constant 0 : i32
    %dma_start3A_88 = arith.constant 0 : i32
    %dma_start3A_89 = tpu.memref_slice %arg2[%select_n3A, %dma_start3A_87, %select_n3A_34, %dma_start3A_88] : memref<16x128x4x128xf32, #tpu.memory_space<hbm>> -> memref<1x128x1x128xf32, #tpu.memory_space<hbm>>
    %dma_start3A_90 = tpu.memref_squeeze %dma_start3A_89 : memref<1x128x1x128xf32, #tpu.memory_space<hbm>> -> memref<128x128xf32, #tpu.memory_space<hbm>>
    %dma_start3A_91 = arith.constant 0 : i32
    %dma_start3A_92 = arith.constant 0 : i32
    %dma_start3A_93 = tpu.memref_slice %arg5[%dma_start3A, %dma_start3A_91, %dma_start3A_92] : memref<2x128x128xf32, #tpu.memory_space<vmem>> -> memref<1x128x128xf32, #tpu.memory_space<vmem>>
    %dma_start3A_94 = tpu.memref_squeeze %dma_start3A_93 : memref<1x128x128xf32, #tpu.memory_space<vmem>> -> memref<128x128xf32, #tpu.memory_space<vmem>>
    %dma_start3A_95 = arith.constant 0 : i32
    %dma_start3A_96 = arith.constant 0 : i32
    %dma_start3A_97 = tpu.memref_slice %arg2[%select_n3A, %dma_start3A_95, %select_n3A_34, %dma_start3A_96] : memref<16x128x4x128xf32, #tpu.memory_space<hbm>> -> memref<1x128x1x128xf32, #tpu.memory_space<hbm>>
    %dma_start3A_98 = tpu.memref_squeeze %dma_start3A_97 : memref<1x128x1x128xf32, #tpu.memory_space<hbm>> -> memref<128x128xf32, #tpu.memory_space<hbm>>
    tpu.enqueue_dma source(%dma_start3A_98 : memref<128x128xf32, #tpu.memory_space<hbm>>) target(%dma_start3A_94 : memref<128x128xf32, #tpu.memory_space<vmem>>) target_semaphore(%arg10 : memref<!tpu.dma_semaphore, #tpu.memory_space<semaphore_mem>>)
    %dma_start3A_99 = arith.constant 1 : i32
    %dma_start3A_100 = arith.constant 0 : i32
    %dma_start3A_101 = arith.constant 0 : i32
    %dma_start3A_102 = tpu.memref_slice %arg5[%dma_start3A_99, %dma_start3A_100, %dma_start3A_101] : memref<2x128x128xf32, #tpu.memory_space<vmem>> -> memref<1x128x128xf32, #tpu.memory_space<vmem>>
    %dma_start3A_103 = tpu.memref_squeeze %dma_start3A_102 : memref<1x128x128xf32, #tpu.memory_space<vmem>> -> memref<128x128xf32, #tpu.memory_space<vmem>>
    %dma_start3A_104 = arith.constant 0 : i32
    %dma_start3A_105 = arith.constant 0 : i32
    %dma_start3A_106 = tpu.memref_slice %arg2[%select_n3A_62, %dma_start3A_104, %select_n3A_82, %dma_start3A_105] : memref<16x128x4x128xf32, #tpu.memory_space<hbm>> -> memref<1x128x1x128xf32, #tpu.memory_space<hbm>>
    %dma_start3A_107 = tpu.memref_squeeze %dma_start3A_106 : memref<1x128x1x128xf32, #tpu.memory_space<hbm>> -> memref<128x128xf32, #tpu.memory_space<hbm>>
    %dma_start3A_108 = arith.constant 0 : i32
    %dma_start3A_109 = arith.constant 0 : i32
    %dma_start3A_110 = tpu.memref_slice %arg5[%dma_start3A_99, %dma_start3A_108, %dma_start3A_109] : memref<2x128x128xf32, #tpu.memory_space<vmem>> -> memref<1x128x128xf32, #tpu.memory_space<vmem>>
    %dma_start3A_111 = tpu.memref_squeeze %dma_start3A_110 : memref<1x128x128xf32, #tpu.memory_space<vmem>> -> memref<128x128xf32, #tpu.memory_space<vmem>>
    %dma_start3A_112 = arith.constant 0 : i32
    %dma_start3A_113 = arith.constant 0 : i32
    %dma_start3A_114 = tpu.memref_slice %arg2[%select_n3A_62, %dma_start3A_112, %select_n3A_82, %dma_start3A_113] : memref<16x128x4x128xf32, #tpu.memory_space<hbm>> -> memref<1x128x1x128xf32, #tpu.memory_space<hbm>>
    %dma_start3A_115 = tpu.memref_squeeze %dma_start3A_114 : memref<1x128x1x128xf32, #tpu.memory_space<hbm>> -> memref<128x128xf32, #tpu.memory_space<hbm>>
    tpu.enqueue_dma source(%dma_start3A_115 : memref<128x128xf32, #tpu.memory_space<hbm>>) target(%dma_start3A_111 : memref<128x128xf32, #tpu.memory_space<vmem>>) target_semaphore(%arg12 : memref<!tpu.dma_semaphore, #tpu.memory_space<semaphore_mem>>)
    %dma_start3A_116 = arith.constant 0 : i32
    %dma_start3A_117 = arith.constant 0 : i32
    %dma_start3A_118 = arith.constant 0 : i32
    %dma_start3A_119 = tpu.memref_slice %arg6[%dma_start3A_116, %dma_start3A_117, %dma_start3A_118] : memref<2x128x128xf32, #tpu.memory_space<vmem>> -> memref<1x128x128xf32, #tpu.memory_space<vmem>>
    %dma_start3A_120 = tpu.memref_squeeze %dma_start3A_119 : memref<1x128x128xf32, #tpu.memory_space<vmem>> -> memref<128x128xf32, #tpu.memory_space<vmem>>
    %dma_start3A_121 = arith.constant 0 : i32
    %dma_start3A_122 = arith.constant 0 : i32
    %dma_start3A_123 = tpu.memref_slice %arg3[%select_n3A, %dma_start3A_121, %select_n3A_34, %dma_start3A_122] : memref<16x128x4x128xf32, #tpu.memory_space<hbm>> -> memref<1x128x1x128xf32, #tpu.memory_space<hbm>>
    %dma_start3A_124 = tpu.memref_squeeze %dma_start3A_123 : memref<1x128x1x128xf32, #tpu.memory_space<hbm>> -> memref<128x128xf32, #tpu.memory_space<hbm>>
    %dma_start3A_125 = arith.constant 0 : i32
    %dma_start3A_126 = arith.constant 0 : i32
    %dma_start3A_127 = tpu.memref_slice %arg6[%dma_start3A_116, %dma_start3A_125, %dma_start3A_126] : memref<2x128x128xf32, #tpu.memory_space<vmem>> -> memref<1x128x128xf32, #tpu.memory_space<vmem>>
    %dma_start3A_128 = tpu.memref_squeeze %dma_start3A_127 : memref<1x128x128xf32, #tpu.memory_space<vmem>> -> memref<128x128xf32, #tpu.memory_space<vmem>>
    %dma_start3A_129 = arith.constant 0 : i32
    %dma_start3A_130 = arith.constant 0 : i32
    %dma_start3A_131 = tpu.memref_slice %arg3[%select_n3A, %dma_start3A_129, %select_n3A_34, %dma_start3A_130] : memref<16x128x4x128xf32, #tpu.memory_space<hbm>> -> memref<1x128x1x128xf32, #tpu.memory_space<hbm>>
    %dma_start3A_132 = tpu.memref_squeeze %dma_start3A_131 : memref<1x128x1x128xf32, #tpu.memory_space<hbm>> -> memref<128x128xf32, #tpu.memory_space<hbm>>
    tpu.enqueue_dma source(%dma_start3A_132 : memref<128x128xf32, #tpu.memory_space<hbm>>) target(%dma_start3A_128 : memref<128x128xf32, #tpu.memory_space<vmem>>) target_semaphore(%arg11 : memref<!tpu.dma_semaphore, #tpu.memory_space<semaphore_mem>>)
    %dma_start3A_133 = arith.constant 1 : i32
    %dma_start3A_134 = arith.constant 0 : i32
    %dma_start3A_135 = arith.constant 0 : i32
    %dma_start3A_136 = tpu.memref_slice %arg6[%dma_start3A_133, %dma_start3A_134, %dma_start3A_135] : memref<2x128x128xf32, #tpu.memory_space<vmem>> -> memref<1x128x128xf32, #tpu.memory_space<vmem>>
    %dma_start3A_137 = tpu.memref_squeeze %dma_start3A_136 : memref<1x128x128xf32, #tpu.memory_space<vmem>> -> memref<128x128xf32, #tpu.memory_space<vmem>>
    %dma_start3A_138 = arith.constant 0 : i32
    %dma_start3A_139 = arith.constant 0 : i32
    %dma_start3A_140 = tpu.memref_slice %arg3[%select_n3A_62, %dma_start3A_138, %select_n3A_82, %dma_start3A_139] : memref<16x128x4x128xf32, #tpu.memory_space<hbm>> -> memref<1x128x1x128xf32, #tpu.memory_space<hbm>>
    %dma_start3A_141 = tpu.memref_squeeze %dma_start3A_140 : memref<1x128x1x128xf32, #tpu.memory_space<hbm>> -> memref<128x128xf32, #tpu.memory_space<hbm>>
    %dma_start3A_142 = arith.constant 0 : i32
    %dma_start3A_143 = arith.constant 0 : i32
    %dma_start3A_144 = tpu.memref_slice %arg6[%dma_start3A_133, %dma_start3A_142, %dma_start3A_143] : memref<2x128x128xf32, #tpu.memory_space<vmem>> -> memref<1x128x128xf32, #tpu.memory_space<vmem>>
    %dma_start3A_145 = tpu.memref_squeeze %dma_start3A_144 : memref<1x128x128xf32, #tpu.memory_space<vmem>> -> memref<128x128xf32, #tpu.memory_space<vmem>>
    %dma_start3A_146 = arith.constant 0 : i32
    %dma_start3A_147 = arith.constant 0 : i32
    %dma_start3A_148 = tpu.memref_slice %arg3[%select_n3A_62, %dma_start3A_146, %select_n3A_82, %dma_start3A_147] : memref<16x128x4x128xf32, #tpu.memory_space<hbm>> -> memref<1x128x1x128xf32, #tpu.memory_space<hbm>>
    %dma_start3A_149 = tpu.memref_squeeze %dma_start3A_148 : memref<1x128x1x128xf32, #tpu.memory_space<hbm>> -> memref<128x128xf32, #tpu.memory_space<hbm>>
    tpu.enqueue_dma source(%dma_start3A_149 : memref<128x128xf32, #tpu.memory_space<hbm>>) target(%dma_start3A_145 : memref<128x128xf32, #tpu.memory_space<vmem>>) target_semaphore(%arg13 : memref<!tpu.dma_semaphore, #tpu.memory_space<semaphore_mem>>)
    %broadcast_in_dim3A = arith.constant 0.000000e+00 : f32
    %broadcast_in_dim3A_150 = vector.broadcast %broadcast_in_dim3A : f32 to vector<16xf32>
    %parallel_loop3A = arith.constant 0 : i32
    %parallel_loop3A_151 = arith.constant 130 : i32
    %parallel_loop3A_152 = arith.constant 1 : i32
    scf.for %parallel_loop3A_531 = %parallel_loop3A to %parallel_loop3A_151 step %parallel_loop3A_152  : i32 {
      %parallel_loop3A_532 = arith.constant 16 : i32
      %parallel_loop3A_533 = arith.muli %parallel_loop3A_531, %parallel_loop3A_532 : i32
      %parallel_loop3A_534 = arith.index_cast %parallel_loop3A_533 : i32 to index
      %parallel_loop3A_535 = tpu.vector_load %arg7[%parallel_loop3A_534] {strides = array<i32>} : memref<2080xf32, #tpu.memory_space<vmem>>, vector<16xf32>,
      tpu.vector_store %arg7[%parallel_loop3A_534], %broadcast_in_dim3A_150 {strides = array<i32>} : memref<2080xf32, #tpu.memory_space<vmem>>, vector<16xf32>,
      %parallel_loop3A_536 = arith.constant 16 : i32
      %parallel_loop3A_537 = arith.muli %parallel_loop3A_531, %parallel_loop3A_536 : i32
      %parallel_loop3A_538 = arith.index_cast %parallel_loop3A_537 : i32 to index
      %parallel_loop3A_539 = tpu.vector_load %arg8[%parallel_loop3A_538] {strides = array<i32>} : memref<2080xf32, #tpu.memory_space<vmem>>, vector<16xf32>,
      tpu.vector_store %arg8[%parallel_loop3A_538], %broadcast_in_dim3A_150 {strides = array<i32>} : memref<2080xf32, #tpu.memory_space<vmem>>, vector<16xf32>,
    } {sc.loop_unroll_factor = 5 : i64, sc.parallel_access}
    %iota3A = tpu.iota {dimensions = array<i32: 0>} : vector<16xi32>
    %broadcast_in_dim3A_153 = arith.constant 1.000000e+00 : f32
    %broadcast_in_dim3A_154 = vector.broadcast %broadcast_in_dim3A_153 : f32 to vector<16xf32>
    %dma_wait3A = arith.constant 0 : i32
    %dma_wait3A_155 = arith.constant 0 : i32
    %dma_wait3A_156 = arith.constant 0 : i32
    %dma_wait3A_157 = tpu.memref_slice %arg5[%dma_wait3A, %dma_wait3A_155, %dma_wait3A_156] : memref<2x128x128xf32, #tpu.memory_space<vmem>> -> memref<1x128x128xf32, #tpu.memory_space<vmem>>
    %dma_wait3A_158 = tpu.memref_squeeze %dma_wait3A_157 : memref<1x128x128xf32, #tpu.memory_space<vmem>> -> memref<128x128xf32, #tpu.memory_space<vmem>>
    %dma_wait3A_159 = arith.constant 0 : i32
    %dma_wait3A_160 = arith.constant 0 : i32
    %dma_wait3A_161 = tpu.memref_slice %arg2[%select_n3A, %dma_wait3A_159, %select_n3A_34, %dma_wait3A_160] : memref<16x128x4x128xf32, #tpu.memory_space<hbm>> -> memref<1x128x1x128xf32, #tpu.memory_space<hbm>>
    %dma_wait3A_162 = tpu.memref_squeeze %dma_wait3A_161 : memref<1x128x1x128xf32, #tpu.memory_space<hbm>> -> memref<128x128xf32, #tpu.memory_space<hbm>>
    %dma_wait3A_163 = arith.constant 0 : i32
    %dma_wait3A_164 = arith.constant 0 : i32
    %dma_wait3A_165 = tpu.memref_slice %arg5[%dma_wait3A, %dma_wait3A_163, %dma_wait3A_164] : memref<2x128x128xf32, #tpu.memory_space<vmem>> -> memref<1x128x128xf32, #tpu.memory_space<vmem>>
    %dma_wait3A_166 = tpu.memref_squeeze %dma_wait3A_165 : memref<1x128x128xf32, #tpu.memory_space<vmem>> -> memref<128x128xf32, #tpu.memory_space<vmem>>
    %dma_wait3A_167 = arith.constant 0 : i32
    %dma_wait3A_168 = arith.constant 0 : i32
    %dma_wait3A_169 = tpu.memref_slice %arg2[%select_n3A, %dma_wait3A_167, %select_n3A_34, %dma_wait3A_168] : memref<16x128x4x128xf32, #tpu.memory_space<hbm>> -> memref<1x128x1x128xf32, #tpu.memory_space<hbm>>
    %dma_wait3A_170 = tpu.memref_squeeze %dma_wait3A_169 : memref<1x128x1x128xf32, #tpu.memory_space<hbm>> -> memref<128x128xf32, #tpu.memory_space<hbm>>
    tpu.wait_dma2 semaphore(%arg10 : memref<!tpu.dma_semaphore, #tpu.memory_space<semaphore_mem>>) src(%dma_wait3A_170 : memref<128x128xf32, #tpu.memory_space<hbm>>) dst(%dma_wait3A_166 : memref<128x128xf32, #tpu.memory_space<vmem>>)
    %get3A = arith.constant 0 : i32
    %get3A_171 = arith.constant 0 : i32
    %get3A_172 = arith.index_cast %get3A : i32 to index
    %get3A_173 = arith.index_cast %get3A_171 : i32 to index
    %get3A_174 = arith.constant 0 : index
    %get3A_175 = tpu.vector_load %arg5[%get3A_172, %get3A_173, %get3A_174] {strides = array<i32>} : memref<2x128x128xf32, #tpu.memory_space<vmem>>, vector<16xf32>,
    %get3A_176 = arith.constant 0 : i32
    %get3A_177 = arith.constant 0 : i32
    %get3A_178 = arith.index_cast %get3A_176 : i32 to index
    %get3A_179 = arith.index_cast %get3A_177 : i32 to index
    %get3A_180 = arith.constant 16 : index
    %get3A_181 = tpu.vector_load %arg5[%get3A_178, %get3A_179, %get3A_180] {strides = array<i32>} : memref<2x128x128xf32, #tpu.memory_space<vmem>>, vector<16xf32>,
    %get3A_182 = arith.constant 0 : i32
    %get3A_183 = arith.constant 0 : i32
    %get3A_184 = arith.index_cast %get3A_182 : i32 to index
    %get3A_185 = arith.index_cast %get3A_183 : i32 to index
    %get3A_186 = arith.constant 32 : index
    %get3A_187 = tpu.vector_load %arg5[%get3A_184, %get3A_185, %get3A_186] {strides = array<i32>} : memref<2x128x128xf32, #tpu.memory_space<vmem>>, vector<16xf32>,
    %get3A_188 = arith.constant 0 : i32
    %get3A_189 = arith.constant 0 : i32
    %get3A_190 = arith.index_cast %get3A_188 : i32 to index
    %get3A_191 = arith.index_cast %get3A_189 : i32 to index
    %get3A_192 = arith.constant 48 : index
    %get3A_193 = tpu.vector_load %arg5[%get3A_190, %get3A_191, %get3A_192] {strides = array<i32>} : memref<2x128x128xf32, #tpu.memory_space<vmem>>, vector<16xf32>,
    %get3A_194 = arith.constant 0 : i32
    %get3A_195 = arith.constant 0 : i32
    %get3A_196 = arith.index_cast %get3A_194 : i32 to index
    %get3A_197 = arith.index_cast %get3A_195 : i32 to index
    %get3A_198 = arith.constant 64 : index
    %get3A_199 = tpu.vector_load %arg5[%get3A_196, %get3A_197, %get3A_198] {strides = array<i32>} : memref<2x128x128xf32, #tpu.memory_space<vmem>>, vector<16xf32>,
    %get3A_200 = arith.constant 0 : i32
    %get3A_201 = arith.constant 0 : i32
    %get3A_202 = arith.index_cast %get3A_200 : i32 to index
    %get3A_203 = arith.index_cast %get3A_201 : i32 to index
    %get3A_204 = arith.constant 80 : index
    %get3A_205 = tpu.vector_load %arg5[%get3A_202, %get3A_203, %get3A_204] {strides = array<i32>} : memref<2x128x128xf32, #tpu.memory_space<vmem>>, vector<16xf32>,
    %get3A_206 = arith.constant 0 : i32
    %get3A_207 = arith.constant 0 : i32
    %get3A_208 = arith.index_cast %get3A_206 : i32 to index
    %get3A_209 = arith.index_cast %get3A_207 : i32 to index
    %get3A_210 = arith.constant 96 : index
    %get3A_211 = tpu.vector_load %arg5[%get3A_208, %get3A_209, %get3A_210] {strides = array<i32>} : memref<2x128x128xf32, #tpu.memory_space<vmem>>, vector<16xf32>,
    %get3A_212 = arith.constant 0 : i32
    %get3A_213 = arith.constant 0 : i32
    %get3A_214 = arith.index_cast %get3A_212 : i32 to index
    %get3A_215 = arith.index_cast %get3A_213 : i32 to index
    %get3A_216 = arith.constant 112 : index
    %get3A_217 = tpu.vector_load %arg5[%get3A_214, %get3A_215, %get3A_216] {strides = array<i32>} : memref<2x128x128xf32, #tpu.memory_space<vmem>>, vector<16xf32>,
    %scan3A = arith.constant 1 : i32
    %scan3A_218 = arith.constant 127 : i32
    %scan3A_219 = arith.addi %scan3A, %scan3A_218 : i32
    %scan3A_220 = arith.constant 1 : i32
    %scan3A_221:16 = scf.for %scan3A_531 = %scan3A to %scan3A_219 step %scan3A_220 iter_args(%scan3A_532 = %get3A_175, %scan3A_533 = %get3A_181, %scan3A_534 = %get3A_187, %scan3A_535 = %get3A_193, %scan3A_536 = %get3A_199, %scan3A_537 = %get3A_205, %scan3A_538 = %get3A_211, %scan3A_539 = %get3A_217, %scan3A_540 = %get3A_175, %scan3A_541 = %get3A_181, %scan3A_542 = %get3A_187, %scan3A_543 = %get3A_193, %scan3A_544 = %get3A_199, %scan3A_545 = %get3A_205, %scan3A_546 = %get3A_211, %scan3A_547 = %get3A_217) -> (vector<16xf32>, vector<16xf32>, vector<16xf32>, vector<16xf32>, vector<16xf32>, vector<16xf32>, vector<16xf32>, vector<16xf32>, vector<16xf32>, vector<16xf32>, vector<16xf32>, vector<16xf32>, vector<16xf32>, vector<16xf32>, vector<16xf32>, vector<16xf32>)  : i32 {
      %mul3A_548 = arith.constant 8 : i32
      %mul3A_549 = arith.muli %scan3A_531, %mul3A_548 : i32
      %add3A_550 = arith.constant 0 : i32
      %add3A_551 = arith.addi %mul3A_549, %add3A_550 : i32
      %jit3A_552 = arith.constant 8 : i32
      %div3A_553 = arith.divsi %add3A_551, %jit3A_552 : i32
      %sign3A_554 = arith.constant 0 : i32
      %sign3A_555 = arith.cmpi sgt, %add3A_551, %sign3A_554 : i32
      %sign3A_556 = arith.extui %sign3A_555 : i1 to i32
      %sign3A_557 = arith.constant 0 : i32
      %sign3A_558 = arith.cmpi slt, %add3A_551, %sign3A_557 : i32
      %sign3A_559 = arith.extui %sign3A_558 : i1 to i32
      %sign3A_560 = arith.subi %sign3A_556, %sign3A_559 : i32
      %sign3A_561 = arith.constant 0 : i32
      %sign3A_562 = arith.cmpi sgt, %jit3A_552, %sign3A_561 : i32
      %sign3A_563 = arith.extui %sign3A_562 : i1 to i32
      %sign3A_564 = arith.constant 0 : i32
      %sign3A_565 = arith.cmpi slt, %jit3A_552, %sign3A_564 : i32
      %sign3A_566 = arith.extui %sign3A_565 : i1 to i32
      %sign3A_567 = arith.subi %sign3A_563, %sign3A_566 : i32
      %ne3A_568 = arith.cmpi ne, %sign3A_560, %sign3A_567 : i32
      %rem3A_569 = arith.remsi %add3A_551, %jit3A_552 : i32
      %ne3A_570 = arith.constant 0 : i32
      %ne3A_571 = arith.cmpi ne, %rem3A_569, %ne3A_570 : i32
      %and3A_572 = arith.andi %ne3A_568, %ne3A_571 : i1
      %sub3A_573 = arith.constant 1 : i32
      %sub3A_574 = arith.subi %div3A_553, %sub3A_573 : i32
      %select_n3A_575 = arith.select %and3A_572, %sub3A_574, %div3A_553 : i32
      %jit3A_576 = arith.constant 8 : i32
      %eq3A_577 = arith.constant 0 : i32
      %eq3A_578 = arith.cmpi eq, %jit3A_576, %eq3A_577 : i32
      %jit3A_579 = arith.constant 1 : i32
      %select_n3A_580 = arith.select %eq3A_578, %jit3A_579, %jit3A_576 : i32
      %rem3A_581 = arith.remsi %add3A_551, %select_n3A_580 : i32
      %ne3A_582 = arith.constant 0 : i32
      %ne3A_583 = arith.cmpi ne, %rem3A_581, %ne3A_582 : i32
      %lt3A_584 = arith.constant 0 : i32
      %lt3A_585 = arith.cmpi slt, %rem3A_581, %lt3A_584 : i32
      %lt3A_586 = arith.constant 0 : i32
      %lt3A_587 = arith.cmpi slt, %select_n3A_580, %lt3A_586 : i32
      %ne3A_588 = arith.xori %lt3A_585, %lt3A_587 : i1
      %and3A_589 = arith.andi %ne3A_588, %ne3A_583 : i1
      %add3A_590 = arith.addi %rem3A_581, %select_n3A_580 : i32
      %select_n3A_591 = arith.select %and3A_589, %add3A_590, %rem3A_581 : i32
      %mul3A_592 = arith.constant 16 : i32
      %mul3A_593 = arith.muli %select_n3A_591, %mul3A_592 : i32
      %get3A_594 = arith.constant 0 : i32
      %get3A_595 = arith.index_cast %get3A_594 : i32 to index
      %get3A_596 = arith.index_cast %select_n3A_575 : i32 to index
      %get3A_597 = arith.index_cast %mul3A_593 : i32 to index
      %get3A_598 = tpu.vector_load %arg5[%get3A_595, %get3A_596, %get3A_597] {strides = array<i32>} : memref<2x128x128xf32, #tpu.memory_space<vmem>>, vector<16xf32>,
      %min3A_599 = arith.minimumf %scan3A_532, %get3A_598 : vector<16xf32>
      %max3A_600 = arith.maximumf %scan3A_540, %get3A_598 : vector<16xf32>
      %mul3A_601 = arith.constant 8 : i32
      %mul3A_602 = arith.muli %scan3A_531, %mul3A_601 : i32
      %add3A_603 = arith.constant 1 : i32
      %add3A_604 = arith.addi %mul3A_602, %add3A_603 : i32
      %jit3A_605 = arith.constant 8 : i32
      %div3A_606 = arith.divsi %add3A_604, %jit3A_605 : i32
      %sign3A_607 = arith.constant 0 : i32
      %sign3A_608 = arith.cmpi sgt, %add3A_604, %sign3A_607 : i32
      %sign3A_609 = arith.extui %sign3A_608 : i1 to i32
      %sign3A_610 = arith.constant 0 : i32
      %sign3A_611 = arith.cmpi slt, %add3A_604, %sign3A_610 : i32
      %sign3A_612 = arith.extui %sign3A_611 : i1 to i32
      %sign3A_613 = arith.subi %sign3A_609, %sign3A_612 : i32
      %sign3A_614 = arith.constant 0 : i32
      %sign3A_615 = arith.cmpi sgt, %jit3A_605, %sign3A_614 : i32
      %sign3A_616 = arith.extui %sign3A_615 : i1 to i32
      %sign3A_617 = arith.constant 0 : i32
      %sign3A_618 = arith.cmpi slt, %jit3A_605, %sign3A_617 : i32
      %sign3A_619 = arith.extui %sign3A_618 : i1 to i32
      %sign3A_620 = arith.subi %sign3A_616, %sign3A_619 : i32
      %ne3A_621 = arith.cmpi ne, %sign3A_613, %sign3A_620 : i32
      %rem3A_622 = arith.remsi %add3A_604, %jit3A_605 : i32
      %ne3A_623 = arith.constant 0 : i32
      %ne3A_624 = arith.cmpi ne, %rem3A_622, %ne3A_623 : i32
      %and3A_625 = arith.andi %ne3A_621, %ne3A_624 : i1
      %sub3A_626 = arith.constant 1 : i32
      %sub3A_627 = arith.subi %div3A_606, %sub3A_626 : i32
      %select_n3A_628 = arith.select %and3A_625, %sub3A_627, %div3A_606 : i32
      %jit3A_629 = arith.constant 8 : i32
      %eq3A_630 = arith.constant 0 : i32
      %eq3A_631 = arith.cmpi eq, %jit3A_629, %eq3A_630 : i32
      %jit3A_632 = arith.constant 1 : i32
      %select_n3A_633 = arith.select %eq3A_631, %jit3A_632, %jit3A_629 : i32
      %rem3A_634 = arith.remsi %add3A_604, %select_n3A_633 : i32
      %ne3A_635 = arith.constant 0 : i32
      %ne3A_636 = arith.cmpi ne, %rem3A_634, %ne3A_635 : i32
      %lt3A_637 = arith.constant 0 : i32
      %lt3A_638 = arith.cmpi slt, %rem3A_634, %lt3A_637 : i32
      %lt3A_639 = arith.constant 0 : i32
      %lt3A_640 = arith.cmpi slt, %select_n3A_633, %lt3A_639 : i32
      %ne3A_641 = arith.xori %lt3A_638, %lt3A_640 : i1
      %and3A_642 = arith.andi %ne3A_641, %ne3A_636 : i1
      %add3A_643 = arith.addi %rem3A_634, %select_n3A_633 : i32
      %select_n3A_644 = arith.select %and3A_642, %add3A_643, %rem3A_634 : i32
      %mul3A_645 = arith.constant 16 : i32
      %mul3A_646 = arith.muli %select_n3A_644, %mul3A_645 : i32
      %get3A_647 = arith.constant 0 : i32
      %get3A_648 = arith.index_cast %get3A_647 : i32 to index
      %get3A_649 = arith.index_cast %select_n3A_628 : i32 to index
      %get3A_650 = arith.index_cast %mul3A_646 : i32 to index
      %get3A_651 = tpu.vector_load %arg5[%get3A_648, %get3A_649, %get3A_650] {strides = array<i32>} : memref<2x128x128xf32, #tpu.memory_space<vmem>>, vector<16xf32>,
      %min3A_652 = arith.minimumf %scan3A_533, %get3A_651 : vector<16xf32>
      %max3A_653 = arith.maximumf %scan3A_541, %get3A_651 : vector<16xf32>
      %mul3A_654 = arith.constant 8 : i32
      %mul3A_655 = arith.muli %scan3A_531, %mul3A_654 : i32
      %add3A_656 = arith.constant 2 : i32
      %add3A_657 = arith.addi %mul3A_655, %add3A_656 : i32
      %jit3A_658 = arith.constant 8 : i32
      %div3A_659 = arith.divsi %add3A_657, %jit3A_658 : i32
      %sign3A_660 = arith.constant 0 : i32
      %sign3A_661 = arith.cmpi sgt, %add3A_657, %sign3A_660 : i32
      %sign3A_662 = arith.extui %sign3A_661 : i1 to i32
      %sign3A_663 = arith.constant 0 : i32
      %sign3A_664 = arith.cmpi slt, %add3A_657, %sign3A_663 : i32
      %sign3A_665 = arith.extui %sign3A_664 : i1 to i32
      %sign3A_666 = arith.subi %sign3A_662, %sign3A_665 : i32
      %sign3A_667 = arith.constant 0 : i32
      %sign3A_668 = arith.cmpi sgt, %jit3A_658, %sign3A_667 : i32
      %sign3A_669 = arith.extui %sign3A_668 : i1 to i32
      %sign3A_670 = arith.constant 0 : i32
      %sign3A_671 = arith.cmpi slt, %jit3A_658, %sign3A_670 : i32
      %sign3A_672 = arith.extui %sign3A_671 : i1 to i32
      %sign3A_673 = arith.subi %sign3A_669, %sign3A_672 : i32
      %ne3A_674 = arith.cmpi ne, %sign3A_666, %sign3A_673 : i32
      %rem3A_675 = arith.remsi %add3A_657, %jit3A_658 : i32
      %ne3A_676 = arith.constant 0 : i32
      %ne3A_677 = arith.cmpi ne, %rem3A_675, %ne3A_676 : i32
      %and3A_678 = arith.andi %ne3A_674, %ne3A_677 : i1
      %sub3A_679 = arith.constant 1 : i32
      %sub3A_680 = arith.subi %div3A_659, %sub3A_679 : i32
      %select_n3A_681 = arith.select %and3A_678, %sub3A_680, %div3A_659 : i32
      %jit3A_682 = arith.constant 8 : i32
      %eq3A_683 = arith.constant 0 : i32
      %eq3A_684 = arith.cmpi eq, %jit3A_682, %eq3A_683 : i32
      %jit3A_685 = arith.constant 1 : i32
      %select_n3A_686 = arith.select %eq3A_684, %jit3A_685, %jit3A_682 : i32
      %rem3A_687 = arith.remsi %add3A_657, %select_n3A_686 : i32
      %ne3A_688 = arith.constant 0 : i32
      %ne3A_689 = arith.cmpi ne, %rem3A_687, %ne3A_688 : i32
      %lt3A_690 = arith.constant 0 : i32
      %lt3A_691 = arith.cmpi slt, %rem3A_687, %lt3A_690 : i32
      %lt3A_692 = arith.constant 0 : i32
      %lt3A_693 = arith.cmpi slt, %select_n3A_686, %lt3A_692 : i32
      %ne3A_694 = arith.xori %lt3A_691, %lt3A_693 : i1
      %and3A_695 = arith.andi %ne3A_694, %ne3A_689 : i1
      %add3A_696 = arith.addi %rem3A_687, %select_n3A_686 : i32
      %select_n3A_697 = arith.select %and3A_695, %add3A_696, %rem3A_687 : i32
      %mul3A_698 = arith.constant 16 : i32
      %mul3A_699 = arith.muli %select_n3A_697, %mul3A_698 : i32
      %get3A_700 = arith.constant 0 : i32
      %get3A_701 = arith.index_cast %get3A_700 : i32 to index
      %get3A_702 = arith.index_cast %select_n3A_681 : i32 to index
      %get3A_703 = arith.index_cast %mul3A_699 : i32 to index
      %get3A_704 = tpu.vector_load %arg5[%get3A_701, %get3A_702, %get3A_703] {strides = array<i32>} : memref<2x128x128xf32, #tpu.memory_space<vmem>>, vector<16xf32>,
      %min3A_705 = arith.minimumf %scan3A_534, %get3A_704 : vector<16xf32>
      %max3A_706 = arith.maximumf %scan3A_542, %get3A_704 : vector<16xf32>
      %mul3A_707 = arith.constant 8 : i32
      %mul3A_708 = arith.muli %scan3A_531, %mul3A_707 : i32
      %add3A_709 = arith.constant 3 : i32
      %add3A_710 = arith.addi %mul3A_708, %add3A_709 : i32
      %jit3A_711 = arith.constant 8 : i32
      %div3A_712 = arith.divsi %add3A_710, %jit3A_711 : i32
      %sign3A_713 = arith.constant 0 : i32
      %sign3A_714 = arith.cmpi sgt, %add3A_710, %sign3A_713 : i32
      %sign3A_715 = arith.extui %sign3A_714 : i1 to i32
      %sign3A_716 = arith.constant 0 : i32
      %sign3A_717 = arith.cmpi slt, %add3A_710, %sign3A_716 : i32
      %sign3A_718 = arith.extui %sign3A_717 : i1 to i32
      %sign3A_719 = arith.subi %sign3A_715, %sign3A_718 : i32
      %sign3A_720 = arith.constant 0 : i32
      %sign3A_721 = arith.cmpi sgt, %jit3A_711, %sign3A_720 : i32
      %sign3A_722 = arith.extui %sign3A_721 : i1 to i32
      %sign3A_723 = arith.constant 0 : i32
      %sign3A_724 = arith.cmpi slt, %jit3A_711, %sign3A_723 : i32
      %sign3A_725 = arith.extui %sign3A_724 : i1 to i32
      %sign3A_726 = arith.subi %sign3A_722, %sign3A_725 : i32
      %ne3A_727 = arith.cmpi ne, %sign3A_719, %sign3A_726 : i32
      %rem3A_728 = arith.remsi %add3A_710, %jit3A_711 : i32
      %ne3A_729 = arith.constant 0 : i32
      %ne3A_730 = arith.cmpi ne, %rem3A_728, %ne3A_729 : i32
      %and3A_731 = arith.andi %ne3A_727, %ne3A_730 : i1
      %sub3A_732 = arith.constant 1 : i32
      %sub3A_733 = arith.subi %div3A_712, %sub3A_732 : i32
      %select_n3A_734 = arith.select %and3A_731, %sub3A_733, %div3A_712 : i32
      %jit3A_735 = arith.constant 8 : i32
      %eq3A_736 = arith.constant 0 : i32
      %eq3A_737 = arith.cmpi eq, %jit3A_735, %eq3A_736 : i32
      %jit3A_738 = arith.constant 1 : i32
      %select_n3A_739 = arith.select %eq3A_737, %jit3A_738, %jit3A_735 : i32
      %rem3A_740 = arith.remsi %add3A_710, %select_n3A_739 : i32
      %ne3A_741 = arith.constant 0 : i32
      %ne3A_742 = arith.cmpi ne, %rem3A_740, %ne3A_741 : i32
      %lt3A_743 = arith.constant 0 : i32
      %lt3A_744 = arith.cmpi slt, %rem3A_740, %lt3A_743 : i32
      %lt3A_745 = arith.constant 0 : i32
      %lt3A_746 = arith.cmpi slt, %select_n3A_739, %lt3A_745 : i32
      %ne3A_747 = arith.xori %lt3A_744, %lt3A_746 : i1
      %and3A_748 = arith.andi %ne3A_747, %ne3A_742 : i1
      %add3A_749 = arith.addi %rem3A_740, %select_n3A_739 : i32
      %select_n3A_750 = arith.select %and3A_748, %add3A_749, %rem3A_740 : i32
      %mul3A_751 = arith.constant 16 : i32
      %mul3A_752 = arith.muli %select_n3A_750, %mul3A_751 : i32
      %get3A_753 = arith.constant 0 : i32
      %get3A_754 = arith.index_cast %get3A_753 : i32 to index
      %get3A_755 = arith.index_cast %select_n3A_734 : i32 to index
      %get3A_756 = arith.index_cast %mul3A_752 : i32 to index
      %get3A_757 = tpu.vector_load %arg5[%get3A_754, %get3A_755, %get3A_756] {strides = array<i32>} : memref<2x128x128xf32, #tpu.memory_space<vmem>>, vector<16xf32>,
      %min3A_758 = arith.minimumf %scan3A_535, %get3A_757 : vector<16xf32>
      %max3A_759 = arith.maximumf %scan3A_543, %get3A_757 : vector<16xf32>
      %mul3A_760 = arith.constant 8 : i32
      %mul3A_761 = arith.muli %scan3A_531, %mul3A_760 : i32
      %add3A_762 = arith.constant 4 : i32
      %add3A_763 = arith.addi %mul3A_761, %add3A_762 : i32
      %jit3A_764 = arith.constant 8 : i32
      %div3A_765 = arith.divsi %add3A_763, %jit3A_764 : i32
      %sign3A_766 = arith.constant 0 : i32
      %sign3A_767 = arith.cmpi sgt, %add3A_763, %sign3A_766 : i32
      %sign3A_768 = arith.extui %sign3A_767 : i1 to i32
      %sign3A_769 = arith.constant 0 : i32
      %sign3A_770 = arith.cmpi slt, %add3A_763, %sign3A_769 : i32
      %sign3A_771 = arith.extui %sign3A_770 : i1 to i32
      %sign3A_772 = arith.subi %sign3A_768, %sign3A_771 : i32
      %sign3A_773 = arith.constant 0 : i32
      %sign3A_774 = arith.cmpi sgt, %jit3A_764, %sign3A_773 : i32
      %sign3A_775 = arith.extui %sign3A_774 : i1 to i32
      %sign3A_776 = arith.constant 0 : i32
      %sign3A_777 = arith.cmpi slt, %jit3A_764, %sign3A_776 : i32
      %sign3A_778 = arith.extui %sign3A_777 : i1 to i32
      %sign3A_779 = arith.subi %sign3A_775, %sign3A_778 : i32
      %ne3A_780 = arith.cmpi ne, %sign3A_772, %sign3A_779 : i32
      %rem3A_781 = arith.remsi %add3A_763, %jit3A_764 : i32
      %ne3A_782 = arith.constant 0 : i32
      %ne3A_783 = arith.cmpi ne, %rem3A_781, %ne3A_782 : i32
      %and3A_784 = arith.andi %ne3A_780, %ne3A_783 : i1
      %sub3A_785 = arith.constant 1 : i32
      %sub3A_786 = arith.subi %div3A_765, %sub3A_785 : i32
      %select_n3A_787 = arith.select %and3A_784, %sub3A_786, %div3A_765 : i32
      %jit3A_788 = arith.constant 8 : i32
      %eq3A_789 = arith.constant 0 : i32
      %eq3A_790 = arith.cmpi eq, %jit3A_788, %eq3A_789 : i32
      %jit3A_791 = arith.constant 1 : i32
      %select_n3A_792 = arith.select %eq3A_790, %jit3A_791, %jit3A_788 : i32
      %rem3A_793 = arith.remsi %add3A_763, %select_n3A_792 : i32
      %ne3A_794 = arith.constant 0 : i32
      %ne3A_795 = arith.cmpi ne, %rem3A_793, %ne3A_794 : i32
      %lt3A_796 = arith.constant 0 : i32
      %lt3A_797 = arith.cmpi slt, %rem3A_793, %lt3A_796 : i32
      %lt3A_798 = arith.constant 0 : i32
      %lt3A_799 = arith.cmpi slt, %select_n3A_792, %lt3A_798 : i32
      %ne3A_800 = arith.xori %lt3A_797, %lt3A_799 : i1
      %and3A_801 = arith.andi %ne3A_800, %ne3A_795 : i1
      %add3A_802 = arith.addi %rem3A_793, %select_n3A_792 : i32
      %select_n3A_803 = arith.select %and3A_801, %add3A_802, %rem3A_793 : i32
      %mul3A_804 = arith.constant 16 : i32
      %mul3A_805 = arith.muli %select_n3A_803, %mul3A_804 : i32
      %get3A_806 = arith.constant 0 : i32
      %get3A_807 = arith.index_cast %get3A_806 : i32 to index
      %get3A_808 = arith.index_cast %select_n3A_787 : i32 to index
      %get3A_809 = arith.index_cast %mul3A_805 : i32 to index
      %get3A_810 = tpu.vector_load %arg5[%get3A_807, %get3A_808, %get3A_809] {strides = array<i32>} : memref<2x128x128xf32, #tpu.memory_space<vmem>>, vector<16xf32>,
      %min3A_811 = arith.minimumf %scan3A_536, %get3A_810 : vector<16xf32>
      %max3A_812 = arith.maximumf %scan3A_544, %get3A_810 : vector<16xf32>
      %mul3A_813 = arith.constant 8 : i32
      %mul3A_814 = arith.muli %scan3A_531, %mul3A_813 : i32
      %add3A_815 = arith.constant 5 : i32
      %add3A_816 = arith.addi %mul3A_814, %add3A_815 : i32
      %jit3A_817 = arith.constant 8 : i32
      %div3A_818 = arith.divsi %add3A_816, %jit3A_817 : i32
      %sign3A_819 = arith.constant 0 : i32
      %sign3A_820 = arith.cmpi sgt, %add3A_816, %sign3A_819 : i32
      %sign3A_821 = arith.extui %sign3A_820 : i1 to i32
      %sign3A_822 = arith.constant 0 : i32
      %sign3A_823 = arith.cmpi slt, %add3A_816, %sign3A_822 : i32
      %sign3A_824 = arith.extui %sign3A_823 : i1 to i32
      %sign3A_825 = arith.subi %sign3A_821, %sign3A_824 : i32
      %sign3A_826 = arith.constant 0 : i32
      %sign3A_827 = arith.cmpi sgt, %jit3A_817, %sign3A_826 : i32
      %sign3A_828 = arith.extui %sign3A_827 : i1 to i32
      %sign3A_829 = arith.constant 0 : i32
      %sign3A_830 = arith.cmpi slt, %jit3A_817, %sign3A_829 : i32
      %sign3A_831 = arith.extui %sign3A_830 : i1 to i32
      %sign3A_832 = arith.subi %sign3A_828, %sign3A_831 : i32
      %ne3A_833 = arith.cmpi ne, %sign3A_825, %sign3A_832 : i32
      %rem3A_834 = arith.remsi %add3A_816, %jit3A_817 : i32
      %ne3A_835 = arith.constant 0 : i32
      %ne3A_836 = arith.cmpi ne, %rem3A_834, %ne3A_835 : i32
      %and3A_837 = arith.andi %ne3A_833, %ne3A_836 : i1
      %sub3A_838 = arith.constant 1 : i32
      %sub3A_839 = arith.subi %div3A_818, %sub3A_838 : i32
      %select_n3A_840 = arith.select %and3A_837, %sub3A_839, %div3A_818 : i32
      %jit3A_841 = arith.constant 8 : i32
      %eq3A_842 = arith.constant 0 : i32
      %eq3A_843 = arith.cmpi eq, %jit3A_841, %eq3A_842 : i32
      %jit3A_844 = arith.constant 1 : i32
      %select_n3A_845 = arith.select %eq3A_843, %jit3A_844, %jit3A_841 : i32
      %rem3A_846 = arith.remsi %add3A_816, %select_n3A_845 : i32
      %ne3A_847 = arith.constant 0 : i32
      %ne3A_848 = arith.cmpi ne, %rem3A_846, %ne3A_847 : i32
      %lt3A_849 = arith.constant 0 : i32
      %lt3A_850 = arith.cmpi slt, %rem3A_846, %lt3A_849 : i32
      %lt3A_851 = arith.constant 0 : i32
      %lt3A_852 = arith.cmpi slt, %select_n3A_845, %lt3A_851 : i32
      %ne3A_853 = arith.xori %lt3A_850, %lt3A_852 : i1
      %and3A_854 = arith.andi %ne3A_853, %ne3A_848 : i1
      %add3A_855 = arith.addi %rem3A_846, %select_n3A_845 : i32
      %select_n3A_856 = arith.select %and3A_854, %add3A_855, %rem3A_846 : i32
      %mul3A_857 = arith.constant 16 : i32
      %mul3A_858 = arith.muli %select_n3A_856, %mul3A_857 : i32
      %get3A_859 = arith.constant 0 : i32
      %get3A_860 = arith.index_cast %get3A_859 : i32 to index
      %get3A_861 = arith.index_cast %select_n3A_840 : i32 to index
      %get3A_862 = arith.index_cast %mul3A_858 : i32 to index
      %get3A_863 = tpu.vector_load %arg5[%get3A_860, %get3A_861, %get3A_862] {strides = array<i32>} : memref<2x128x128xf32, #tpu.memory_space<vmem>>, vector<16xf32>,
      %min3A_864 = arith.minimumf %scan3A_537, %get3A_863 : vector<16xf32>
      %max3A_865 = arith.maximumf %scan3A_545, %get3A_863 : vector<16xf32>
      %mul3A_866 = arith.constant 8 : i32
      %mul3A_867 = arith.muli %scan3A_531, %mul3A_866 : i32
      %add3A_868 = arith.constant 6 : i32
      %add3A_869 = arith.addi %mul3A_867, %add3A_868 : i32
      %jit3A_870 = arith.constant 8 : i32
      %div3A_871 = arith.divsi %add3A_869, %jit3A_870 : i32
      %sign3A_872 = arith.constant 0 : i32
      %sign3A_873 = arith.cmpi sgt, %add3A_869, %sign3A_872 : i32
      %sign3A_874 = arith.extui %sign3A_873 : i1 to i32
      %sign3A_875 = arith.constant 0 : i32
      %sign3A_876 = arith.cmpi slt, %add3A_869, %sign3A_875 : i32
      %sign3A_877 = arith.extui %sign3A_876 : i1 to i32
      %sign3A_878 = arith.subi %sign3A_874, %sign3A_877 : i32
      %sign3A_879 = arith.constant 0 : i32
      %sign3A_880 = arith.cmpi sgt, %jit3A_870, %sign3A_879 : i32
      %sign3A_881 = arith.extui %sign3A_880 : i1 to i32
      %sign3A_882 = arith.constant 0 : i32
      %sign3A_883 = arith.cmpi slt, %jit3A_870, %sign3A_882 : i32
      %sign3A_884 = arith.extui %sign3A_883 : i1 to i32
      %sign3A_885 = arith.subi %sign3A_881, %sign3A_884 : i32
      %ne3A_886 = arith.cmpi ne, %sign3A_878, %sign3A_885 : i32
      %rem3A_887 = arith.remsi %add3A_869, %jit3A_870 : i32
      %ne3A_888 = arith.constant 0 : i32
      %ne3A_889 = arith.cmpi ne, %rem3A_887, %ne3A_888 : i32
      %and3A_890 = arith.andi %ne3A_886, %ne3A_889 : i1
      %sub3A_891 = arith.constant 1 : i32
      %sub3A_892 = arith.subi %div3A_871, %sub3A_891 : i32
      %select_n3A_893 = arith.select %and3A_890, %sub3A_892, %div3A_871 : i32
      %jit3A_894 = arith.constant 8 : i32
      %eq3A_895 = arith.constant 0 : i32
      %eq3A_896 = arith.cmpi eq, %jit3A_894, %eq3A_895 : i32
      %jit3A_897 = arith.constant 1 : i32
      %select_n3A_898 = arith.select %eq3A_896, %jit3A_897, %jit3A_894 : i32
      %rem3A_899 = arith.remsi %add3A_869, %select_n3A_898 : i32
      %ne3A_900 = arith.constant 0 : i32
      %ne3A_901 = arith.cmpi ne, %rem3A_899, %ne3A_900 : i32
      %lt3A_902 = arith.constant 0 : i32
      %lt3A_903 = arith.cmpi slt, %rem3A_899, %lt3A_902 : i32
      %lt3A_904 = arith.constant 0 : i32
      %lt3A_905 = arith.cmpi slt, %select_n3A_898, %lt3A_904 : i32
      %ne3A_906 = arith.xori %lt3A_903, %lt3A_905 : i1
      %and3A_907 = arith.andi %ne3A_906, %ne3A_901 : i1
      %add3A_908 = arith.addi %rem3A_899, %select_n3A_898 : i32
      %select_n3A_909 = arith.select %and3A_907, %add3A_908, %rem3A_899 : i32
      %mul3A_910 = arith.constant 16 : i32
      %mul3A_911 = arith.muli %select_n3A_909, %mul3A_910 : i32
      %get3A_912 = arith.constant 0 : i32
      %get3A_913 = arith.index_cast %get3A_912 : i32 to index
      %get3A_914 = arith.index_cast %select_n3A_893 : i32 to index
      %get3A_915 = arith.index_cast %mul3A_911 : i32 to index
      %get3A_916 = tpu.vector_load %arg5[%get3A_913, %get3A_914, %get3A_915] {strides = array<i32>} : memref<2x128x128xf32, #tpu.memory_space<vmem>>, vector<16xf32>,
      %min3A_917 = arith.minimumf %scan3A_538, %get3A_916 : vector<16xf32>
      %max3A_918 = arith.maximumf %scan3A_546, %get3A_916 : vector<16xf32>
      %mul3A_919 = arith.constant 8 : i32
      %mul3A_920 = arith.muli %scan3A_531, %mul3A_919 : i32
      %add3A_921 = arith.constant 7 : i32
      %add3A_922 = arith.addi %mul3A_920, %add3A_921 : i32
      %jit3A_923 = arith.constant 8 : i32
      %div3A_924 = arith.divsi %add3A_922, %jit3A_923 : i32
      %sign3A_925 = arith.constant 0 : i32
      %sign3A_926 = arith.cmpi sgt, %add3A_922, %sign3A_925 : i32
      %sign3A_927 = arith.extui %sign3A_926 : i1 to i32
      %sign3A_928 = arith.constant 0 : i32
      %sign3A_929 = arith.cmpi slt, %add3A_922, %sign3A_928 : i32
      %sign3A_930 = arith.extui %sign3A_929 : i1 to i32
      %sign3A_931 = arith.subi %sign3A_927, %sign3A_930 : i32
      %sign3A_932 = arith.constant 0 : i32
      %sign3A_933 = arith.cmpi sgt, %jit3A_923, %sign3A_932 : i32
      %sign3A_934 = arith.extui %sign3A_933 : i1 to i32
      %sign3A_935 = arith.constant 0 : i32
      %sign3A_936 = arith.cmpi slt, %jit3A_923, %sign3A_935 : i32
      %sign3A_937 = arith.extui %sign3A_936 : i1 to i32
      %sign3A_938 = arith.subi %sign3A_934, %sign3A_937 : i32
      %ne3A_939 = arith.cmpi ne, %sign3A_931, %sign3A_938 : i32
      %rem3A_940 = arith.remsi %add3A_922, %jit3A_923 : i32
      %ne3A_941 = arith.constant 0 : i32
      %ne3A_942 = arith.cmpi ne, %rem3A_940, %ne3A_941 : i32
      %and3A_943 = arith.andi %ne3A_939, %ne3A_942 : i1
      %sub3A_944 = arith.constant 1 : i32
      %sub3A_945 = arith.subi %div3A_924, %sub3A_944 : i32
      %select_n3A_946 = arith.select %and3A_943, %sub3A_945, %div3A_924 : i32
      %jit3A_947 = arith.constant 8 : i32
      %eq3A_948 = arith.constant 0 : i32
      %eq3A_949 = arith.cmpi eq, %jit3A_947, %eq3A_948 : i32
      %jit3A_950 = arith.constant 1 : i32
      %select_n3A_951 = arith.select %eq3A_949, %jit3A_950, %jit3A_947 : i32
      %rem3A_952 = arith.remsi %add3A_922, %select_n3A_951 : i32
      %ne3A_953 = arith.constant 0 : i32
      %ne3A_954 = arith.cmpi ne, %rem3A_952, %ne3A_953 : i32
      %lt3A_955 = arith.constant 0 : i32
      %lt3A_956 = arith.cmpi slt, %rem3A_952, %lt3A_955 : i32
      %lt3A_957 = arith.constant 0 : i32
      %lt3A_958 = arith.cmpi slt, %select_n3A_951, %lt3A_957 : i32
      %ne3A_959 = arith.xori %lt3A_956, %lt3A_958 : i1
      %and3A_960 = arith.andi %ne3A_959, %ne3A_954 : i1
      %add3A_961 = arith.addi %rem3A_952, %select_n3A_951 : i32
      %select_n3A_962 = arith.select %and3A_960, %add3A_961, %rem3A_952 : i32
      %mul3A_963 = arith.constant 16 : i32
      %mul3A_964 = arith.muli %select_n3A_962, %mul3A_963 : i32
      %get3A_965 = arith.constant 0 : i32
      %get3A_966 = arith.index_cast %get3A_965 : i32 to index
      %get3A_967 = arith.index_cast %select_n3A_946 : i32 to index
      %get3A_968 = arith.index_cast %mul3A_964 : i32 to index
      %get3A_969 = tpu.vector_load %arg5[%get3A_966, %get3A_967, %get3A_968] {strides = array<i32>} : memref<2x128x128xf32, #tpu.memory_space<vmem>>, vector<16xf32>,
      %min3A_970 = arith.minimumf %scan3A_539, %get3A_969 : vector<16xf32>
      %max3A_971 = arith.maximumf %scan3A_547, %get3A_969 : vector<16xf32>
      scf.yield %min3A_599, %min3A_652, %min3A_705, %min3A_758, %min3A_811, %min3A_864, %min3A_917, %min3A_970, %max3A_600, %max3A_653, %max3A_706, %max3A_759, %max3A_812, %max3A_865, %max3A_918, %max3A_971 : vector<16xf32>, vector<16xf32>, vector<16xf32>, vector<16xf32>, vector<16xf32>, vector<16xf32>, vector<16xf32>, vector<16xf32>, vector<16xf32>, vector<16xf32>, vector<16xf32>, vector<16xf32>, vector<16xf32>, vector<16xf32>, vector<16xf32>, vector<16xf32>
    }
    %scan3A_222 = arith.constant 127 : i32
    %min3A = arith.minimumf %scan3A_221#0, %scan3A_221#1 : vector<16xf32>
    %max3A = arith.maximumf %scan3A_221#8, %scan3A_221#9 : vector<16xf32>
    %min3A_223 = arith.minimumf %min3A, %scan3A_221#2 : vector<16xf32>
    %max3A_224 = arith.maximumf %max3A, %scan3A_221#10 : vector<16xf32>
    %min3A_225 = arith.minimumf %min3A_223, %scan3A_221#3 : vector<16xf32>
    %max3A_226 = arith.maximumf %max3A_224, %scan3A_221#11 : vector<16xf32>
    %min3A_227 = arith.minimumf %min3A_225, %scan3A_221#4 : vector<16xf32>
    %max3A_228 = arith.maximumf %max3A_226, %scan3A_221#12 : vector<16xf32>
    %min3A_229 = arith.minimumf %min3A_227, %scan3A_221#5 : vector<16xf32>
    %max3A_230 = arith.maximumf %max3A_228, %scan3A_221#13 : vector<16xf32>
    %min3A_231 = arith.minimumf %min3A_229, %scan3A_221#6 : vector<16xf32>
    %max3A_232 = arith.maximumf %max3A_230, %scan3A_221#14 : vector<16xf32>
    %min3A_233 = arith.minimumf %min3A_231, %scan3A_221#7 : vector<16xf32>
    %max3A_234 = arith.maximumf %max3A_232, %scan3A_221#15 : vector<16xf32>
    %reduce_min3A = arith.constant true
    %reduce_min3A_235 = vector.broadcast %reduce_min3A : i1 to vector<16xi1>
    %reduce_min3A_236 = tpu.scan <min>, %min3A_233 masked %reduce_min3A_235 : vector<16xf32>, vector<16xi1> -> vector<16xf32>
    %reduce_min3A_237 = vector.extract %reduce_min3A_236[15] : f32 from vector<16xf32>
    %reduce_max3A = arith.constant true
    %reduce_max3A_238 = vector.broadcast %reduce_max3A : i1 to vector<16xi1>
    %reduce_max3A_239 = tpu.scan <max>, %max3A_234 masked %reduce_max3A_238 : vector<16xf32>, vector<16xi1> -> vector<16xf32>
    %reduce_max3A_240 = vector.extract %reduce_max3A_239[15] : f32 from vector<16xf32>
    %sub3A_241 = arith.subf %reduce_max3A_240, %reduce_min3A_237 : f32
    %abs3A = math.absf %sub3A_241 : f32
    %lt3A_242 = arith.constant 1.000000e-10 : f32
    %lt3A_243 = arith.cmpf olt, %abs3A, %lt3A_242 : f32
    %add3A_244 = arith.constant 9.99999974E-6 : f32
    %add3A_245 = arith.addf %reduce_max3A_240, %add3A_244 : f32
    %select_n3A_246 = arith.select %lt3A_243, %add3A_245, %reduce_max3A_240 : f32
    %sub3A_247 = arith.constant 9.99999974E-6 : f32
    %sub3A_248 = arith.subf %reduce_min3A_237, %sub3A_247 : f32
    %select_n3A_249 = arith.select %lt3A_243, %sub3A_248, %reduce_min3A_237 : f32
    %sub3A_250 = arith.subf %select_n3A_246, %select_n3A_249 : f32
    %mul3A_251 = arith.constant 1.562500e-02 : f32
    %mul3A_252 = arith.mulf %sub3A_250, %mul3A_251 : f32
    %broadcast_in_dim3A_253 = vector.broadcast %select_n3A_249 : f32 to vector<16xf32>
    %broadcast_in_dim3A_254 = vector.broadcast %mul3A_252 : f32 to vector<16xf32>
    %div3A_255 = arith.constant 1.000000e+00 : f32
    %div3A_256 = vector.broadcast %div3A_255 : f32 to vector<16xf32>
    %div3A_257 = arith.divf %div3A_256, %broadcast_in_dim3A_254 : vector<16xf32>
    %mul3A_258 = arith.constant 5.000000e-01 : f32
    %mul3A_259 = vector.broadcast %mul3A_258 : f32 to vector<16xf32>
    %mul3A_260 = arith.mulf %broadcast_in_dim3A_254, %mul3A_259 : vector<16xf32>
    %dma_wait3A_261 = arith.constant 1 : i32
    %dma_wait3A_262 = arith.constant 0 : i32
    %dma_wait3A_263 = arith.constant 0 : i32
    %dma_wait3A_264 = tpu.memref_slice %arg5[%dma_wait3A_261, %dma_wait3A_262, %dma_wait3A_263] : memref<2x128x128xf32, #tpu.memory_space<vmem>> -> memref<1x128x128xf32, #tpu.memory_space<vmem>>
    %dma_wait3A_265 = tpu.memref_squeeze %dma_wait3A_264 : memref<1x128x128xf32, #tpu.memory_space<vmem>> -> memref<128x128xf32, #tpu.memory_space<vmem>>
    %dma_wait3A_266 = arith.constant 0 : i32
    %dma_wait3A_267 = arith.constant 0 : i32
    %dma_wait3A_268 = tpu.memref_slice %arg2[%select_n3A_62, %dma_wait3A_266, %select_n3A_82, %dma_wait3A_267] : memref<16x128x4x128xf32, #tpu.memory_space<hbm>> -> memref<1x128x1x128xf32, #tpu.memory_space<hbm>>
    %dma_wait3A_269 = tpu.memref_squeeze %dma_wait3A_268 : memref<1x128x1x128xf32, #tpu.memory_space<hbm>> -> memref<128x128xf32, #tpu.memory_space<hbm>>
    %dma_wait3A_270 = arith.constant 0 : i32
    %dma_wait3A_271 = arith.constant 0 : i32
    %dma_wait3A_272 = tpu.memref_slice %arg5[%dma_wait3A_261, %dma_wait3A_270, %dma_wait3A_271] : memref<2x128x128xf32, #tpu.memory_space<vmem>> -> memref<1x128x128xf32, #tpu.memory_space<vmem>>
    %dma_wait3A_273 = tpu.memref_squeeze %dma_wait3A_272 : memref<1x128x128xf32, #tpu.memory_space<vmem>> -> memref<128x128xf32, #tpu.memory_space<vmem>>
    %dma_wait3A_274 = arith.constant 0 : i32
    %dma_wait3A_275 = arith.constant 0 : i32
    %dma_wait3A_276 = tpu.memref_slice %arg2[%select_n3A_62, %dma_wait3A_274, %select_n3A_82, %dma_wait3A_275] : memref<16x128x4x128xf32, #tpu.memory_space<hbm>> -> memref<1x128x1x128xf32, #tpu.memory_space<hbm>>
    %dma_wait3A_277 = tpu.memref_squeeze %dma_wait3A_276 : memref<1x128x1x128xf32, #tpu.memory_space<hbm>> -> memref<128x128xf32, #tpu.memory_space<hbm>>
    tpu.wait_dma2 semaphore(%arg12 : memref<!tpu.dma_semaphore, #tpu.memory_space<semaphore_mem>>) src(%dma_wait3A_277 : memref<128x128xf32, #tpu.memory_space<hbm>>) dst(%dma_wait3A_273 : memref<128x128xf32, #tpu.memory_space<vmem>>)
    %get3A_278 = arith.constant 1 : i32
    %get3A_279 = arith.constant 0 : i32
    %get3A_280 = arith.index_cast %get3A_278 : i32 to index
    %get3A_281 = arith.index_cast %get3A_279 : i32 to index
    %get3A_282 = arith.constant 0 : index
    %get3A_283 = tpu.vector_load %arg5[%get3A_280, %get3A_281, %get3A_282] {strides = array<i32>} : memref<2x128x128xf32, #tpu.memory_space<vmem>>, vector<16xf32>,
    %get3A_284 = arith.constant 1 : i32
    %get3A_285 = arith.constant 0 : i32
    %get3A_286 = arith.index_cast %get3A_284 : i32 to index
    %get3A_287 = arith.index_cast %get3A_285 : i32 to index
    %get3A_288 = arith.constant 16 : index
    %get3A_289 = tpu.vector_load %arg5[%get3A_286, %get3A_287, %get3A_288] {strides = array<i32>} : memref<2x128x128xf32, #tpu.memory_space<vmem>>, vector<16xf32>,
    %get3A_290 = arith.constant 1 : i32
    %get3A_291 = arith.constant 0 : i32
    %get3A_292 = arith.index_cast %get3A_290 : i32 to index
    %get3A_293 = arith.index_cast %get3A_291 : i32 to index
    %get3A_294 = arith.constant 32 : index
    %get3A_295 = tpu.vector_load %arg5[%get3A_292, %get3A_293, %get3A_294] {strides = array<i32>} : memref<2x128x128xf32, #tpu.memory_space<vmem>>, vector<16xf32>,
    %get3A_296 = arith.constant 1 : i32
    %get3A_297 = arith.constant 0 : i32
    %get3A_298 = arith.index_cast %get3A_296 : i32 to index
    %get3A_299 = arith.index_cast %get3A_297 : i32 to index
    %get3A_300 = arith.constant 48 : index
    %get3A_301 = tpu.vector_load %arg5[%get3A_298, %get3A_299, %get3A_300] {strides = array<i32>} : memref<2x128x128xf32, #tpu.memory_space<vmem>>, vector<16xf32>,
    %get3A_302 = arith.constant 1 : i32
    %get3A_303 = arith.constant 0 : i32
    %get3A_304 = arith.index_cast %get3A_302 : i32 to index
    %get3A_305 = arith.index_cast %get3A_303 : i32 to index
    %get3A_306 = arith.constant 64 : index
    %get3A_307 = tpu.vector_load %arg5[%get3A_304, %get3A_305, %get3A_306] {strides = array<i32>} : memref<2x128x128xf32, #tpu.memory_space<vmem>>, vector<16xf32>,
    %get3A_308 = arith.constant 1 : i32
    %get3A_309 = arith.constant 0 : i32
    %get3A_310 = arith.index_cast %get3A_308 : i32 to index
    %get3A_311 = arith.index_cast %get3A_309 : i32 to index
    %get3A_312 = arith.constant 80 : index
    %get3A_313 = tpu.vector_load %arg5[%get3A_310, %get3A_311, %get3A_312] {strides = array<i32>} : memref<2x128x128xf32, #tpu.memory_space<vmem>>, vector<16xf32>,
    %get3A_314 = arith.constant 1 : i32
    %get3A_315 = arith.constant 0 : i32
    %get3A_316 = arith.index_cast %get3A_314 : i32 to index
    %get3A_317 = arith.index_cast %get3A_315 : i32 to index
    %get3A_318 = arith.constant 96 : index
    %get3A_319 = tpu.vector_load %arg5[%get3A_316, %get3A_317, %get3A_318] {strides = array<i32>} : memref<2x128x128xf32, #tpu.memory_space<vmem>>, vector<16xf32>,
    %get3A_320 = arith.constant 1 : i32
    %get3A_321 = arith.constant 0 : i32
    %get3A_322 = arith.index_cast %get3A_320 : i32 to index
    %get3A_323 = arith.index_cast %get3A_321 : i32 to index
    %get3A_324 = arith.constant 112 : index
    %get3A_325 = tpu.vector_load %arg5[%get3A_322, %get3A_323, %get3A_324] {strides = array<i32>} : memref<2x128x128xf32, #tpu.memory_space<vmem>>, vector<16xf32>,
    %scan3A_326 = arith.constant 1 : i32
    %scan3A_327 = arith.constant 127 : i32
    %scan3A_328 = arith.addi %scan3A_326, %scan3A_327 : i32
    %scan3A_329 = arith.constant 1 : i32
    %scan3A_330:16 = scf.for %scan3A_531 = %scan3A_326 to %scan3A_328 step %scan3A_329 iter_args(%scan3A_532 = %get3A_283, %scan3A_533 = %get3A_289, %scan3A_534 = %get3A_295, %scan3A_535 = %get3A_301, %scan3A_536 = %get3A_307, %scan3A_537 = %get3A_313, %scan3A_538 = %get3A_319, %scan3A_539 = %get3A_325, %scan3A_540 = %get3A_283, %scan3A_541 = %get3A_289, %scan3A_542 = %get3A_295, %scan3A_543 = %get3A_301, %scan3A_544 = %get3A_307, %scan3A_545 = %get3A_313, %scan3A_546 = %get3A_319, %scan3A_547 = %get3A_325) -> (vector<16xf32>, vector<16xf32>, vector<16xf32>, vector<16xf32>, vector<16xf32>, vector<16xf32>, vector<16xf32>, vector<16xf32>, vector<16xf32>, vector<16xf32>, vector<16xf32>, vector<16xf32>, vector<16xf32>, vector<16xf32>, vector<16xf32>, vector<16xf32>)  : i32 {
      %mul3A_548 = arith.constant 8 : i32
      %mul3A_549 = arith.muli %scan3A_531, %mul3A_548 : i32
      %add3A_550 = arith.constant 0 : i32
      %add3A_551 = arith.addi %mul3A_549, %add3A_550 : i32
      %jit3A_552 = arith.constant 8 : i32
      %div3A_553 = arith.divsi %add3A_551, %jit3A_552 : i32
      %sign3A_554 = arith.constant 0 : i32
      %sign3A_555 = arith.cmpi sgt, %add3A_551, %sign3A_554 : i32
      %sign3A_556 = arith.extui %sign3A_555 : i1 to i32
      %sign3A_557 = arith.constant 0 : i32
      %sign3A_558 = arith.cmpi slt, %add3A_551, %sign3A_557 : i32
      %sign3A_559 = arith.extui %sign3A_558 : i1 to i32
      %sign3A_560 = arith.subi %sign3A_556, %sign3A_559 : i32
      %sign3A_561 = arith.constant 0 : i32
      %sign3A_562 = arith.cmpi sgt, %jit3A_552, %sign3A_561 : i32
      %sign3A_563 = arith.extui %sign3A_562 : i1 to i32
      %sign3A_564 = arith.constant 0 : i32
      %sign3A_565 = arith.cmpi slt, %jit3A_552, %sign3A_564 : i32
      %sign3A_566 = arith.extui %sign3A_565 : i1 to i32
      %sign3A_567 = arith.subi %sign3A_563, %sign3A_566 : i32
      %ne3A_568 = arith.cmpi ne, %sign3A_560, %sign3A_567 : i32
      %rem3A_569 = arith.remsi %add3A_551, %jit3A_552 : i32
      %ne3A_570 = arith.constant 0 : i32
      %ne3A_571 = arith.cmpi ne, %rem3A_569, %ne3A_570 : i32
      %and3A_572 = arith.andi %ne3A_568, %ne3A_571 : i1
      %sub3A_573 = arith.constant 1 : i32
      %sub3A_574 = arith.subi %div3A_553, %sub3A_573 : i32
      %select_n3A_575 = arith.select %and3A_572, %sub3A_574, %div3A_553 : i32
      %jit3A_576 = arith.constant 8 : i32
      %eq3A_577 = arith.constant 0 : i32
      %eq3A_578 = arith.cmpi eq, %jit3A_576, %eq3A_577 : i32
      %jit3A_579 = arith.constant 1 : i32
      %select_n3A_580 = arith.select %eq3A_578, %jit3A_579, %jit3A_576 : i32
      %rem3A_581 = arith.remsi %add3A_551, %select_n3A_580 : i32
      %ne3A_582 = arith.constant 0 : i32
      %ne3A_583 = arith.cmpi ne, %rem3A_581, %ne3A_582 : i32
      %lt3A_584 = arith.constant 0 : i32
      %lt3A_585 = arith.cmpi slt, %rem3A_581, %lt3A_584 : i32
      %lt3A_586 = arith.constant 0 : i32
      %lt3A_587 = arith.cmpi slt, %select_n3A_580, %lt3A_586 : i32
      %ne3A_588 = arith.xori %lt3A_585, %lt3A_587 : i1
      %and3A_589 = arith.andi %ne3A_588, %ne3A_583 : i1
      %add3A_590 = arith.addi %rem3A_581, %select_n3A_580 : i32
      %select_n3A_591 = arith.select %and3A_589, %add3A_590, %rem3A_581 : i32
      %mul3A_592 = arith.constant 16 : i32
      %mul3A_593 = arith.muli %select_n3A_591, %mul3A_592 : i32
      %get3A_594 = arith.constant 1 : i32
      %get3A_595 = arith.index_cast %get3A_594 : i32 to index
      %get3A_596 = arith.index_cast %select_n3A_575 : i32 to index
      %get3A_597 = arith.index_cast %mul3A_593 : i32 to index
      %get3A_598 = tpu.vector_load %arg5[%get3A_595, %get3A_596, %get3A_597] {strides = array<i32>} : memref<2x128x128xf32, #tpu.memory_space<vmem>>, vector<16xf32>,
      %min3A_599 = arith.minimumf %scan3A_532, %get3A_598 : vector<16xf32>
      %max3A_600 = arith.maximumf %scan3A_540, %get3A_598 : vector<16xf32>
      %mul3A_601 = arith.constant 8 : i32
      %mul3A_602 = arith.muli %scan3A_531, %mul3A_601 : i32
      %add3A_603 = arith.constant 1 : i32
      %add3A_604 = arith.addi %mul3A_602, %add3A_603 : i32
      %jit3A_605 = arith.constant 8 : i32
      %div3A_606 = arith.divsi %add3A_604, %jit3A_605 : i32
      %sign3A_607 = arith.constant 0 : i32
      %sign3A_608 = arith.cmpi sgt, %add3A_604, %sign3A_607 : i32
      %sign3A_609 = arith.extui %sign3A_608 : i1 to i32
      %sign3A_610 = arith.constant 0 : i32
      %sign3A_611 = arith.cmpi slt, %add3A_604, %sign3A_610 : i32
      %sign3A_612 = arith.extui %sign3A_611 : i1 to i32
      %sign3A_613 = arith.subi %sign3A_609, %sign3A_612 : i32
      %sign3A_614 = arith.constant 0 : i32
      %sign3A_615 = arith.cmpi sgt, %jit3A_605, %sign3A_614 : i32
      %sign3A_616 = arith.extui %sign3A_615 : i1 to i32
      %sign3A_617 = arith.constant 0 : i32
      %sign3A_618 = arith.cmpi slt, %jit3A_605, %sign3A_617 : i32
      %sign3A_619 = arith.extui %sign3A_618 : i1 to i32
      %sign3A_620 = arith.subi %sign3A_616, %sign3A_619 : i32
      %ne3A_621 = arith.cmpi ne, %sign3A_613, %sign3A_620 : i32
      %rem3A_622 = arith.remsi %add3A_604, %jit3A_605 : i32
      %ne3A_623 = arith.constant 0 : i32
      %ne3A_624 = arith.cmpi ne, %rem3A_622, %ne3A_623 : i32
      %and3A_625 = arith.andi %ne3A_621, %ne3A_624 : i1
      %sub3A_626 = arith.constant 1 : i32
      %sub3A_627 = arith.subi %div3A_606, %sub3A_626 : i32
      %select_n3A_628 = arith.select %and3A_625, %sub3A_627, %div3A_606 : i32
      %jit3A_629 = arith.constant 8 : i32
      %eq3A_630 = arith.constant 0 : i32
      %eq3A_631 = arith.cmpi eq, %jit3A_629, %eq3A_630 : i32
      %jit3A_632 = arith.constant 1 : i32
      %select_n3A_633 = arith.select %eq3A_631, %jit3A_632, %jit3A_629 : i32
      %rem3A_634 = arith.remsi %add3A_604, %select_n3A_633 : i32
      %ne3A_635 = arith.constant 0 : i32
      %ne3A_636 = arith.cmpi ne, %rem3A_634, %ne3A_635 : i32
      %lt3A_637 = arith.constant 0 : i32
      %lt3A_638 = arith.cmpi slt, %rem3A_634, %lt3A_637 : i32
      %lt3A_639 = arith.constant 0 : i32
      %lt3A_640 = arith.cmpi slt, %select_n3A_633, %lt3A_639 : i32
      %ne3A_641 = arith.xori %lt3A_638, %lt3A_640 : i1
      %and3A_642 = arith.andi %ne3A_641, %ne3A_636 : i1
      %add3A_643 = arith.addi %rem3A_634, %select_n3A_633 : i32
      %select_n3A_644 = arith.select %and3A_642, %add3A_643, %rem3A_634 : i32
      %mul3A_645 = arith.constant 16 : i32
      %mul3A_646 = arith.muli %select_n3A_644, %mul3A_645 : i32
      %get3A_647 = arith.constant 1 : i32
      %get3A_648 = arith.index_cast %get3A_647 : i32 to index
      %get3A_649 = arith.index_cast %select_n3A_628 : i32 to index
      %get3A_650 = arith.index_cast %mul3A_646 : i32 to index
      %get3A_651 = tpu.vector_load %arg5[%get3A_648, %get3A_649, %get3A_650] {strides = array<i32>} : memref<2x128x128xf32, #tpu.memory_space<vmem>>, vector<16xf32>,
      %min3A_652 = arith.minimumf %scan3A_533, %get3A_651 : vector<16xf32>
      %max3A_653 = arith.maximumf %scan3A_541, %get3A_651 : vector<16xf32>
      %mul3A_654 = arith.constant 8 : i32
      %mul3A_655 = arith.muli %scan3A_531, %mul3A_654 : i32
      %add3A_656 = arith.constant 2 : i32
      %add3A_657 = arith.addi %mul3A_655, %add3A_656 : i32
      %jit3A_658 = arith.constant 8 : i32
      %div3A_659 = arith.divsi %add3A_657, %jit3A_658 : i32
      %sign3A_660 = arith.constant 0 : i32
      %sign3A_661 = arith.cmpi sgt, %add3A_657, %sign3A_660 : i32
      %sign3A_662 = arith.extui %sign3A_661 : i1 to i32
      %sign3A_663 = arith.constant 0 : i32
      %sign3A_664 = arith.cmpi slt, %add3A_657, %sign3A_663 : i32
      %sign3A_665 = arith.extui %sign3A_664 : i1 to i32
      %sign3A_666 = arith.subi %sign3A_662, %sign3A_665 : i32
      %sign3A_667 = arith.constant 0 : i32
      %sign3A_668 = arith.cmpi sgt, %jit3A_658, %sign3A_667 : i32
      %sign3A_669 = arith.extui %sign3A_668 : i1 to i32
      %sign3A_670 = arith.constant 0 : i32
      %sign3A_671 = arith.cmpi slt, %jit3A_658, %sign3A_670 : i32
      %sign3A_672 = arith.extui %sign3A_671 : i1 to i32
      %sign3A_673 = arith.subi %sign3A_669, %sign3A_672 : i32
      %ne3A_674 = arith.cmpi ne, %sign3A_666, %sign3A_673 : i32
      %rem3A_675 = arith.remsi %add3A_657, %jit3A_658 : i32
      %ne3A_676 = arith.constant 0 : i32
      %ne3A_677 = arith.cmpi ne, %rem3A_675, %ne3A_676 : i32
      %and3A_678 = arith.andi %ne3A_674, %ne3A_677 : i1
      %sub3A_679 = arith.constant 1 : i32
      %sub3A_680 = arith.subi %div3A_659, %sub3A_679 : i32
      %select_n3A_681 = arith.select %and3A_678, %sub3A_680, %div3A_659 : i32
      %jit3A_682 = arith.constant 8 : i32
      %eq3A_683 = arith.constant 0 : i32
      %eq3A_684 = arith.cmpi eq, %jit3A_682, %eq3A_683 : i32
      %jit3A_685 = arith.constant 1 : i32
      %select_n3A_686 = arith.select %eq3A_684, %jit3A_685, %jit3A_682 : i32
      %rem3A_687 = arith.remsi %add3A_657, %select_n3A_686 : i32
      %ne3A_688 = arith.constant 0 : i32
      %ne3A_689 = arith.cmpi ne, %rem3A_687, %ne3A_688 : i32
      %lt3A_690 = arith.constant 0 : i32
      %lt3A_691 = arith.cmpi slt, %rem3A_687, %lt3A_690 : i32
      %lt3A_692 = arith.constant 0 : i32
      %lt3A_693 = arith.cmpi slt, %select_n3A_686, %lt3A_692 : i32
      %ne3A_694 = arith.xori %lt3A_691, %lt3A_693 : i1
      %and3A_695 = arith.andi %ne3A_694, %ne3A_689 : i1
      %add3A_696 = arith.addi %rem3A_687, %select_n3A_686 : i32
      %select_n3A_697 = arith.select %and3A_695, %add3A_696, %rem3A_687 : i32
      %mul3A_698 = arith.constant 16 : i32
      %mul3A_699 = arith.muli %select_n3A_697, %mul3A_698 : i32
      %get3A_700 = arith.constant 1 : i32
      %get3A_701 = arith.index_cast %get3A_700 : i32 to index
      %get3A_702 = arith.index_cast %select_n3A_681 : i32 to index
      %get3A_703 = arith.index_cast %mul3A_699 : i32 to index
      %get3A_704 = tpu.vector_load %arg5[%get3A_701, %get3A_702, %get3A_703] {strides = array<i32>} : memref<2x128x128xf32, #tpu.memory_space<vmem>>, vector<16xf32>,
      %min3A_705 = arith.minimumf %scan3A_534, %get3A_704 : vector<16xf32>
      %max3A_706 = arith.maximumf %scan3A_542, %get3A_704 : vector<16xf32>
      %mul3A_707 = arith.constant 8 : i32
      %mul3A_708 = arith.muli %scan3A_531, %mul3A_707 : i32
      %add3A_709 = arith.constant 3 : i32
      %add3A_710 = arith.addi %mul3A_708, %add3A_709 : i32
      %jit3A_711 = arith.constant 8 : i32
      %div3A_712 = arith.divsi %add3A_710, %jit3A_711 : i32
      %sign3A_713 = arith.constant 0 : i32
      %sign3A_714 = arith.cmpi sgt, %add3A_710, %sign3A_713 : i32
      %sign3A_715 = arith.extui %sign3A_714 : i1 to i32
      %sign3A_716 = arith.constant 0 : i32
      %sign3A_717 = arith.cmpi slt, %add3A_710, %sign3A_716 : i32
      %sign3A_718 = arith.extui %sign3A_717 : i1 to i32
      %sign3A_719 = arith.subi %sign3A_715, %sign3A_718 : i32
      %sign3A_720 = arith.constant 0 : i32
      %sign3A_721 = arith.cmpi sgt, %jit3A_711, %sign3A_720 : i32
      %sign3A_722 = arith.extui %sign3A_721 : i1 to i32
      %sign3A_723 = arith.constant 0 : i32
      %sign3A_724 = arith.cmpi slt, %jit3A_711, %sign3A_723 : i32
      %sign3A_725 = arith.extui %sign3A_724 : i1 to i32
      %sign3A_726 = arith.subi %sign3A_722, %sign3A_725 : i32
      %ne3A_727 = arith.cmpi ne, %sign3A_719, %sign3A_726 : i32
      %rem3A_728 = arith.remsi %add3A_710, %jit3A_711 : i32
      %ne3A_729 = arith.constant 0 : i32
      %ne3A_730 = arith.cmpi ne, %rem3A_728, %ne3A_729 : i32
      %and3A_731 = arith.andi %ne3A_727, %ne3A_730 : i1
      %sub3A_732 = arith.constant 1 : i32
      %sub3A_733 = arith.subi %div3A_712, %sub3A_732 : i32
      %select_n3A_734 = arith.select %and3A_731, %sub3A_733, %div3A_712 : i32
      %jit3A_735 = arith.constant 8 : i32
      %eq3A_736 = arith.constant 0 : i32
      %eq3A_737 = arith.cmpi eq, %jit3A_735, %eq3A_736 : i32
      %jit3A_738 = arith.constant 1 : i32
      %select_n3A_739 = arith.select %eq3A_737, %jit3A_738, %jit3A_735 : i32
      %rem3A_740 = arith.remsi %add3A_710, %select_n3A_739 : i32
      %ne3A_741 = arith.constant 0 : i32
      %ne3A_742 = arith.cmpi ne, %rem3A_740, %ne3A_741 : i32
      %lt3A_743 = arith.constant 0 : i32
      %lt3A_744 = arith.cmpi slt, %rem3A_740, %lt3A_743 : i32
      %lt3A_745 = arith.constant 0 : i32
      %lt3A_746 = arith.cmpi slt, %select_n3A_739, %lt3A_745 : i32
      %ne3A_747 = arith.xori %lt3A_744, %lt3A_746 : i1
      %and3A_748 = arith.andi %ne3A_747, %ne3A_742 : i1
      %add3A_749 = arith.addi %rem3A_740, %select_n3A_739 : i32
      %select_n3A_750 = arith.select %and3A_748, %add3A_749, %rem3A_740 : i32
      %mul3A_751 = arith.constant 16 : i32
      %mul3A_752 = arith.muli %select_n3A_750, %mul3A_751 : i32
      %get3A_753 = arith.constant 1 : i32
      %get3A_754 = arith.index_cast %get3A_753 : i32 to index
      %get3A_755 = arith.index_cast %select_n3A_734 : i32 to index
      %get3A_756 = arith.index_cast %mul3A_752 : i32 to index
      %get3A_757 = tpu.vector_load %arg5[%get3A_754, %get3A_755, %get3A_756] {strides = array<i32>} : memref<2x128x128xf32, #tpu.memory_space<vmem>>, vector<16xf32>,
      %min3A_758 = arith.minimumf %scan3A_535, %get3A_757 : vector<16xf32>
      %max3A_759 = arith.maximumf %scan3A_543, %get3A_757 : vector<16xf32>
      %mul3A_760 = arith.constant 8 : i32
      %mul3A_761 = arith.muli %scan3A_531, %mul3A_760 : i32
      %add3A_762 = arith.constant 4 : i32
      %add3A_763 = arith.addi %mul3A_761, %add3A_762 : i32
      %jit3A_764 = arith.constant 8 : i32
      %div3A_765 = arith.divsi %add3A_763, %jit3A_764 : i32
      %sign3A_766 = arith.constant 0 : i32
      %sign3A_767 = arith.cmpi sgt, %add3A_763, %sign3A_766 : i32
      %sign3A_768 = arith.extui %sign3A_767 : i1 to i32
      %sign3A_769 = arith.constant 0 : i32
      %sign3A_770 = arith.cmpi slt, %add3A_763, %sign3A_769 : i32
      %sign3A_771 = arith.extui %sign3A_770 : i1 to i32
      %sign3A_772 = arith.subi %sign3A_768, %sign3A_771 : i32
      %sign3A_773 = arith.constant 0 : i32
      %sign3A_774 = arith.cmpi sgt, %jit3A_764, %sign3A_773 : i32
      %sign3A_775 = arith.extui %sign3A_774 : i1 to i32
      %sign3A_776 = arith.constant 0 : i32
      %sign3A_777 = arith.cmpi slt, %jit3A_764, %sign3A_776 : i32
      %sign3A_778 = arith.extui %sign3A_777 : i1 to i32
      %sign3A_779 = arith.subi %sign3A_775, %sign3A_778 : i32
      %ne3A_780 = arith.cmpi ne, %sign3A_772, %sign3A_779 : i32
      %rem3A_781 = arith.remsi %add3A_763, %jit3A_764 : i32
      %ne3A_782 = arith.constant 0 : i32
      %ne3A_783 = arith.cmpi ne, %rem3A_781, %ne3A_782 : i32
      %and3A_784 = arith.andi %ne3A_780, %ne3A_783 : i1
      %sub3A_785 = arith.constant 1 : i32
      %sub3A_786 = arith.subi %div3A_765, %sub3A_785 : i32
      %select_n3A_787 = arith.select %and3A_784, %sub3A_786, %div3A_765 : i32
      %jit3A_788 = arith.constant 8 : i32
      %eq3A_789 = arith.constant 0 : i32
      %eq3A_790 = arith.cmpi eq, %jit3A_788, %eq3A_789 : i32
      %jit3A_791 = arith.constant 1 : i32
      %select_n3A_792 = arith.select %eq3A_790, %jit3A_791, %jit3A_788 : i32
      %rem3A_793 = arith.remsi %add3A_763, %select_n3A_792 : i32
      %ne3A_794 = arith.constant 0 : i32
      %ne3A_795 = arith.cmpi ne, %rem3A_793, %ne3A_794 : i32
      %lt3A_796 = arith.constant 0 : i32
      %lt3A_797 = arith.cmpi slt, %rem3A_793, %lt3A_796 : i32
      %lt3A_798 = arith.constant 0 : i32
      %lt3A_799 = arith.cmpi slt, %select_n3A_792, %lt3A_798 : i32
      %ne3A_800 = arith.xori %lt3A_797, %lt3A_799 : i1
      %and3A_801 = arith.andi %ne3A_800, %ne3A_795 : i1
      %add3A_802 = arith.addi %rem3A_793, %select_n3A_792 : i32
      %select_n3A_803 = arith.select %and3A_801, %add3A_802, %rem3A_793 : i32
      %mul3A_804 = arith.constant 16 : i32
      %mul3A_805 = arith.muli %select_n3A_803, %mul3A_804 : i32
      %get3A_806 = arith.constant 1 : i32
      %get3A_807 = arith.index_cast %get3A_806 : i32 to index
      %get3A_808 = arith.index_cast %select_n3A_787 : i32 to index
      %get3A_809 = arith.index_cast %mul3A_805 : i32 to index
      %get3A_810 = tpu.vector_load %arg5[%get3A_807, %get3A_808, %get3A_809] {strides = array<i32>} : memref<2x128x128xf32, #tpu.memory_space<vmem>>, vector<16xf32>,
      %min3A_811 = arith.minimumf %scan3A_536, %get3A_810 : vector<16xf32>
      %max3A_812 = arith.maximumf %scan3A_544, %get3A_810 : vector<16xf32>
      %mul3A_813 = arith.constant 8 : i32
      %mul3A_814 = arith.muli %scan3A_531, %mul3A_813 : i32
      %add3A_815 = arith.constant 5 : i32
      %add3A_816 = arith.addi %mul3A_814, %add3A_815 : i32
      %jit3A_817 = arith.constant 8 : i32
      %div3A_818 = arith.divsi %add3A_816, %jit3A_817 : i32
      %sign3A_819 = arith.constant 0 : i32
      %sign3A_820 = arith.cmpi sgt, %add3A_816, %sign3A_819 : i32
      %sign3A_821 = arith.extui %sign3A_820 : i1 to i32
      %sign3A_822 = arith.constant 0 : i32
      %sign3A_823 = arith.cmpi slt, %add3A_816, %sign3A_822 : i32
      %sign3A_824 = arith.extui %sign3A_823 : i1 to i32
      %sign3A_825 = arith.subi %sign3A_821, %sign3A_824 : i32
      %sign3A_826 = arith.constant 0 : i32
      %sign3A_827 = arith.cmpi sgt, %jit3A_817, %sign3A_826 : i32
      %sign3A_828 = arith.extui %sign3A_827 : i1 to i32
      %sign3A_829 = arith.constant 0 : i32
      %sign3A_830 = arith.cmpi slt, %jit3A_817, %sign3A_829 : i32
      %sign3A_831 = arith.extui %sign3A_830 : i1 to i32
      %sign3A_832 = arith.subi %sign3A_828, %sign3A_831 : i32
      %ne3A_833 = arith.cmpi ne, %sign3A_825, %sign3A_832 : i32
      %rem3A_834 = arith.remsi %add3A_816, %jit3A_817 : i32
      %ne3A_835 = arith.constant 0 : i32
      %ne3A_836 = arith.cmpi ne, %rem3A_834, %ne3A_835 : i32
      %and3A_837 = arith.andi %ne3A_833, %ne3A_836 : i1
      %sub3A_838 = arith.constant 1 : i32
      %sub3A_839 = arith.subi %div3A_818, %sub3A_838 : i32
      %select_n3A_840 = arith.select %and3A_837, %sub3A_839, %div3A_818 : i32
      %jit3A_841 = arith.constant 8 : i32
      %eq3A_842 = arith.constant 0 : i32
      %eq3A_843 = arith.cmpi eq, %jit3A_841, %eq3A_842 : i32
      %jit3A_844 = arith.constant 1 : i32
      %select_n3A_845 = arith.select %eq3A_843, %jit3A_844, %jit3A_841 : i32
      %rem3A_846 = arith.remsi %add3A_816, %select_n3A_845 : i32
      %ne3A_847 = arith.constant 0 : i32
      %ne3A_848 = arith.cmpi ne, %rem3A_846, %ne3A_847 : i32
      %lt3A_849 = arith.constant 0 : i32
      %lt3A_850 = arith.cmpi slt, %rem3A_846, %lt3A_849 : i32
      %lt3A_851 = arith.constant 0 : i32
      %lt3A_852 = arith.cmpi slt, %select_n3A_845, %lt3A_851 : i32
      %ne3A_853 = arith.xori %lt3A_850, %lt3A_852 : i1
      %and3A_854 = arith.andi %ne3A_853, %ne3A_848 : i1
      %add3A_855 = arith.addi %rem3A_846, %select_n3A_845 : i32
      %select_n3A_856 = arith.select %and3A_854, %add3A_855, %rem3A_846 : i32
      %mul3A_857 = arith.constant 16 : i32
      %mul3A_858 = arith.muli %select_n3A_856, %mul3A_857 : i32
      %get3A_859 = arith.constant 1 : i32
      %get3A_860 = arith.index_cast %get3A_859 : i32 to index
      %get3A_861 = arith.index_cast %select_n3A_840 : i32 to index
      %get3A_862 = arith.index_cast %mul3A_858 : i32 to index
      %get3A_863 = tpu.vector_load %arg5[%get3A_860, %get3A_861, %get3A_862] {strides = array<i32>} : memref<2x128x128xf32, #tpu.memory_space<vmem>>, vector<16xf32>,
      %min3A_864 = arith.minimumf %scan3A_537, %get3A_863 : vector<16xf32>
      %max3A_865 = arith.maximumf %scan3A_545, %get3A_863 : vector<16xf32>
      %mul3A_866 = arith.constant 8 : i32
      %mul3A_867 = arith.muli %scan3A_531, %mul3A_866 : i32
      %add3A_868 = arith.constant 6 : i32
      %add3A_869 = arith.addi %mul3A_867, %add3A_868 : i32
      %jit3A_870 = arith.constant 8 : i32
      %div3A_871 = arith.divsi %add3A_869, %jit3A_870 : i32
      %sign3A_872 = arith.constant 0 : i32
      %sign3A_873 = arith.cmpi sgt, %add3A_869, %sign3A_872 : i32
      %sign3A_874 = arith.extui %sign3A_873 : i1 to i32
      %sign3A_875 = arith.constant 0 : i32
      %sign3A_876 = arith.cmpi slt, %add3A_869, %sign3A_875 : i32
      %sign3A_877 = arith.extui %sign3A_876 : i1 to i32
      %sign3A_878 = arith.subi %sign3A_874, %sign3A_877 : i32
      %sign3A_879 = arith.constant 0 : i32
      %sign3A_880 = arith.cmpi sgt, %jit3A_870, %sign3A_879 : i32
      %sign3A_881 = arith.extui %sign3A_880 : i1 to i32
      %sign3A_882 = arith.constant 0 : i32
      %sign3A_883 = arith.cmpi slt, %jit3A_870, %sign3A_882 : i32
      %sign3A_884 = arith.extui %sign3A_883 : i1 to i32
      %sign3A_885 = arith.subi %sign3A_881, %sign3A_884 : i32
      %ne3A_886 = arith.cmpi ne, %sign3A_878, %sign3A_885 : i32
      %rem3A_887 = arith.remsi %add3A_869, %jit3A_870 : i32
      %ne3A_888 = arith.constant 0 : i32
      %ne3A_889 = arith.cmpi ne, %rem3A_887, %ne3A_888 : i32
      %and3A_890 = arith.andi %ne3A_886, %ne3A_889 : i1
      %sub3A_891 = arith.constant 1 : i32
      %sub3A_892 = arith.subi %div3A_871, %sub3A_891 : i32
      %select_n3A_893 = arith.select %and3A_890, %sub3A_892, %div3A_871 : i32
      %jit3A_894 = arith.constant 8 : i32
      %eq3A_895 = arith.constant 0 : i32
      %eq3A_896 = arith.cmpi eq, %jit3A_894, %eq3A_895 : i32
      %jit3A_897 = arith.constant 1 : i32
      %select_n3A_898 = arith.select %eq3A_896, %jit3A_897, %jit3A_894 : i32
      %rem3A_899 = arith.remsi %add3A_869, %select_n3A_898 : i32
      %ne3A_900 = arith.constant 0 : i32
      %ne3A_901 = arith.cmpi ne, %rem3A_899, %ne3A_900 : i32
      %lt3A_902 = arith.constant 0 : i32
      %lt3A_903 = arith.cmpi slt, %rem3A_899, %lt3A_902 : i32
      %lt3A_904 = arith.constant 0 : i32
      %lt3A_905 = arith.cmpi slt, %select_n3A_898, %lt3A_904 : i32
      %ne3A_906 = arith.xori %lt3A_903, %lt3A_905 : i1
      %and3A_907 = arith.andi %ne3A_906, %ne3A_901 : i1
      %add3A_908 = arith.addi %rem3A_899, %select_n3A_898 : i32
      %select_n3A_909 = arith.select %and3A_907, %add3A_908, %rem3A_899 : i32
      %mul3A_910 = arith.constant 16 : i32
      %mul3A_911 = arith.muli %select_n3A_909, %mul3A_910 : i32
      %get3A_912 = arith.constant 1 : i32
      %get3A_913 = arith.index_cast %get3A_912 : i32 to index
      %get3A_914 = arith.index_cast %select_n3A_893 : i32 to index
      %get3A_915 = arith.index_cast %mul3A_911 : i32 to index
      %get3A_916 = tpu.vector_load %arg5[%get3A_913, %get3A_914, %get3A_915] {strides = array<i32>} : memref<2x128x128xf32, #tpu.memory_space<vmem>>, vector<16xf32>,
      %min3A_917 = arith.minimumf %scan3A_538, %get3A_916 : vector<16xf32>
      %max3A_918 = arith.maximumf %scan3A_546, %get3A_916 : vector<16xf32>
      %mul3A_919 = arith.constant 8 : i32
      %mul3A_920 = arith.muli %scan3A_531, %mul3A_919 : i32
      %add3A_921 = arith.constant 7 : i32
      %add3A_922 = arith.addi %mul3A_920, %add3A_921 : i32
      %jit3A_923 = arith.constant 8 : i32
      %div3A_924 = arith.divsi %add3A_922, %jit3A_923 : i32
      %sign3A_925 = arith.constant 0 : i32
      %sign3A_926 = arith.cmpi sgt, %add3A_922, %sign3A_925 : i32
      %sign3A_927 = arith.extui %sign3A_926 : i1 to i32
      %sign3A_928 = arith.constant 0 : i32
      %sign3A_929 = arith.cmpi slt, %add3A_922, %sign3A_928 : i32
      %sign3A_930 = arith.extui %sign3A_929 : i1 to i32
      %sign3A_931 = arith.subi %sign3A_927, %sign3A_930 : i32
      %sign3A_932 = arith.constant 0 : i32
      %sign3A_933 = arith.cmpi sgt, %jit3A_923, %sign3A_932 : i32
      %sign3A_934 = arith.extui %sign3A_933 : i1 to i32
      %sign3A_935 = arith.constant 0 : i32
      %sign3A_936 = arith.cmpi slt, %jit3A_923, %sign3A_935 : i32
      %sign3A_937 = arith.extui %sign3A_936 : i1 to i32
      %sign3A_938 = arith.subi %sign3A_934, %sign3A_937 : i32
      %ne3A_939 = arith.cmpi ne, %sign3A_931, %sign3A_938 : i32
      %rem3A_940 = arith.remsi %add3A_922, %jit3A_923 : i32
      %ne3A_941 = arith.constant 0 : i32
      %ne3A_942 = arith.cmpi ne, %rem3A_940, %ne3A_941 : i32
      %and3A_943 = arith.andi %ne3A_939, %ne3A_942 : i1
      %sub3A_944 = arith.constant 1 : i32
      %sub3A_945 = arith.subi %div3A_924, %sub3A_944 : i32
      %select_n3A_946 = arith.select %and3A_943, %sub3A_945, %div3A_924 : i32
      %jit3A_947 = arith.constant 8 : i32
      %eq3A_948 = arith.constant 0 : i32
      %eq3A_949 = arith.cmpi eq, %jit3A_947, %eq3A_948 : i32
      %jit3A_950 = arith.constant 1 : i32
      %select_n3A_951 = arith.select %eq3A_949, %jit3A_950, %jit3A_947 : i32
      %rem3A_952 = arith.remsi %add3A_922, %select_n3A_951 : i32
      %ne3A_953 = arith.constant 0 : i32
      %ne3A_954 = arith.cmpi ne, %rem3A_952, %ne3A_953 : i32
      %lt3A_955 = arith.constant 0 : i32
      %lt3A_956 = arith.cmpi slt, %rem3A_952, %lt3A_955 : i32
      %lt3A_957 = arith.constant 0 : i32
      %lt3A_958 = arith.cmpi slt, %select_n3A_951, %lt3A_957 : i32
      %ne3A_959 = arith.xori %lt3A_956, %lt3A_958 : i1
      %and3A_960 = arith.andi %ne3A_959, %ne3A_954 : i1
      %add3A_961 = arith.addi %rem3A_952, %select_n3A_951 : i32
      %select_n3A_962 = arith.select %and3A_960, %add3A_961, %rem3A_952 : i32
      %mul3A_963 = arith.constant 16 : i32
      %mul3A_964 = arith.muli %select_n3A_962, %mul3A_963 : i32
      %get3A_965 = arith.constant 1 : i32
      %get3A_966 = arith.index_cast %get3A_965 : i32 to index
      %get3A_967 = arith.index_cast %select_n3A_946 : i32 to index
      %get3A_968 = arith.index_cast %mul3A_964 : i32 to index
      %get3A_969 = tpu.vector_load %arg5[%get3A_966, %get3A_967, %get3A_968] {strides = array<i32>} : memref<2x128x128xf32, #tpu.memory_space<vmem>>, vector<16xf32>,
      %min3A_970 = arith.minimumf %scan3A_539, %get3A_969 : vector<16xf32>
      %max3A_971 = arith.maximumf %scan3A_547, %get3A_969 : vector<16xf32>
      scf.yield %min3A_599, %min3A_652, %min3A_705, %min3A_758, %min3A_811, %min3A_864, %min3A_917, %min3A_970, %max3A_600, %max3A_653, %max3A_706, %max3A_759, %max3A_812, %max3A_865, %max3A_918, %max3A_971 : vector<16xf32>, vector<16xf32>, vector<16xf32>, vector<16xf32>, vector<16xf32>, vector<16xf32>, vector<16xf32>, vector<16xf32>, vector<16xf32>, vector<16xf32>, vector<16xf32>, vector<16xf32>, vector<16xf32>, vector<16xf32>, vector<16xf32>, vector<16xf32>
    }
    %scan3A_331 = arith.constant 127 : i32
    %min3A_332 = arith.minimumf %scan3A_330#0, %scan3A_330#1 : vector<16xf32>
    %max3A_333 = arith.maximumf %scan3A_330#8, %scan3A_330#9 : vector<16xf32>
    %min3A_334 = arith.minimumf %min3A_332, %scan3A_330#2 : vector<16xf32>
    %max3A_335 = arith.maximumf %max3A_333, %scan3A_330#10 : vector<16xf32>
    %min3A_336 = arith.minimumf %min3A_334, %scan3A_330#3 : vector<16xf32>
    %max3A_337 = arith.maximumf %max3A_335, %scan3A_330#11 : vector<16xf32>
    %min3A_338 = arith.minimumf %min3A_336, %scan3A_330#4 : vector<16xf32>
    %max3A_339 = arith.maximumf %max3A_337, %scan3A_330#12 : vector<16xf32>
    %min3A_340 = arith.minimumf %min3A_338, %scan3A_330#5 : vector<16xf32>
    %max3A_341 = arith.maximumf %max3A_339, %scan3A_330#13 : vector<16xf32>
    %min3A_342 = arith.minimumf %min3A_340, %scan3A_330#6 : vector<16xf32>
    %max3A_343 = arith.maximumf %max3A_341, %scan3A_330#14 : vector<16xf32>
    %min3A_344 = arith.minimumf %min3A_342, %scan3A_330#7 : vector<16xf32>
    %max3A_345 = arith.maximumf %max3A_343, %scan3A_330#15 : vector<16xf32>
    %reduce_min3A_346 = arith.constant true
    %reduce_min3A_347 = vector.broadcast %reduce_min3A_346 : i1 to vector<16xi1>
    %reduce_min3A_348 = tpu.scan <min>, %min3A_344 masked %reduce_min3A_347 : vector<16xf32>, vector<16xi1> -> vector<16xf32>
    %reduce_min3A_349 = vector.extract %reduce_min3A_348[15] : f32 from vector<16xf32>
    %reduce_max3A_350 = arith.constant true
    %reduce_max3A_351 = vector.broadcast %reduce_max3A_350 : i1 to vector<16xi1>
    %reduce_max3A_352 = tpu.scan <max>, %max3A_345 masked %reduce_max3A_351 : vector<16xf32>, vector<16xi1> -> vector<16xf32>
    %reduce_max3A_353 = vector.extract %reduce_max3A_352[15] : f32 from vector<16xf32>
    %sub3A_354 = arith.subf %reduce_max3A_353, %reduce_min3A_349 : f32
    %abs3A_355 = math.absf %sub3A_354 : f32
    %lt3A_356 = arith.constant 1.000000e-10 : f32
    %lt3A_357 = arith.cmpf olt, %abs3A_355, %lt3A_356 : f32
    %add3A_358 = arith.constant 9.99999974E-6 : f32
    %add3A_359 = arith.addf %reduce_max3A_353, %add3A_358 : f32
    %select_n3A_360 = arith.select %lt3A_357, %add3A_359, %reduce_max3A_353 : f32
    %sub3A_361 = arith.constant 9.99999974E-6 : f32
    %sub3A_362 = arith.subf %reduce_min3A_349, %sub3A_361 : f32
    %select_n3A_363 = arith.select %lt3A_357, %sub3A_362, %reduce_min3A_349 : f32
    %sub3A_364 = arith.subf %select_n3A_360, %select_n3A_363 : f32
    %mul3A_365 = arith.constant 1.562500e-02 : f32
    %mul3A_366 = arith.mulf %sub3A_364, %mul3A_365 : f32
    %broadcast_in_dim3A_367 = vector.broadcast %select_n3A_363 : f32 to vector<16xf32>
    %broadcast_in_dim3A_368 = vector.broadcast %mul3A_366 : f32 to vector<16xf32>
    %div3A_369 = arith.constant 1.000000e+00 : f32
    %div3A_370 = vector.broadcast %div3A_369 : f32 to vector<16xf32>
    %div3A_371 = arith.divf %div3A_370, %broadcast_in_dim3A_368 : vector<16xf32>
    %mul3A_372 = arith.constant 5.000000e-01 : f32
    %mul3A_373 = vector.broadcast %mul3A_372 : f32 to vector<16xf32>
    %mul3A_374 = arith.mulf %broadcast_in_dim3A_368, %mul3A_373 : vector<16xf32>
    %mul3A_375 = arith.constant 65 : i32
    %mul3A_376 = vector.broadcast %mul3A_375 : i32 to vector<16xi32>
    %mul3A_377 = arith.muli %iota3A, %mul3A_376 : vector<16xi32>
    %add3A_378 = arith.constant 0 : i32
    %add3A_379 = vector.broadcast %add3A_378 : i32 to vector<16xi32>
    %add3A_380 = arith.addi %add3A_379, %mul3A_377 : vector<16xi32>
    %dma_wait3A_381 = arith.constant 0 : i32
    %dma_wait3A_382 = arith.constant 0 : i32
    %dma_wait3A_383 = arith.constant 0 : i32
    %dma_wait3A_384 = tpu.memref_slice %arg6[%dma_wait3A_381, %dma_wait3A_382, %dma_wait3A_383] : memref<2x128x128xf32, #tpu.memory_space<vmem>> -> memref<1x128x128xf32, #tpu.memory_space<vmem>>
    %dma_wait3A_385 = tpu.memref_squeeze %dma_wait3A_384 : memref<1x128x128xf32, #tpu.memory_space<vmem>> -> memref<128x128xf32, #tpu.memory_space<vmem>>
    %dma_wait3A_386 = arith.constant 0 : i32
    %dma_wait3A_387 = arith.constant 0 : i32
    %dma_wait3A_388 = tpu.memref_slice %arg3[%select_n3A, %dma_wait3A_386, %select_n3A_34, %dma_wait3A_387] : memref<16x128x4x128xf32, #tpu.memory_space<hbm>> -> memref<1x128x1x128xf32, #tpu.memory_space<hbm>>
    %dma_wait3A_389 = tpu.memref_squeeze %dma_wait3A_388 : memref<1x128x1x128xf32, #tpu.memory_space<hbm>> -> memref<128x128xf32, #tpu.memory_space<hbm>>
    %dma_wait3A_390 = arith.constant 0 : i32
    %dma_wait3A_391 = arith.constant 0 : i32
    %dma_wait3A_392 = tpu.memref_slice %arg6[%dma_wait3A_381, %dma_wait3A_390, %dma_wait3A_391] : memref<2x128x128xf32, #tpu.memory_space<vmem>> -> memref<1x128x128xf32, #tpu.memory_space<vmem>>
    %dma_wait3A_393 = tpu.memref_squeeze %dma_wait3A_392 : memref<1x128x128xf32, #tpu.memory_space<vmem>> -> memref<128x128xf32, #tpu.memory_space<vmem>>
    %dma_wait3A_394 = arith.constant 0 : i32
    %dma_wait3A_395 = arith.constant 0 : i32
    %dma_wait3A_396 = tpu.memref_slice %arg3[%select_n3A, %dma_wait3A_394, %select_n3A_34, %dma_wait3A_395] : memref<16x128x4x128xf32, #tpu.memory_space<hbm>> -> memref<1x128x1x128xf32, #tpu.memory_space<hbm>>
    %dma_wait3A_397 = tpu.memref_squeeze %dma_wait3A_396 : memref<1x128x1x128xf32, #tpu.memory_space<hbm>> -> memref<128x128xf32, #tpu.memory_space<hbm>>
    tpu.wait_dma2 semaphore(%arg11 : memref<!tpu.dma_semaphore, #tpu.memory_space<semaphore_mem>>) src(%dma_wait3A_397 : memref<128x128xf32, #tpu.memory_space<hbm>>) dst(%dma_wait3A_393 : memref<128x128xf32, #tpu.memory_space<vmem>>)
    %parallel_loop3A_398 = arith.constant 0 : i32
    %parallel_loop3A_399 = arith.constant 1024 : i32
    %parallel_loop3A_400 = arith.constant 1 : i32
    scf.for %parallel_loop3A_531 = %parallel_loop3A_398 to %parallel_loop3A_399 step %parallel_loop3A_400  : i32 {
      %parallel_loop3A_532 = arith.constant 8 : i32
      %parallel_loop3A_533 = arith.divsi %parallel_loop3A_531, %parallel_loop3A_532 : i32
      %parallel_loop3A_534 = arith.constant 0 : i32
      %parallel_loop3A_535 = arith.cmpi sgt, %parallel_loop3A_531, %parallel_loop3A_534 : i32
      %parallel_loop3A_536 = arith.extui %parallel_loop3A_535 : i1 to i32
      %parallel_loop3A_537 = arith.constant 0 : i32
      %parallel_loop3A_538 = arith.cmpi slt, %parallel_loop3A_531, %parallel_loop3A_537 : i32
      %parallel_loop3A_539 = arith.extui %parallel_loop3A_538 : i1 to i32
      %parallel_loop3A_540 = arith.subi %parallel_loop3A_536, %parallel_loop3A_539 : i32
      %parallel_loop3A_541 = arith.constant 0 : i32
      %parallel_loop3A_542 = arith.cmpi sgt, %parallel_loop3A_532, %parallel_loop3A_541 : i32
      %parallel_loop3A_543 = arith.extui %parallel_loop3A_542 : i1 to i32
      %parallel_loop3A_544 = arith.constant 0 : i32
      %parallel_loop3A_545 = arith.cmpi slt, %parallel_loop3A_532, %parallel_loop3A_544 : i32
      %parallel_loop3A_546 = arith.extui %parallel_loop3A_545 : i1 to i32
      %parallel_loop3A_547 = arith.subi %parallel_loop3A_543, %parallel_loop3A_546 : i32
      %parallel_loop3A_548 = arith.cmpi ne, %parallel_loop3A_540, %parallel_loop3A_547 : i32
      %parallel_loop3A_549 = arith.remsi %parallel_loop3A_531, %parallel_loop3A_532 : i32
      %parallel_loop3A_550 = arith.constant 0 : i32
      %parallel_loop3A_551 = arith.cmpi ne, %parallel_loop3A_549, %parallel_loop3A_550 : i32
      %parallel_loop3A_552 = arith.andi %parallel_loop3A_548, %parallel_loop3A_551 : i1
      %parallel_loop3A_553 = arith.constant 1 : i32
      %parallel_loop3A_554 = arith.subi %parallel_loop3A_533, %parallel_loop3A_553 : i32
      %parallel_loop3A_555 = arith.select %parallel_loop3A_552, %parallel_loop3A_554, %parallel_loop3A_533 : i32
      %parallel_loop3A_556 = arith.constant 8 : i32
      %parallel_loop3A_557 = arith.constant 0 : i32
      %parallel_loop3A_558 = arith.cmpi eq, %parallel_loop3A_556, %parallel_loop3A_557 : i32
      %parallel_loop3A_559 = arith.constant 1 : i32
      %parallel_loop3A_560 = arith.select %parallel_loop3A_558, %parallel_loop3A_559, %parallel_loop3A_556 : i32
      %parallel_loop3A_561 = arith.remsi %parallel_loop3A_531, %parallel_loop3A_560 : i32
      %parallel_loop3A_562 = arith.constant 0 : i32
      %parallel_loop3A_563 = arith.cmpi ne, %parallel_loop3A_561, %parallel_loop3A_562 : i32
      %parallel_loop3A_564 = arith.constant 0 : i32
      %parallel_loop3A_565 = arith.cmpi slt, %parallel_loop3A_561, %parallel_loop3A_564 : i32
      %parallel_loop3A_566 = arith.constant 0 : i32
      %parallel_loop3A_567 = arith.cmpi slt, %parallel_loop3A_560, %parallel_loop3A_566 : i32
      %parallel_loop3A_568 = arith.xori %parallel_loop3A_565, %parallel_loop3A_567 : i1
      %parallel_loop3A_569 = arith.andi %parallel_loop3A_568, %parallel_loop3A_563 : i1
      %parallel_loop3A_570 = arith.addi %parallel_loop3A_561, %parallel_loop3A_560 : i32
      %parallel_loop3A_571 = arith.select %parallel_loop3A_569, %parallel_loop3A_570, %parallel_loop3A_561 : i32
      %parallel_loop3A_572 = arith.constant 16 : i32
      %parallel_loop3A_573 = arith.muli %parallel_loop3A_571, %parallel_loop3A_572 : i32
      %parallel_loop3A_574 = arith.constant 0 : i32
      %parallel_loop3A_575 = arith.index_cast %parallel_loop3A_574 : i32 to index
      %parallel_loop3A_576 = arith.index_cast %parallel_loop3A_555 : i32 to index
      %parallel_loop3A_577 = arith.index_cast %parallel_loop3A_573 : i32 to index
      %parallel_loop3A_578 = tpu.vector_load %arg5[%parallel_loop3A_575, %parallel_loop3A_576, %parallel_loop3A_577] {strides = array<i32>} : memref<2x128x128xf32, #tpu.memory_space<vmem>>, vector<16xf32>,
      %parallel_loop3A_579 = arith.subf %parallel_loop3A_578, %broadcast_in_dim3A_253 : vector<16xf32>
      %parallel_loop3A_580 = arith.mulf %parallel_loop3A_579, %div3A_257 : vector<16xf32>
      %parallel_loop3A_581 = arith.fptosi %parallel_loop3A_580 : vector<16xf32> to vector<16xi32>
      %parallel_loop3A_582 = arith.addi %add3A_380, %parallel_loop3A_581 : vector<16xi32>
      tpu.vector_store_idx %arg7[%parallel_loop3A_582], %broadcast_in_dim3A_154 {add = true} : memref<2080xf32, #tpu.memory_space<vmem>>[vector<16xi32>], vector<16xf32>,
      %parallel_loop3A_583 = arith.constant 8 : i32
      %parallel_loop3A_584 = arith.divsi %parallel_loop3A_531, %parallel_loop3A_583 : i32
      %parallel_loop3A_585 = arith.constant 0 : i32
      %parallel_loop3A_586 = arith.cmpi sgt, %parallel_loop3A_531, %parallel_loop3A_585 : i32
      %parallel_loop3A_587 = arith.extui %parallel_loop3A_586 : i1 to i32
      %parallel_loop3A_588 = arith.constant 0 : i32
      %parallel_loop3A_589 = arith.cmpi slt, %parallel_loop3A_531, %parallel_loop3A_588 : i32
      %parallel_loop3A_590 = arith.extui %parallel_loop3A_589 : i1 to i32
      %parallel_loop3A_591 = arith.subi %parallel_loop3A_587, %parallel_loop3A_590 : i32
      %parallel_loop3A_592 = arith.constant 0 : i32
      %parallel_loop3A_593 = arith.cmpi sgt, %parallel_loop3A_583, %parallel_loop3A_592 : i32
      %parallel_loop3A_594 = arith.extui %parallel_loop3A_593 : i1 to i32
      %parallel_loop3A_595 = arith.constant 0 : i32
      %parallel_loop3A_596 = arith.cmpi slt, %parallel_loop3A_583, %parallel_loop3A_595 : i32
      %parallel_loop3A_597 = arith.extui %parallel_loop3A_596 : i1 to i32
      %parallel_loop3A_598 = arith.subi %parallel_loop3A_594, %parallel_loop3A_597 : i32
      %parallel_loop3A_599 = arith.cmpi ne, %parallel_loop3A_591, %parallel_loop3A_598 : i32
      %parallel_loop3A_600 = arith.remsi %parallel_loop3A_531, %parallel_loop3A_583 : i32
      %parallel_loop3A_601 = arith.constant 0 : i32
      %parallel_loop3A_602 = arith.cmpi ne, %parallel_loop3A_600, %parallel_loop3A_601 : i32
      %parallel_loop3A_603 = arith.andi %parallel_loop3A_599, %parallel_loop3A_602 : i1
      %parallel_loop3A_604 = arith.constant 1 : i32
      %parallel_loop3A_605 = arith.subi %parallel_loop3A_584, %parallel_loop3A_604 : i32
      %parallel_loop3A_606 = arith.select %parallel_loop3A_603, %parallel_loop3A_605, %parallel_loop3A_584 : i32
      %parallel_loop3A_607 = arith.constant 8 : i32
      %parallel_loop3A_608 = arith.constant 0 : i32
      %parallel_loop3A_609 = arith.cmpi eq, %parallel_loop3A_607, %parallel_loop3A_608 : i32
      %parallel_loop3A_610 = arith.constant 1 : i32
      %parallel_loop3A_611 = arith.select %parallel_loop3A_609, %parallel_loop3A_610, %parallel_loop3A_607 : i32
      %parallel_loop3A_612 = arith.remsi %parallel_loop3A_531, %parallel_loop3A_611 : i32
      %parallel_loop3A_613 = arith.constant 0 : i32
      %parallel_loop3A_614 = arith.cmpi ne, %parallel_loop3A_612, %parallel_loop3A_613 : i32
      %parallel_loop3A_615 = arith.constant 0 : i32
      %parallel_loop3A_616 = arith.cmpi slt, %parallel_loop3A_612, %parallel_loop3A_615 : i32
      %parallel_loop3A_617 = arith.constant 0 : i32
      %parallel_loop3A_618 = arith.cmpi slt, %parallel_loop3A_611, %parallel_loop3A_617 : i32
      %parallel_loop3A_619 = arith.xori %parallel_loop3A_616, %parallel_loop3A_618 : i1
      %parallel_loop3A_620 = arith.andi %parallel_loop3A_619, %parallel_loop3A_614 : i1
      %parallel_loop3A_621 = arith.addi %parallel_loop3A_612, %parallel_loop3A_611 : i32
      %parallel_loop3A_622 = arith.select %parallel_loop3A_620, %parallel_loop3A_621, %parallel_loop3A_612 : i32
      %parallel_loop3A_623 = arith.constant 16 : i32
      %parallel_loop3A_624 = arith.muli %parallel_loop3A_622, %parallel_loop3A_623 : i32
      %parallel_loop3A_625 = arith.constant 0 : i32
      %parallel_loop3A_626 = arith.index_cast %parallel_loop3A_625 : i32 to index
      %parallel_loop3A_627 = arith.index_cast %parallel_loop3A_606 : i32 to index
      %parallel_loop3A_628 = arith.index_cast %parallel_loop3A_624 : i32 to index
      %parallel_loop3A_629 = tpu.vector_load %arg6[%parallel_loop3A_626, %parallel_loop3A_627, %parallel_loop3A_628] {strides = array<i32>} : memref<2x128x128xf32, #tpu.memory_space<vmem>>, vector<16xf32>,
      %parallel_loop3A_630 = arith.subf %parallel_loop3A_629, %broadcast_in_dim3A_253 : vector<16xf32>
      %parallel_loop3A_631 = arith.mulf %parallel_loop3A_630, %div3A_257 : vector<16xf32>
      %parallel_loop3A_632 = arith.fptosi %parallel_loop3A_631 : vector<16xf32> to vector<16xi32>
      %parallel_loop3A_633 = arith.constant 0 : i32
      %parallel_loop3A_634 = vector.broadcast %parallel_loop3A_633 : i32 to vector<16xi32>
      %parallel_loop3A_635 = arith.maxsi %parallel_loop3A_632, %parallel_loop3A_634 : vector<16xi32>
      %parallel_loop3A_636 = arith.constant 64 : i32
      %parallel_loop3A_637 = vector.broadcast %parallel_loop3A_636 : i32 to vector<16xi32>
      %parallel_loop3A_638 = arith.minsi %parallel_loop3A_635, %parallel_loop3A_637 : vector<16xi32>
      %parallel_loop3A_639 = arith.sitofp %parallel_loop3A_638 : vector<16xi32> to vector<16xf32>
      %parallel_loop3A_640 = arith.cmpf ogt, %parallel_loop3A_631, %parallel_loop3A_639 : vector<16xf32>
      %parallel_loop3A_641 = arith.constant 1.000000e+00 : f32
      %parallel_loop3A_642 = vector.broadcast %parallel_loop3A_641 : f32 to vector<16xf32>
      %parallel_loop3A_643 = arith.addf %parallel_loop3A_639, %parallel_loop3A_642 : vector<16xf32>
      %parallel_loop3A_644 = arith.cmpf olt, %parallel_loop3A_631, %parallel_loop3A_643 : vector<16xf32>
      %parallel_loop3A_645 = arith.andi %parallel_loop3A_640, %parallel_loop3A_644 : vector<16xi1>
      %parallel_loop3A_646 = arith.addi %add3A_380, %parallel_loop3A_638 : vector<16xi32>
      tpu.vector_store_idx %arg8[%parallel_loop3A_646], %broadcast_in_dim3A_154 masked %parallel_loop3A_645 {add = true} : memref<2080xf32, #tpu.memory_space<vmem>>[vector<16xi32>], vector<16xf32>, vector<16xi1>
    } {sc.loop_unroll_factor = 8 : i64, sc.parallel_access}
    %broadcast_in_dim3A_401 = arith.constant 0.000000e+00 : f32
    %broadcast_in_dim3A_402 = vector.broadcast %broadcast_in_dim3A_401 : f32 to vector<16xf32>
    %scan3A_403 = arith.constant 0 : i32
    %scan3A_404 = arith.constant 16 : i32
    %scan3A_405 = arith.addi %scan3A_403, %scan3A_404 : i32
    %scan3A_406 = arith.constant 1 : i32
    %scan3A_407:8 = scf.for %scan3A_531 = %scan3A_403 to %scan3A_405 step %scan3A_406 iter_args(%scan3A_532 = %broadcast_in_dim3A_402, %scan3A_533 = %broadcast_in_dim3A_402, %scan3A_534 = %broadcast_in_dim3A_402, %scan3A_535 = %broadcast_in_dim3A_402, %scan3A_536 = %broadcast_in_dim3A_402, %scan3A_537 = %broadcast_in_dim3A_402, %scan3A_538 = %broadcast_in_dim3A_402, %scan3A_539 = %broadcast_in_dim3A_402) -> (vector<16xf32>, vector<16xf32>, vector<16xf32>, vector<16xf32>, vector<16xf32>, vector<16xf32>, vector<16xf32>, vector<16xf32>)  : i32 {
      %mul3A_540 = arith.constant 65 : i32
      %mul3A_541 = arith.muli %scan3A_531, %mul3A_540 : i32
      %add3A_542 = arith.constant 0 : i32
      %add3A_543 = arith.addi %add3A_542, %mul3A_541 : i32
      %add3A_544 = arith.constant 0 : i32
      %add3A_545 = arith.addi %add3A_543, %add3A_544 : i32
      %get3A_546 = arith.index_cast %add3A_545 : i32 to index
      %get3A_547 = tpu.vector_load %arg7[%get3A_546] {strides = array<i32>} : memref<2080xf32, #tpu.memory_space<vmem>>, vector<16xf32>,
      %add3A_548 = arith.addf %scan3A_532, %get3A_547 : vector<16xf32>
      %mul3A_549 = arith.constant 65 : i32
      %mul3A_550 = arith.muli %scan3A_531, %mul3A_549 : i32
      %add3A_551 = arith.constant 0 : i32
      %add3A_552 = arith.addi %add3A_551, %mul3A_550 : i32
      %add3A_553 = arith.constant 16 : i32
      %add3A_554 = arith.addi %add3A_552, %add3A_553 : i32
      %get3A_555 = arith.index_cast %add3A_554 : i32 to index
      %get3A_556 = tpu.vector_load %arg7[%get3A_555] {strides = array<i32>} : memref<2080xf32, #tpu.memory_space<vmem>>, vector<16xf32>,
      %add3A_557 = arith.addf %scan3A_533, %get3A_556 : vector<16xf32>
      %mul3A_558 = arith.constant 65 : i32
      %mul3A_559 = arith.muli %scan3A_531, %mul3A_558 : i32
      %add3A_560 = arith.constant 0 : i32
      %add3A_561 = arith.addi %add3A_560, %mul3A_559 : i32
      %add3A_562 = arith.constant 32 : i32
      %add3A_563 = arith.addi %add3A_561, %add3A_562 : i32
      %get3A_564 = arith.index_cast %add3A_563 : i32 to index
      %get3A_565 = tpu.vector_load %arg7[%get3A_564] {strides = array<i32>} : memref<2080xf32, #tpu.memory_space<vmem>>, vector<16xf32>,
      %add3A_566 = arith.addf %scan3A_534, %get3A_565 : vector<16xf32>
      %mul3A_567 = arith.constant 65 : i32
      %mul3A_568 = arith.muli %scan3A_531, %mul3A_567 : i32
      %add3A_569 = arith.constant 0 : i32
      %add3A_570 = arith.addi %add3A_569, %mul3A_568 : i32
      %add3A_571 = arith.constant 48 : i32
      %add3A_572 = arith.addi %add3A_570, %add3A_571 : i32
      %get3A_573 = arith.index_cast %add3A_572 : i32 to index
      %get3A_574 = tpu.vector_load %arg7[%get3A_573] {strides = array<i32>} : memref<2080xf32, #tpu.memory_space<vmem>>, vector<16xf32>,
      %add3A_575 = arith.addf %scan3A_535, %get3A_574 : vector<16xf32>
      %mul3A_576 = arith.constant 65 : i32
      %mul3A_577 = arith.muli %scan3A_531, %mul3A_576 : i32
      %add3A_578 = arith.constant 0 : i32
      %add3A_579 = arith.addi %add3A_578, %mul3A_577 : i32
      %add3A_580 = arith.constant 0 : i32
      %add3A_581 = arith.addi %add3A_579, %add3A_580 : i32
      %get3A_582 = arith.index_cast %add3A_581 : i32 to index
      %get3A_583 = tpu.vector_load %arg8[%get3A_582] {strides = array<i32>} : memref<2080xf32, #tpu.memory_space<vmem>>, vector<16xf32>,
      %add3A_584 = arith.addf %scan3A_536, %get3A_583 : vector<16xf32>
      %mul3A_585 = arith.constant 65 : i32
      %mul3A_586 = arith.muli %scan3A_531, %mul3A_585 : i32
      %add3A_587 = arith.constant 0 : i32
      %add3A_588 = arith.addi %add3A_587, %mul3A_586 : i32
      %add3A_589 = arith.constant 16 : i32
      %add3A_590 = arith.addi %add3A_588, %add3A_589 : i32
      %get3A_591 = arith.index_cast %add3A_590 : i32 to index
      %get3A_592 = tpu.vector_load %arg8[%get3A_591] {strides = array<i32>} : memref<2080xf32, #tpu.memory_space<vmem>>, vector<16xf32>,
      %add3A_593 = arith.addf %scan3A_537, %get3A_592 : vector<16xf32>
      %mul3A_594 = arith.constant 65 : i32
      %mul3A_595 = arith.muli %scan3A_531, %mul3A_594 : i32
      %add3A_596 = arith.constant 0 : i32
      %add3A_597 = arith.addi %add3A_596, %mul3A_595 : i32
      %add3A_598 = arith.constant 32 : i32
      %add3A_599 = arith.addi %add3A_597, %add3A_598 : i32
      %get3A_600 = arith.index_cast %add3A_599 : i32 to index
      %get3A_601 = tpu.vector_load %arg8[%get3A_600] {strides = array<i32>} : memref<2080xf32, #tpu.memory_space<vmem>>, vector<16xf32>,
      %add3A_602 = arith.addf %scan3A_538, %get3A_601 : vector<16xf32>
      %mul3A_603 = arith.constant 65 : i32
      %mul3A_604 = arith.muli %scan3A_531, %mul3A_603 : i32
      %add3A_605 = arith.constant 0 : i32
      %add3A_606 = arith.addi %add3A_605, %mul3A_604 : i32
      %add3A_607 = arith.constant 48 : i32
      %add3A_608 = arith.addi %add3A_606, %add3A_607 : i32
      %get3A_609 = arith.index_cast %add3A_608 : i32 to index
      %get3A_610 = tpu.vector_load %arg8[%get3A_609] {strides = array<i32>} : memref<2080xf32, #tpu.memory_space<vmem>>, vector<16xf32>,
      %add3A_611 = arith.addf %scan3A_539, %get3A_610 : vector<16xf32>
      scf.yield %add3A_548, %add3A_557, %add3A_566, %add3A_575, %add3A_584, %add3A_593, %add3A_602, %add3A_611 : vector<16xf32>, vector<16xf32>, vector<16xf32>, vector<16xf32>, vector<16xf32>, vector<16xf32>, vector<16xf32>, vector<16xf32>
    }
    %scan3A_408 = arith.constant 16 : i32
    %mul3A_409 = arith.constant 65 : i32
    %mul3A_410 = vector.broadcast %mul3A_409 : i32 to vector<16xi32>
    %mul3A_411 = arith.muli %iota3A, %mul3A_410 : vector<16xi32>
    %add3A_412 = arith.constant 0 : i32
    %add3A_413 = vector.broadcast %add3A_412 : i32 to vector<16xi32>
    %add3A_414 = arith.addi %add3A_413, %mul3A_411 : vector<16xi32>
    %add3A_415 = arith.constant 64 : i32
    %add3A_416 = vector.broadcast %add3A_415 : i32 to vector<16xi32>
    %add3A_417 = arith.addi %add3A_414, %add3A_416 : vector<16xi32>
    %gather3A = tpu.vector_load_idx %arg7[%add3A_417] : memref<2080xf32, #tpu.memory_space<vmem>>[vector<16xi32>], vector<16xf32>,
    %reduce_sum3A = arith.constant true
    %reduce_sum3A_418 = vector.broadcast %reduce_sum3A : i1 to vector<16xi1>
    %reduce_sum3A_419 = tpu.scan <sum>, %gather3A masked %reduce_sum3A_418 : vector<16xf32>, vector<16xi1> -> vector<16xf32>
    %reduce_sum3A_420 = vector.extract %reduce_sum3A_419[15] : f32 from vector<16xf32>
    %eq3A_421 = arith.constant 15 : i32
    %eq3A_422 = vector.broadcast %eq3A_421 : i32 to vector<16xi32>
    %eq3A_423 = arith.cmpi eq, %iota3A, %eq3A_422 : vector<16xi32>
    %convert_element_type3A = arith.extui %eq3A_423 : vector<16xi1> to vector<16xi32>
    %convert_element_type3A_424 = arith.sitofp %convert_element_type3A : vector<16xi32> to vector<16xf32>
    %mul3A_425 = vector.broadcast %reduce_sum3A_420 : f32 to vector<16xf32>
    %mul3A_426 = arith.mulf %mul3A_425, %convert_element_type3A_424 : vector<16xf32>
    %add3A_427 = arith.addf %scan3A_407#3, %mul3A_426 : vector<16xf32>
    %sub3A_428 = arith.subf %scan3A_407#7, %add3A_427 : vector<16xf32>
    %abs3A_429 = math.absf %sub3A_428 : vector<16xf32>
    %sub3A_430 = arith.subf %scan3A_407#4, %scan3A_407#0 : vector<16xf32>
    %abs3A_431 = math.absf %sub3A_430 : vector<16xf32>
    %add3A_432 = arith.addf %abs3A_429, %abs3A_431 : vector<16xf32>
    %sub3A_433 = arith.subf %scan3A_407#5, %scan3A_407#1 : vector<16xf32>
    %abs3A_434 = math.absf %sub3A_433 : vector<16xf32>
    %add3A_435 = arith.addf %add3A_432, %abs3A_434 : vector<16xf32>
    %sub3A_436 = arith.subf %scan3A_407#6, %scan3A_407#2 : vector<16xf32>
    %abs3A_437 = math.absf %sub3A_436 : vector<16xf32>
    %add3A_438 = arith.addf %add3A_435, %abs3A_437 : vector<16xf32>
    %reduce_sum3A_439 = arith.constant true
    %reduce_sum3A_440 = vector.broadcast %reduce_sum3A_439 : i1 to vector<16xi1>
    %reduce_sum3A_441 = tpu.scan <sum>, %add3A_438 masked %reduce_sum3A_440 : vector<16xf32>, vector<16xi1> -> vector<16xf32>
    %reduce_sum3A_442 = vector.extract %reduce_sum3A_441[15] : f32 from vector<16xf32>
    %mul3A_443 = arith.constant 65 : i32
    %mul3A_444 = vector.broadcast %mul3A_443 : i32 to vector<16xi32>
    %mul3A_445 = arith.muli %iota3A, %mul3A_444 : vector<16xi32>
    %add3A_446 = arith.constant 1040 : i32
    %add3A_447 = vector.broadcast %add3A_446 : i32 to vector<16xi32>
    %add3A_448 = arith.addi %add3A_447, %mul3A_445 : vector<16xi32>
    %dma_wait3A_449 = arith.constant 1 : i32
    %dma_wait3A_450 = arith.constant 0 : i32
    %dma_wait3A_451 = arith.constant 0 : i32
    %dma_wait3A_452 = tpu.memref_slice %arg6[%dma_wait3A_449, %dma_wait3A_450, %dma_wait3A_451] : memref<2x128x128xf32, #tpu.memory_space<vmem>> -> memref<1x128x128xf32, #tpu.memory_space<vmem>>
    %dma_wait3A_453 = tpu.memref_squeeze %dma_wait3A_452 : memref<1x128x128xf32, #tpu.memory_space<vmem>> -> memref<128x128xf32, #tpu.memory_space<vmem>>
    %dma_wait3A_454 = arith.constant 0 : i32
    %dma_wait3A_455 = arith.constant 0 : i32
    %dma_wait3A_456 = tpu.memref_slice %arg3[%select_n3A_62, %dma_wait3A_454, %select_n3A_82, %dma_wait3A_455] : memref<16x128x4x128xf32, #tpu.memory_space<hbm>> -> memref<1x128x1x128xf32, #tpu.memory_space<hbm>>
    %dma_wait3A_457 = tpu.memref_squeeze %dma_wait3A_456 : memref<1x128x1x128xf32, #tpu.memory_space<hbm>> -> memref<128x128xf32, #tpu.memory_space<hbm>>
    %dma_wait3A_458 = arith.constant 0 : i32
    %dma_wait3A_459 = arith.constant 0 : i32
    %dma_wait3A_460 = tpu.memref_slice %arg6[%dma_wait3A_449, %dma_wait3A_458, %dma_wait3A_459] : memref<2x128x128xf32, #tpu.memory_space<vmem>> -> memref<1x128x128xf32, #tpu.memory_space<vmem>>
    %dma_wait3A_461 = tpu.memref_squeeze %dma_wait3A_460 : memref<1x128x128xf32, #tpu.memory_space<vmem>> -> memref<128x128xf32, #tpu.memory_space<vmem>>
    %dma_wait3A_462 = arith.constant 0 : i32
    %dma_wait3A_463 = arith.constant 0 : i32
    %dma_wait3A_464 = tpu.memref_slice %arg3[%select_n3A_62, %dma_wait3A_462, %select_n3A_82, %dma_wait3A_463] : memref<16x128x4x128xf32, #tpu.memory_space<hbm>> -> memref<1x128x1x128xf32, #tpu.memory_space<hbm>>
    %dma_wait3A_465 = tpu.memref_squeeze %dma_wait3A_464 : memref<1x128x1x128xf32, #tpu.memory_space<hbm>> -> memref<128x128xf32, #tpu.memory_space<hbm>>
    tpu.wait_dma2 semaphore(%arg13 : memref<!tpu.dma_semaphore, #tpu.memory_space<semaphore_mem>>) src(%dma_wait3A_465 : memref<128x128xf32, #tpu.memory_space<hbm>>) dst(%dma_wait3A_461 : memref<128x128xf32, #tpu.memory_space<vmem>>)
    %parallel_loop3A_466 = arith.constant 0 : i32
    %parallel_loop3A_467 = arith.constant 1024 : i32
    %parallel_loop3A_468 = arith.constant 1 : i32
    scf.for %parallel_loop3A_531 = %parallel_loop3A_466 to %parallel_loop3A_467 step %parallel_loop3A_468  : i32 {
      %parallel_loop3A_532 = arith.constant 8 : i32
      %parallel_loop3A_533 = arith.divsi %parallel_loop3A_531, %parallel_loop3A_532 : i32
      %parallel_loop3A_534 = arith.constant 0 : i32
      %parallel_loop3A_535 = arith.cmpi sgt, %parallel_loop3A_531, %parallel_loop3A_534 : i32
      %parallel_loop3A_536 = arith.extui %parallel_loop3A_535 : i1 to i32
      %parallel_loop3A_537 = arith.constant 0 : i32
      %parallel_loop3A_538 = arith.cmpi slt, %parallel_loop3A_531, %parallel_loop3A_537 : i32
      %parallel_loop3A_539 = arith.extui %parallel_loop3A_538 : i1 to i32
      %parallel_loop3A_540 = arith.subi %parallel_loop3A_536, %parallel_loop3A_539 : i32
      %parallel_loop3A_541 = arith.constant 0 : i32
      %parallel_loop3A_542 = arith.cmpi sgt, %parallel_loop3A_532, %parallel_loop3A_541 : i32
      %parallel_loop3A_543 = arith.extui %parallel_loop3A_542 : i1 to i32
      %parallel_loop3A_544 = arith.constant 0 : i32
      %parallel_loop3A_545 = arith.cmpi slt, %parallel_loop3A_532, %parallel_loop3A_544 : i32
      %parallel_loop3A_546 = arith.extui %parallel_loop3A_545 : i1 to i32
      %parallel_loop3A_547 = arith.subi %parallel_loop3A_543, %parallel_loop3A_546 : i32
      %parallel_loop3A_548 = arith.cmpi ne, %parallel_loop3A_540, %parallel_loop3A_547 : i32
      %parallel_loop3A_549 = arith.remsi %parallel_loop3A_531, %parallel_loop3A_532 : i32
      %parallel_loop3A_550 = arith.constant 0 : i32
      %parallel_loop3A_551 = arith.cmpi ne, %parallel_loop3A_549, %parallel_loop3A_550 : i32
      %parallel_loop3A_552 = arith.andi %parallel_loop3A_548, %parallel_loop3A_551 : i1
      %parallel_loop3A_553 = arith.constant 1 : i32
      %parallel_loop3A_554 = arith.subi %parallel_loop3A_533, %parallel_loop3A_553 : i32
      %parallel_loop3A_555 = arith.select %parallel_loop3A_552, %parallel_loop3A_554, %parallel_loop3A_533 : i32
      %parallel_loop3A_556 = arith.constant 8 : i32
      %parallel_loop3A_557 = arith.constant 0 : i32
      %parallel_loop3A_558 = arith.cmpi eq, %parallel_loop3A_556, %parallel_loop3A_557 : i32
      %parallel_loop3A_559 = arith.constant 1 : i32
      %parallel_loop3A_560 = arith.select %parallel_loop3A_558, %parallel_loop3A_559, %parallel_loop3A_556 : i32
      %parallel_loop3A_561 = arith.remsi %parallel_loop3A_531, %parallel_loop3A_560 : i32
      %parallel_loop3A_562 = arith.constant 0 : i32
      %parallel_loop3A_563 = arith.cmpi ne, %parallel_loop3A_561, %parallel_loop3A_562 : i32
      %parallel_loop3A_564 = arith.constant 0 : i32
      %parallel_loop3A_565 = arith.cmpi slt, %parallel_loop3A_561, %parallel_loop3A_564 : i32
      %parallel_loop3A_566 = arith.constant 0 : i32
      %parallel_loop3A_567 = arith.cmpi slt, %parallel_loop3A_560, %parallel_loop3A_566 : i32
      %parallel_loop3A_568 = arith.xori %parallel_loop3A_565, %parallel_loop3A_567 : i1
      %parallel_loop3A_569 = arith.andi %parallel_loop3A_568, %parallel_loop3A_563 : i1
      %parallel_loop3A_570 = arith.addi %parallel_loop3A_561, %parallel_loop3A_560 : i32
      %parallel_loop3A_571 = arith.select %parallel_loop3A_569, %parallel_loop3A_570, %parallel_loop3A_561 : i32
      %parallel_loop3A_572 = arith.constant 16 : i32
      %parallel_loop3A_573 = arith.muli %parallel_loop3A_571, %parallel_loop3A_572 : i32
      %parallel_loop3A_574 = arith.constant 1 : i32
      %parallel_loop3A_575 = arith.index_cast %parallel_loop3A_574 : i32 to index
      %parallel_loop3A_576 = arith.index_cast %parallel_loop3A_555 : i32 to index
      %parallel_loop3A_577 = arith.index_cast %parallel_loop3A_573 : i32 to index
      %parallel_loop3A_578 = tpu.vector_load %arg5[%parallel_loop3A_575, %parallel_loop3A_576, %parallel_loop3A_577] {strides = array<i32>} : memref<2x128x128xf32, #tpu.memory_space<vmem>>, vector<16xf32>,
      %parallel_loop3A_579 = arith.subf %parallel_loop3A_578, %broadcast_in_dim3A_367 : vector<16xf32>
      %parallel_loop3A_580 = arith.mulf %parallel_loop3A_579, %div3A_371 : vector<16xf32>
      %parallel_loop3A_581 = arith.fptosi %parallel_loop3A_580 : vector<16xf32> to vector<16xi32>
      %parallel_loop3A_582 = arith.addi %add3A_448, %parallel_loop3A_581 : vector<16xi32>
      tpu.vector_store_idx %arg7[%parallel_loop3A_582], %broadcast_in_dim3A_154 {add = true} : memref<2080xf32, #tpu.memory_space<vmem>>[vector<16xi32>], vector<16xf32>,
      %parallel_loop3A_583 = arith.constant 8 : i32
      %parallel_loop3A_584 = arith.divsi %parallel_loop3A_531, %parallel_loop3A_583 : i32
      %parallel_loop3A_585 = arith.constant 0 : i32
      %parallel_loop3A_586 = arith.cmpi sgt, %parallel_loop3A_531, %parallel_loop3A_585 : i32
      %parallel_loop3A_587 = arith.extui %parallel_loop3A_586 : i1 to i32
      %parallel_loop3A_588 = arith.constant 0 : i32
      %parallel_loop3A_589 = arith.cmpi slt, %parallel_loop3A_531, %parallel_loop3A_588 : i32
      %parallel_loop3A_590 = arith.extui %parallel_loop3A_589 : i1 to i32
      %parallel_loop3A_591 = arith.subi %parallel_loop3A_587, %parallel_loop3A_590 : i32
      %parallel_loop3A_592 = arith.constant 0 : i32
      %parallel_loop3A_593 = arith.cmpi sgt, %parallel_loop3A_583, %parallel_loop3A_592 : i32
      %parallel_loop3A_594 = arith.extui %parallel_loop3A_593 : i1 to i32
      %parallel_loop3A_595 = arith.constant 0 : i32
      %parallel_loop3A_596 = arith.cmpi slt, %parallel_loop3A_583, %parallel_loop3A_595 : i32
      %parallel_loop3A_597 = arith.extui %parallel_loop3A_596 : i1 to i32
      %parallel_loop3A_598 = arith.subi %parallel_loop3A_594, %parallel_loop3A_597 : i32
      %parallel_loop3A_599 = arith.cmpi ne, %parallel_loop3A_591, %parallel_loop3A_598 : i32
      %parallel_loop3A_600 = arith.remsi %parallel_loop3A_531, %parallel_loop3A_583 : i32
      %parallel_loop3A_601 = arith.constant 0 : i32
      %parallel_loop3A_602 = arith.cmpi ne, %parallel_loop3A_600, %parallel_loop3A_601 : i32
      %parallel_loop3A_603 = arith.andi %parallel_loop3A_599, %parallel_loop3A_602 : i1
      %parallel_loop3A_604 = arith.constant 1 : i32
      %parallel_loop3A_605 = arith.subi %parallel_loop3A_584, %parallel_loop3A_604 : i32
      %parallel_loop3A_606 = arith.select %parallel_loop3A_603, %parallel_loop3A_605, %parallel_loop3A_584 : i32
      %parallel_loop3A_607 = arith.constant 8 : i32
      %parallel_loop3A_608 = arith.constant 0 : i32
      %parallel_loop3A_609 = arith.cmpi eq, %parallel_loop3A_607, %parallel_loop3A_608 : i32
      %parallel_loop3A_610 = arith.constant 1 : i32
      %parallel_loop3A_611 = arith.select %parallel_loop3A_609, %parallel_loop3A_610, %parallel_loop3A_607 : i32
      %parallel_loop3A_612 = arith.remsi %parallel_loop3A_531, %parallel_loop3A_611 : i32
      %parallel_loop3A_613 = arith.constant 0 : i32
      %parallel_loop3A_614 = arith.cmpi ne, %parallel_loop3A_612, %parallel_loop3A_613 : i32
      %parallel_loop3A_615 = arith.constant 0 : i32
      %parallel_loop3A_616 = arith.cmpi slt, %parallel_loop3A_612, %parallel_loop3A_615 : i32
      %parallel_loop3A_617 = arith.constant 0 : i32
      %parallel_loop3A_618 = arith.cmpi slt, %parallel_loop3A_611, %parallel_loop3A_617 : i32
      %parallel_loop3A_619 = arith.xori %parallel_loop3A_616, %parallel_loop3A_618 : i1
      %parallel_loop3A_620 = arith.andi %parallel_loop3A_619, %parallel_loop3A_614 : i1
      %parallel_loop3A_621 = arith.addi %parallel_loop3A_612, %parallel_loop3A_611 : i32
      %parallel_loop3A_622 = arith.select %parallel_loop3A_620, %parallel_loop3A_621, %parallel_loop3A_612 : i32
      %parallel_loop3A_623 = arith.constant 16 : i32
      %parallel_loop3A_624 = arith.muli %parallel_loop3A_622, %parallel_loop3A_623 : i32
      %parallel_loop3A_625 = arith.constant 1 : i32
      %parallel_loop3A_626 = arith.index_cast %parallel_loop3A_625 : i32 to index
      %parallel_loop3A_627 = arith.index_cast %parallel_loop3A_606 : i32 to index
      %parallel_loop3A_628 = arith.index_cast %parallel_loop3A_624 : i32 to index
      %parallel_loop3A_629 = tpu.vector_load %arg6[%parallel_loop3A_626, %parallel_loop3A_627, %parallel_loop3A_628] {strides = array<i32>} : memref<2x128x128xf32, #tpu.memory_space<vmem>>, vector<16xf32>,
      %parallel_loop3A_630 = arith.subf %parallel_loop3A_629, %broadcast_in_dim3A_367 : vector<16xf32>
      %parallel_loop3A_631 = arith.mulf %parallel_loop3A_630, %div3A_371 : vector<16xf32>
      %parallel_loop3A_632 = arith.fptosi %parallel_loop3A_631 : vector<16xf32> to vector<16xi32>
      %parallel_loop3A_633 = arith.constant 0 : i32
      %parallel_loop3A_634 = vector.broadcast %parallel_loop3A_633 : i32 to vector<16xi32>
      %parallel_loop3A_635 = arith.maxsi %parallel_loop3A_632, %parallel_loop3A_634 : vector<16xi32>
      %parallel_loop3A_636 = arith.constant 64 : i32
      %parallel_loop3A_637 = vector.broadcast %parallel_loop3A_636 : i32 to vector<16xi32>
      %parallel_loop3A_638 = arith.minsi %parallel_loop3A_635, %parallel_loop3A_637 : vector<16xi32>
      %parallel_loop3A_639 = arith.sitofp %parallel_loop3A_638 : vector<16xi32> to vector<16xf32>
      %parallel_loop3A_640 = arith.cmpf ogt, %parallel_loop3A_631, %parallel_loop3A_639 : vector<16xf32>
      %parallel_loop3A_641 = arith.constant 1.000000e+00 : f32
      %parallel_loop3A_642 = vector.broadcast %parallel_loop3A_641 : f32 to vector<16xf32>
      %parallel_loop3A_643 = arith.addf %parallel_loop3A_639, %parallel_loop3A_642 : vector<16xf32>
      %parallel_loop3A_644 = arith.cmpf olt, %parallel_loop3A_631, %parallel_loop3A_643 : vector<16xf32>
      %parallel_loop3A_645 = arith.andi %parallel_loop3A_640, %parallel_loop3A_644 : vector<16xi1>
      %parallel_loop3A_646 = arith.addi %add3A_448, %parallel_loop3A_638 : vector<16xi32>
      tpu.vector_store_idx %arg8[%parallel_loop3A_646], %broadcast_in_dim3A_154 masked %parallel_loop3A_645 {add = true} : memref<2080xf32, #tpu.memory_space<vmem>>[vector<16xi32>], vector<16xf32>, vector<16xi1>
    } {sc.loop_unroll_factor = 8 : i64, sc.parallel_access}
    %broadcast_in_dim3A_469 = arith.constant 0.000000e+00 : f32
    %broadcast_in_dim3A_470 = vector.broadcast %broadcast_in_dim3A_469 : f32 to vector<16xf32>
    %scan3A_471 = arith.constant 0 : i32
    %scan3A_472 = arith.constant 16 : i32
    %scan3A_473 = arith.addi %scan3A_471, %scan3A_472 : i32
    %scan3A_474 = arith.constant 1 : i32
    %scan3A_475:8 = scf.for %scan3A_531 = %scan3A_471 to %scan3A_473 step %scan3A_474 iter_args(%scan3A_532 = %broadcast_in_dim3A_470, %scan3A_533 = %broadcast_in_dim3A_470, %scan3A_534 = %broadcast_in_dim3A_470, %scan3A_535 = %broadcast_in_dim3A_470, %scan3A_536 = %broadcast_in_dim3A_470, %scan3A_537 = %broadcast_in_dim3A_470, %scan3A_538 = %broadcast_in_dim3A_470, %scan3A_539 = %broadcast_in_dim3A_470) -> (vector<16xf32>, vector<16xf32>, vector<16xf32>, vector<16xf32>, vector<16xf32>, vector<16xf32>, vector<16xf32>, vector<16xf32>)  : i32 {
      %mul3A_540 = arith.constant 65 : i32
      %mul3A_541 = arith.muli %scan3A_531, %mul3A_540 : i32
      %add3A_542 = arith.constant 1040 : i32
      %add3A_543 = arith.addi %add3A_542, %mul3A_541 : i32
      %add3A_544 = arith.constant 0 : i32
      %add3A_545 = arith.addi %add3A_543, %add3A_544 : i32
      %get3A_546 = arith.index_cast %add3A_545 : i32 to index
      %get3A_547 = tpu.vector_load %arg7[%get3A_546] {strides = array<i32>} : memref<2080xf32, #tpu.memory_space<vmem>>, vector<16xf32>,
      %add3A_548 = arith.addf %scan3A_532, %get3A_547 : vector<16xf32>
      %mul3A_549 = arith.constant 65 : i32
      %mul3A_550 = arith.muli %scan3A_531, %mul3A_549 : i32
      %add3A_551 = arith.constant 1040 : i32
      %add3A_552 = arith.addi %add3A_551, %mul3A_550 : i32
      %add3A_553 = arith.constant 16 : i32
      %add3A_554 = arith.addi %add3A_552, %add3A_553 : i32
      %get3A_555 = arith.index_cast %add3A_554 : i32 to index
      %get3A_556 = tpu.vector_load %arg7[%get3A_555] {strides = array<i32>} : memref<2080xf32, #tpu.memory_space<vmem>>, vector<16xf32>,
      %add3A_557 = arith.addf %scan3A_533, %get3A_556 : vector<16xf32>
      %mul3A_558 = arith.constant 65 : i32
      %mul3A_559 = arith.muli %scan3A_531, %mul3A_558 : i32
      %add3A_560 = arith.constant 1040 : i32
      %add3A_561 = arith.addi %add3A_560, %mul3A_559 : i32
      %add3A_562 = arith.constant 32 : i32
      %add3A_563 = arith.addi %add3A_561, %add3A_562 : i32
      %get3A_564 = arith.index_cast %add3A_563 : i32 to index
      %get3A_565 = tpu.vector_load %arg7[%get3A_564] {strides = array<i32>} : memref<2080xf32, #tpu.memory_space<vmem>>, vector<16xf32>,
      %add3A_566 = arith.addf %scan3A_534, %get3A_565 : vector<16xf32>
      %mul3A_567 = arith.constant 65 : i32
      %mul3A_568 = arith.muli %scan3A_531, %mul3A_567 : i32
      %add3A_569 = arith.constant 1040 : i32
      %add3A_570 = arith.addi %add3A_569, %mul3A_568 : i32
      %add3A_571 = arith.constant 48 : i32
      %add3A_572 = arith.addi %add3A_570, %add3A_571 : i32
      %get3A_573 = arith.index_cast %add3A_572 : i32 to index
      %get3A_574 = tpu.vector_load %arg7[%get3A_573] {strides = array<i32>} : memref<2080xf32, #tpu.memory_space<vmem>>, vector<16xf32>,
      %add3A_575 = arith.addf %scan3A_535, %get3A_574 : vector<16xf32>
      %mul3A_576 = arith.constant 65 : i32
      %mul3A_577 = arith.muli %scan3A_531, %mul3A_576 : i32
      %add3A_578 = arith.constant 1040 : i32
      %add3A_579 = arith.addi %add3A_578, %mul3A_577 : i32
      %add3A_580 = arith.constant 0 : i32
      %add3A_581 = arith.addi %add3A_579, %add3A_580 : i32
      %get3A_582 = arith.index_cast %add3A_581 : i32 to index
      %get3A_583 = tpu.vector_load %arg8[%get3A_582] {strides = array<i32>} : memref<2080xf32, #tpu.memory_space<vmem>>, vector<16xf32>,
      %add3A_584 = arith.addf %scan3A_536, %get3A_583 : vector<16xf32>
      %mul3A_585 = arith.constant 65 : i32
      %mul3A_586 = arith.muli %scan3A_531, %mul3A_585 : i32
      %add3A_587 = arith.constant 1040 : i32
      %add3A_588 = arith.addi %add3A_587, %mul3A_586 : i32
      %add3A_589 = arith.constant 16 : i32
      %add3A_590 = arith.addi %add3A_588, %add3A_589 : i32
      %get3A_591 = arith.index_cast %add3A_590 : i32 to index
      %get3A_592 = tpu.vector_load %arg8[%get3A_591] {strides = array<i32>} : memref<2080xf32, #tpu.memory_space<vmem>>, vector<16xf32>,
      %add3A_593 = arith.addf %scan3A_537, %get3A_592 : vector<16xf32>
      %mul3A_594 = arith.constant 65 : i32
      %mul3A_595 = arith.muli %scan3A_531, %mul3A_594 : i32
      %add3A_596 = arith.constant 1040 : i32
      %add3A_597 = arith.addi %add3A_596, %mul3A_595 : i32
      %add3A_598 = arith.constant 32 : i32
      %add3A_599 = arith.addi %add3A_597, %add3A_598 : i32
      %get3A_600 = arith.index_cast %add3A_599 : i32 to index
      %get3A_601 = tpu.vector_load %arg8[%get3A_600] {strides = array<i32>} : memref<2080xf32, #tpu.memory_space<vmem>>, vector<16xf32>,
      %add3A_602 = arith.addf %scan3A_538, %get3A_601 : vector<16xf32>
      %mul3A_603 = arith.constant 65 : i32
      %mul3A_604 = arith.muli %scan3A_531, %mul3A_603 : i32
      %add3A_605 = arith.constant 1040 : i32
      %add3A_606 = arith.addi %add3A_605, %mul3A_604 : i32
      %add3A_607 = arith.constant 48 : i32
      %add3A_608 = arith.addi %add3A_606, %add3A_607 : i32
      %get3A_609 = arith.index_cast %add3A_608 : i32 to index
      %get3A_610 = tpu.vector_load %arg8[%get3A_609] {strides = array<i32>} : memref<2080xf32, #tpu.memory_space<vmem>>, vector<16xf32>,
      %add3A_611 = arith.addf %scan3A_539, %get3A_610 : vector<16xf32>
      scf.yield %add3A_548, %add3A_557, %add3A_566, %add3A_575, %add3A_584, %add3A_593, %add3A_602, %add3A_611 : vector<16xf32>, vector<16xf32>, vector<16xf32>, vector<16xf32>, vector<16xf32>, vector<16xf32>, vector<16xf32>, vector<16xf32>
    }
    %scan3A_476 = arith.constant 16 : i32
    %mul3A_477 = arith.constant 65 : i32
    %mul3A_478 = vector.broadcast %mul3A_477 : i32 to vector<16xi32>
    %mul3A_479 = arith.muli %iota3A, %mul3A_478 : vector<16xi32>
    %add3A_480 = arith.constant 1040 : i32
    %add3A_481 = vector.broadcast %add3A_480 : i32 to vector<16xi32>
    %add3A_482 = arith.addi %add3A_481, %mul3A_479 : vector<16xi32>
    %add3A_483 = arith.constant 64 : i32
    %add3A_484 = vector.broadcast %add3A_483 : i32 to vector<16xi32>
    %add3A_485 = arith.addi %add3A_482, %add3A_484 : vector<16xi32>
    %gather3A_486 = tpu.vector_load_idx %arg7[%add3A_485] : memref<2080xf32, #tpu.memory_space<vmem>>[vector<16xi32>], vector<16xf32>,
    %reduce_sum3A_487 = arith.constant true
    %reduce_sum3A_488 = vector.broadcast %reduce_sum3A_487 : i1 to vector<16xi1>
    %reduce_sum3A_489 = tpu.scan <sum>, %gather3A_486 masked %reduce_sum3A_488 : vector<16xf32>, vector<16xi1> -> vector<16xf32>
    %reduce_sum3A_490 = vector.extract %reduce_sum3A_489[15] : f32 from vector<16xf32>
    %eq3A_491 = arith.constant 15 : i32
    %eq3A_492 = vector.broadcast %eq3A_491 : i32 to vector<16xi32>
    %eq3A_493 = arith.cmpi eq, %iota3A, %eq3A_492 : vector<16xi32>
    %convert_element_type3A_494 = arith.extui %eq3A_493 : vector<16xi1> to vector<16xi32>
    %convert_element_type3A_495 = arith.sitofp %convert_element_type3A_494 : vector<16xi32> to vector<16xf32>
    %mul3A_496 = vector.broadcast %reduce_sum3A_490 : f32 to vector<16xf32>
    %mul3A_497 = arith.mulf %mul3A_496, %convert_element_type3A_495 : vector<16xf32>
    %add3A_498 = arith.addf %scan3A_475#3, %mul3A_497 : vector<16xf32>
    %sub3A_499 = arith.subf %scan3A_475#7, %add3A_498 : vector<16xf32>
    %abs3A_500 = math.absf %sub3A_499 : vector<16xf32>
    %sub3A_501 = arith.subf %scan3A_475#4, %scan3A_475#0 : vector<16xf32>
    %abs3A_502 = math.absf %sub3A_501 : vector<16xf32>
    %add3A_503 = arith.addf %abs3A_500, %abs3A_502 : vector<16xf32>
    %sub3A_504 = arith.subf %scan3A_475#5, %scan3A_475#1 : vector<16xf32>
    %abs3A_505 = math.absf %sub3A_504 : vector<16xf32>
    %add3A_506 = arith.addf %add3A_503, %abs3A_505 : vector<16xf32>
    %sub3A_507 = arith.subf %scan3A_475#6, %scan3A_475#2 : vector<16xf32>
    %abs3A_508 = math.absf %sub3A_507 : vector<16xf32>
    %add3A_509 = arith.addf %add3A_506, %abs3A_508 : vector<16xf32>
    %reduce_sum3A_510 = arith.constant true
    %reduce_sum3A_511 = vector.broadcast %reduce_sum3A_510 : i1 to vector<16xi1>
    %reduce_sum3A_512 = tpu.scan <sum>, %add3A_509 masked %reduce_sum3A_511 : vector<16xf32>, vector<16xi1> -> vector<16xf32>
    %reduce_sum3A_513 = vector.extract %reduce_sum3A_512[15] : f32 from vector<16xf32>
    %eq3A_514 = arith.constant 0 : i32
    %eq3A_515 = vector.broadcast %eq3A_514 : i32 to vector<16xi32>
    %eq3A_516 = arith.cmpi eq, %iota3A, %eq3A_515 : vector<16xi32>
    %broadcast_in_dim3A_517 = vector.broadcast %reduce_sum3A_442 : f32 to vector<16xf32>
    %broadcast_in_dim3A_518 = vector.broadcast %reduce_sum3A_513 : f32 to vector<16xf32>
    %select_n3A_519 = arith.select %eq3A_516, %broadcast_in_dim3A_517, %broadcast_in_dim3A_518 : vector<16xi1>, vector<16xf32>
    %eq3A_520 = arith.constant 0 : i32
    %eq3A_521 = vector.broadcast %eq3A_520 : i32 to vector<16xi32>
    %eq3A_522 = arith.cmpi eq, %iota3A, %eq3A_521 : vector<16xi32>
    %broadcast_in_dim3A_523 = vector.broadcast %mul3A_252 : f32 to vector<16xf32>
    %broadcast_in_dim3A_524 = vector.broadcast %mul3A_366 : f32 to vector<16xf32>
    %select_n3A_525 = arith.select %eq3A_522, %broadcast_in_dim3A_523, %broadcast_in_dim3A_524 : vector<16xi1>, vector<16xf32>
    %mul3A_526 = arith.constant 0x49800000 : f32
    %mul3A_527 = vector.broadcast %mul3A_526 : f32 to vector<16xf32>
    %mul3A_528 = arith.mulf %select_n3A_525, %mul3A_527 : vector<16xf32>
    %div3A_529 = arith.divf %select_n3A_519, %mul3A_528 : vector<16xf32>
    %swap3A = arith.constant 0 : index
    %swap3A_530 = tpu.vector_load %arg9[%swap3A] {strides = array<i32>} : memref<16xf32, #tpu.memory_space<vmem>>, vector<16xf32>,
    tpu.vector_store %arg9[%swap3A], %div3A_529 {strides = array<i32>} : memref<16xf32, #tpu.memory_space<vmem>>, vector<16xf32>,
    "tpu.region"() ({
      %run_scoped3A = tpu.sem_alloc : memref<!tpu.dma_semaphore, #tpu.memory_space<semaphore_mem>>
      %dma_start3A_531 = arith.constant 0 : i32
      %dma_start3A_532 = tpu.memref_slice %arg4[%add3A, %dma_start3A_531] : memref<32x16xf32, #tpu.memory_space<hbm>> -> memref<1x16xf32, #tpu.memory_space<hbm>>
      %dma_start3A_533 = tpu.memref_squeeze %dma_start3A_532 : memref<1x16xf32, #tpu.memory_space<hbm>> -> memref<16xf32, #tpu.memory_space<hbm>>
      %dma_start3A_534 = arith.constant 0 : i32
      %dma_start3A_535 = tpu.memref_slice %arg4[%add3A, %dma_start3A_534] : memref<32x16xf32, #tpu.memory_space<hbm>> -> memref<1x16xf32, #tpu.memory_space<hbm>>
      %dma_start3A_536 = tpu.memref_squeeze %dma_start3A_535 : memref<1x16xf32, #tpu.memory_space<hbm>> -> memref<16xf32, #tpu.memory_space<hbm>>
      tpu.enqueue_dma source(%arg9 : memref<16xf32, #tpu.memory_space<vmem>>) target(%dma_start3A_536 : memref<16xf32, #tpu.memory_space<hbm>>) target_semaphore(%run_scoped3A : memref<!tpu.dma_semaphore, #tpu.memory_space<semaphore_mem>>)
      %dma_wait3A_537 = arith.constant 0 : i32
      %dma_wait3A_538 = tpu.memref_slice %arg4[%add3A, %dma_wait3A_537] : memref<32x16xf32, #tpu.memory_space<hbm>> -> memref<1x16xf32, #tpu.memory_space<hbm>>
      %dma_wait3A_539 = tpu.memref_squeeze %dma_wait3A_538 : memref<1x16xf32, #tpu.memory_space<hbm>> -> memref<16xf32, #tpu.memory_space<hbm>>
      %dma_wait3A_540 = arith.constant 0 : i32
      %dma_wait3A_541 = tpu.memref_slice %arg4[%add3A, %dma_wait3A_540] : memref<32x16xf32, #tpu.memory_space<hbm>> -> memref<1x16xf32, #tpu.memory_space<hbm>>
      %dma_wait3A_542 = tpu.memref_squeeze %dma_wait3A_541 : memref<1x16xf32, #tpu.memory_space<hbm>> -> memref<16xf32, #tpu.memory_space<hbm>>
      tpu.wait_dma2 semaphore(%run_scoped3A : memref<!tpu.dma_semaphore, #tpu.memory_space<semaphore_mem>>) src(%arg9 : memref<16xf32, #tpu.memory_space<vmem>>) dst(%dma_wait3A_542 : memref<16xf32, #tpu.memory_space<hbm>>)
      tpu.yield
    }) : () -> ()
    return
  }
}

</mosaic_0001>

<sc_bundles>
// kernel: kernel.3.cloned.1.call-start
scs
__scs_entry_jumppad:
0x0: {  	(pc) =	sbr.rel $0x88, $3  }
0x1: {  	(tag) =	ssettag $0x0;
	lr =	simm.s32 $0x1  }
0x2: {  	[smem:$0x3F9F] =	sst lr;
	_ =	strace $0xD0000000  }
0x3: {  	_ = 	snop  }
0x4: {  	_ = 	snop  }
0x5: {  	_ = 	snop  }
0x6: {  	_ = 	snop  }
0x7: {  	_ = 	snop  }
__scs_overlays_trampoline_lowered:
0x8: {  	[smem:$0x3FAE] =	sst s0  }
0x9: {  	[smem:$0x3FAF] =	sst s1  }
0xa: {  	[smem:$0x3FB0] =	sst s2  }
0xb: {  	[smem:$0x3FB1] =	sst s3  }
0xc: {  	[smem:$0x3FB2] =	sst s4  }
0xd: {  	[smem:$0x3FB3] =	sst s5  }
0xe: {  	[smem:$0x3FB4] =	sst s6  }
0xf: {  	[smem:$0x3FB5] =	sst s7  }
0x10: {  	[smem:$0x3FB6] =	sst s8  }
0x11: {  	[smem:$0x3FB7] =	sst s9;
	s0 =	simm.s32 @!p0 $0x0  }
0x12: {  	s1 =	sld [smem:$0x3F9D];
	s0 =	simm.s32 @p0 $0x1  }
0x13: {  	[smem:$0x3FB8] =	sst s0;
	s0 =	simm.s32 @!p1 $0x0  }
0x14: {  	s2 =	sld [smem:$0x3F9C];
	s0 =	simm.s32 @p1 $0x1  }
0x15: {  	[smem:$0x3FB9] =	sst s0;
	s0 =	simm.s32 @!p2 $0x0  }
0x16: {  	s3 =	sld [smem:$0x3FDB];
	s0 =	simm.s32 @p2 $0x1  }
0x17: {  	s4 =	simm.s32 $0x1BF5;
	[smem:$0x3FBB] =	sst s0  }
0x18: {  	s0 =	sld [smem:$0x3F9E];
	_ =	swait.ge [sflag:s4], $0x0  }
0x19: {  	s7 =	sld [smem:$0x3F9F]  }
0x1a: {  	s8 =	sadd.s32 $0xFFFFE003, lr  }
0x1b: {  	s9 =	sadd.s32 $0xFFFFFEF7, lr;
	s5 =	simm.s32 $0xFFFFFFFF;
	p2 =	slt.u32 s8, $0xFFFFF086  }
0x1c: {  	p1 =	slt.u32 s9, $0xF7A;
	s5 =	simm.s32 @!p2 $0x0  }
0x1d: {  	s5 =	simm.s32 @p1 $0x1;
	p0 =	seq.s32 s7, s2  }
0x1e: {  	s7 =	smul.u32 @!p0 $0xF7A, s2;
	p2 =	seq.s32 @!p0 s5, $0x0  }
0x1f: {  	s9 =	smul.u32 $0xF7A, s1;
	s8 =	simm.s32 @!p0 $0x1BF5;
	p2 =	por !p2, p0  }
0x20: {  	[sflag:s8] =	ssyncset.s32 @!p0 $0xFFFFF086;
	s6 =	sadd.s32 @!p0 s3, s7;
	s7 =	simm.s32 @!p0 $0x108  }
0x21: {  	s3 =	sadd.s32 s3, s9;
	s6 =	sadd.s32 @!p0 $0x88, s6;
	s7 =	simm.s32 @p2 $0x1082  }
0x22: {  	[simem:s7], [sflag:s8] =	dma.local @!p0 [hbm:s6], $0xF7A  }
0x23: {  	s9 =	sor.u32 $0xD0000000, s2;
	s6 =	simm.s32 $0x108;
	_ =	swait.ge @!p0 [sflag:s8], $0x0  }
0x24: {  	s3 =	sadd.s32 $0x88, s3;
	s6 =	simm.s32 @!p1 $0x1082;
	[sflag:s4] =	ssyncset.s32 $0xFFFFF086  }
0x25: {  	[simem:s6], [sflag:s4] =	dma.local [hbm:s3], $0xF7A  }
0x26: {  	[smem:$0x3F9F] =	sst s1;
	(tag) =	ssettag s2;
	_ =	strace s9  }
0x27: {  	s1 =	sld [smem:$0x3FAF]  }
0x28: {  	s2 =	sld [smem:$0x3FB0]  }
0x29: {  	s4 =	sld [smem:$0x3FB2]  }
0x2a: {  	p0 =	seq.s32 s5, $0x0;
	s5 =	sld [smem:$0x3FB3]  }
0x2b: {  	s6 =	sld [smem:$0x3FB4]  }
0x2c: {  	s7 =	sld [smem:$0x3FB5]  }
0x2d: {  	s3 =	simm.s32 $0x108;
	s8 =	sld [smem:$0x3FB6]  }
0x2e: {  	s3 =	simm.s32 @!p0 $0x1082;
	s9 =	sld [smem:$0x3FB7]  }
0x2f: {  	lr =	sadd.s32 s0, s3;
	s0 =	sld [smem:$0x3FAE]  }
0x30: {  	s3 =	sld [smem:$0x3FB1]  }
0x31: {  	[smem:$0x3FBA] =	sst s10  }
0x32: {  	s10 =	sld [smem:$0x3FB8];
	_ =	sdelay $0x3  }
0x33: {  	p0 =	seq.s32 s10, $0x1;
	s10 =	sld [smem:$0x3FBA];
	_ =	sdelay $0x3  }
0x34: {  	[smem:$0x3FBA] =	sst s10  }
0x35: {  	s10 =	sld [smem:$0x3FB9];
	_ =	sdelay $0x3  }
0x36: {  	p1 =	seq.s32 s10, $0x1;
	s10 =	sld [smem:$0x3FBA];
	_ =	sdelay $0x3  }
0x37: {  	[smem:$0x3FBA] =	sst s10  }
0x38: {  	s10 =	sld [smem:$0x3FBB]  }
0x39: {  	_ = 	snop;
	(pc) =	sbr.ind lr, $3  }
0x3a: {  	_ = 	snop  }
0x3b: {  	_ = 	snop  }
0x3c: {  	p2 =	seq.s32 s10, $0x1;
	s10 =	sld [smem:$0x3FBA]  }
0x3d: {  	_ =	shalt  }
0x3e: {  	_ =	shalt  }
0x3f: {  	_ =	shalt  }
0x40: {  	_ =	shalt  }
0x41: {  	_ =	shalt  }
0x42: {  	_ =	shalt  }
0x43: {  	_ =	shalt  }
0x44: {  	_ =	shalt  }
0x45: {  	_ =	shalt  }
0x46: {  	_ =	shalt  }
0x47: {  	_ =	shalt  }
0x48: {  	_ =	shalt  }
0x49: {  	_ =	shalt  }
0x4a: {  	_ =	shalt  }
0x4b: {  	_ =	shalt  }
0x4c: {  	_ =	shalt  }
0x4d: {  	_ =	shalt  }
0x4e: {  	_ =	shalt  }
0x4f: {  	_ =	shalt  }
0x50: {  	_ =	shalt  }
0x51: {  	_ =	shalt  }
0x52: {  	_ =	shalt  }
0x53: {  	_ =	shalt  }
0x54: {  	_ =	shalt  }
0x55: {  	_ =	shalt  }
0x56: {  	_ =	shalt  }
0x57: {  	_ =	shalt  }
0x58: {  	_ =	shalt  }
0x59: {  	_ =	shalt  }
0x5a: {  	_ =	shalt  }
0x5b: {  	_ =	shalt  }
0x5c: {  	_ =	shalt  }
0x5d: {  	_ =	shalt  }
0x5e: {  	_ =	shalt  }
0x5f: {  	_ =	shalt  }
0x60: {  	_ =	shalt  }
0x61: {  	_ =	shalt  }
0x62: {  	_ =	shalt  }
0x63: {  	_ =	shalt  }
0x64: {  	_ =	shalt  }
0x65: {  	_ =	shalt  }
0x66: {  	_ =	shalt  }
0x67: {  	_ =	shalt  }
0x68: {  	_ =	shalt  }
0x69: {  	_ =	shalt  }
0x6a: {  	_ =	shalt  }
0x6b: {  	_ =	shalt  }
0x6c: {  	_ =	shalt  }
0x6d: {  	_ =	shalt  }
0x6e: {  	_ =	shalt  }
0x6f: {  	_ =	shalt  }
0x70: {  	_ =	shalt  }
0x71: {  	_ =	shalt  }
0x72: {  	_ =	shalt  }
0x73: {  	_ =	shalt  }
0x74: {  	_ =	shalt  }
0x75: {  	_ =	shalt  }
0x76: {  	_ =	shalt  }
0x77: {  	_ =	shalt  }
0x78: {  	_ =	shalt  }
0x79: {  	_ =	shalt  }
0x7a: {  	_ =	shalt  }
0x7b: {  	_ =	shalt  }
0x7c: {  	_ =	shalt  }
0x7d: {  	_ =	shalt  }
0x7e: {  	_ =	shalt  }
0x7f: {  	_ =	shalt  }
0x80: {  	_ =	shalt  }
0x81: {  	_ =	shalt  }
0x82: {  	_ =	shalt  }
0x83: {  	_ =	shalt  }
0x84: {  	_ =	shalt  }
0x85: {  	_ =	shalt  }
0x86: {  	_ =	shalt  }
0x87: {  	_ =	shalt  }
.Lfunc_end0:
.L_simem_size_0:
called_computation_lowered:
.L_overlay_start_0:
0x88: {  	s2 =	sld [smem:$0x3FD9]  }
0x89: {  	s3 =	sld [smem:$0x3FFE];
	_ =	sdelay $0x1  }
0x8a: {  	s1 =	srdreg.scid  }
0x8b: {  	s0 =	sand.u32 $0x1, s1  }
0x8c: {  	s18 =	sshll.u32 s0, $0xA;
	s2 =	sadd.s32 s3, s2  }
0x8d: {  	s2 =	sadd.s32 s2, s18  }
0x8e: {  	[smem:$0x3FC6] =	sst s2  }
0x8f: {  	_ = 	snop  }
0x90: {  	s2 =	sld [smem:$0x3FC9]  }
0x91: {  	s19 =	sld [smem:$0x3FC8]  }
0x92: {  	s4 =	sld [smem:$0x3FD0];
	(tm) =	ssettm $0x1  }
0x93: {  	s5 =	sld [smem:$0x3FFB];
	_ =	sdelay $0x3  }
0x94: {  	_ =	strace s5  }
0x95: {  	s5 =	sld [smem:$0x3FFC];
	_ =	sdelay $0x3  }
0x96: {  	_ =	strace s5  }
0x97: {  	s5 =	sld [smem:$0x3FFD];
	_ =	sdelay $0x3  }
0x98: {  	_ =	strace s5  }
0x99: {  	_ =	strace $0x8FFFFFFF  }
0x9a: {  	s20 =	sld [smem:$0x3FDB];
	_ =	sdelay $0x1  }
0x9b: {  	s6 =	simm.s32 $_scs_section_size  }
0x9c: {  	s7 =	simm.s32 $_size__tile_overlayer_lowered;
	s8 =	simm.s32 $_tile_overlayer_lowered  }
0x9d: {  	s23 =	simm.s32 $0x1BFF;
	s22 =	sshll.u32 s8, $0x1;
	s5 =	sadd.s32 s6, s20  }
0x9e: {  	s9 =	simm.s32 $0x0;
	s21 =	sshll.u32 s7, $0x1;
	s7 =	sadd.s32 s22, s5  }
0x9f: {  	[timem:s9], [sflag:s23] =	dma.local [hbm:s7], s21  }
0xa0: {  	_ =	swait.ge [sflag:s23], s21  }
0xa1: {  	s6 =	ssub.s32 $0x0, s21;
	[sflag:s23] =	ssyncset.done $0x0  }
0xa2: {  	[sflag:s23] =	ssyncadd.s32 s6;
	_ =	sdelay $0x1  }
0xa3: {  	s24 =	simm.s32 $0x1B8B  }
0xa4: {  	_ =	swait.ge [sflag:s24], $0x1  }
0xa5: {  	[sflag:s24] =	ssyncset.done $0x0  }
0xa6: {  	s25 =	simm.s32 $0x1B8E;
	[sflag:s24] =	ssyncadd.s32 $0xFFFFFFFF  }
0xa7: {  	s26 =	simm.s32 $execute0_lowered;
	[smem:$0x3FD2] =	sst s25  }
0xa8: {  	s6 =	sshll.u32 s26, $0x1;
	_ =	strace $0x80000046;
	[dreg:$0x1] =	wrdreg $0xFFFFFFFF  }
0xa9: {  	s28 =	simm.s32 $_size_execute0_lowered;
	s5 =	sadd.s32 s5, s6;
	[dreg:$0x0] =	wrdreg $0x0  }
0xaa: {  	s6 =	sshll.u32 s28, $0x1;
	[dreg:$0x2] =	wrdreg s5  }
0xab: {  	[dreg:$0x3] =	wrdreg s6  }
0xac: {  	[dreg:$0x4] =	wrdreg $0xC0  }
0xad: {  	_ =	task [dreg:s9], $0x5FFFF  }
0xae: {  	[dreg:$0x1] =	wrdreg $0xFFFFFFFF  }
0xaf: {  	[dreg:$0x0] =	wrdreg $0x60  }
0xb0: {  	[dreg:$0x2] =	wrdreg s19  }
0xb1: {  	[dreg:$0x3] =	wrdreg s2  }
0xb2: {  	[dreg:$0x4] =	wrdreg s4  }
0xb3: {  	[dreg:$0x5] =	wrdreg $0x9  }
0xb4: {  	_ =	task.clear_ibuf [dreg:s9], $0x6FFFF;
	_ =	strace $0x90000046  }
0xb5: {  	s29 =	simm.s32 $0x9;
	_ =	strace $0x80000048  }
0xb6: {  	_ =	swait.ge [sflag:s29], $0x1  }
0xb7: {  	[sflag:s29] =	ssyncadd.s32 $0xFFFFFFFF  }
0xb8: {  	_ =	strace $0x90000048  }
0xb9: {  	_ =	sfence  }
0xba: {  	s30 =	sld [smem:$0x0];
	_ =	sdelay $0x2  }
0xbb: {  	s31 =	sshll.u32 s1, $0xD;
	s1 =	sshrl.u32 s1, $0x2  }
0xbc: {  	s3 =	sand.u32 $0x4000, s31;
	s1 =	sadd.s32 s1, s30  }
0xbd: {  	s0 =	sor.u32 s3, s0;
	s1 =	sshll.u32 s1, $0x11  }
0xbe: {  	s0 =	sor.u32 s1, s0  }
0xbf: {  	s0 =	sadd.s32 $0x8F2B, s0  }
0xc0: {  	[sflag:s0] =	ssyncadd.remote.s32 $0x1  }
0xc1: {  	_ =	sfence.sel $0xFFFF  }
0xc2: {  	[dreg:$0x0] =	wrdreg $0xFFFFFFFF;
	(pc) =	sbr.abs _section_cstart, $3  }
0xc3: {  	[dreg:$0x1] =	wrdreg $0xFFFFFFFF  }
0xc4: {  	_ =	task.clear_ibuf [dreg:s9], $0x2FFFF;
	_ =	strace $0x9FFFFFFF  }
0xc5: {  	(tm) =	ssettm $0x7FFFFFFF  }
tec
execute0_lowered:
.L_overlay_start_1:
0x0: {  	(tag) =	ssettag $0x1  }
0x1: {  	s4 =	rddreg [dreg:$0x0]  }
0x2: {  	s6 =	rddreg [dreg:$0x1]  }
0x3: {  	s5 =	rddreg [dreg:$0x2]  }
0x4: {  	s1 =	srdreg.scid;
	s0 =	rddreg [dreg:$0x3]  }
0x5: {  	s2 =	simm.s32 $0x0;
	s12 =	simm.s32 $0x8000;
	s13 =	simm.s32 $0xC000  }
0x6: {  	s14 =	simm.s32 $0x1;
	s15 =	simm.s32 $0x3;
	s16 =	simm.s32 $0x2  }
0x7: {  	s17 =	simm.s32 $0x10000;
	s18 =	simm.s32 $0x4;
	s19 =	simm.s32 $0x10820  }
0x8: {  	s20 =	simm.s32 $0x11040;
	s21 =	simm.s32 $0x5;
	s22 =	simm.s32 $0x0  }
0x9: {  	s30 =	simm.s32 $0x0;
	s7 =	sand.u32 $0x1, s1;
	s1 =	stileid.u32  }
0xa: {  	[smem:$0x7FF] =	sst s2;
	s3 =	ssub.s32 $0x2, s7;
	s9 =	sshll.u32 s1, $0xD  }
0xb: {  	s10 =	sshll.u32 s7, $0x5;
	_ =	strace $0x80000047;
	s7 =	sshll.u32 s7, $0x1  }
0xc: {  	s11 =	sshll.u32 s1, $0x2;
	s8 =	sshrl.u32 s3, $0x1;
	s9 =	sor.u32 s10, s9  }
0xd: {  	s7 =	sadd.s32 s5, s7;
	s8 =	ssub.s32 s3, s8;
	s3 =	sadd.s32 s4, s9  }
0xe: {  	s10 =	sor.u32 $0x10, s9;
	s5 =	sadd.s32 s6, s9;
	s7 =	sadd.s32 s11, s7  }
0xf: {  	v0 =	vimm.f32 $0.0e+00;
	v1 =	vlaneseq.u32;
	s9 =	simm.s32 $0x80;
	s11 =	simm.s32 $0x4000;
	s4 =	sadd.s32 s4, s10  }
0x10: {  	v2 =	vimm.f32 $1.000000000e+00;
	vm0 =	vcmask $0x3B00;
	v1 =	vmul.u32 $0x41, v1;
	s6 =	sadd.s32 s6, s10;
	s8 =	smax.u32 s8, $0x1;
	s10 =	simm.s32 $0x200  }
.LBB2_1:
0x11: {  	[tilespmem:s2], [sflag:$0x1] =	stream.strided.gather [hbm4b:s3+s9], $0x4000, s10, s9, $0x38;
	[tilespmem:$0x11050] =	vst v63  }
0x12: {  	_ = 	snop  }
0x13: {  	[tilespmem:s11], [sflag:$0x3] =	stream.strided.gather [hbm4b:s4+s9], $0x4000, s10, s9, $0x38;
	[tilespmem:$0x11050] =	vst v63  }
0x14: {  	_ = 	snop  }
0x15: {  	[tilespmem:s12], [sflag:$0x2] =	stream.strided.gather [hbm4b:s5+s9], $0x4000, s10, s9, $0x38;
	[tilespmem:$0x11050] =	vst v63  }
0x16: {  	s23 =	simm.s32 $0x10020  }
0x17: {  	[tilespmem:s13], [sflag:$0x4] =	stream.strided.gather [hbm4b:s6+s9], $0x4000, s10, s9, $0x38;
	[tilespmem:$0x11050] =	vst v63  }
0x18: {  	[tilespmem:s23+$0xFFFFFFF0] =	vst v0  }
0x19: {  	[tilespmem:s23+$0xFFFFFFE0] =	vst v0  }
0x1a: {  	[tilespmem:s23+$0x0] =	vst v0  }
0x1b: {  	[tilespmem:s23+$0x10] =	vst v0  }
0x1c: {  	s24 =	simm.s32 $0x10840;
	[tilespmem:s23+$0x20] =	vst v0  }
0x1d: {  	[tilespmem:s24+$0xFFFFFFE0] =	vst v0  }
0x1e: {  	[tilespmem:s24+$0x20] =	vst v0  }
0x1f: {  	[tilespmem:s24+$0x10] =	vst v0  }
0x20: {  	s25 =	simm.s32 $0x0;
	[tilespmem:s24+$0x0] =	vst v0  }
.LBB2_2:
0x21: {  	s25 =	sadd.s32 $0x5, s25;
	[tilespmem:s24+$0xFFFFFFF0] =	vst v0;
	s23 =	sadd.s32 $0x50, s23;
	s24 =	sadd.s32 $0x50, s24  }
0x22: {  	[tilespmem:s23+$0xFFFFFFF0] =	vst v0;
	p0 =	slt.u32 s25, $0x7D  }
0x23: {  	[tilespmem:s23+$0xFFFFFFE0] =	vst v0  }
0x24: {  	[tilespmem:s24+$0xFFFFFFE0] =	vst v0  }
0x25: {  	[tilespmem:s23+$0x0] =	vst v0  }
.Ltmp0:
0x26: {  	[tilespmem:s23+$0x10] =	vst v0;
	(pc) =	sbr.rel @p0 .LBB2_2-.Ltmp0, $4  }
0x27: {  	[tilespmem:s23+$0x20] =	vst v0  }
0x28: {  	[tilespmem:s24+$0x20] =	vst v0  }
0x29: {  	[tilespmem:s24+$0x10] =	vst v0  }
0x2a: {  	[tilespmem:s24+$0x0] =	vst v0  }
0x2b: {  	[tilespmem:s24+$0xFFFFFFF0] =	vst v0  }
0x2c: {  	_ =	swait.ge [sflag:s14], $0x4000  }
0x2d: {  	[sflag:s14] =	ssyncset.done $0x0  }
0x2e: {  	[sflag:s14] =	ssyncadd.s32 $0xFFFFC000  }
0x2f: {  	v4 =	vld [tilespmem:$0x0]  }
0x30: {  	v7 =	vld [tilespmem:$0x10]  }
0x31: {  	v5 =	vld [tilespmem:$0x20]  }
0x32: {  	v9 =	vld [tilespmem:$0x30]  }
0x33: {  	v6 =	vld [tilespmem:$0x40]  }
0x34: {  	v8 =	vld [tilespmem:$0x50]  }
0x35: {  	s25 =	simm.s32 $0x0;
	v10 =	vld [tilespmem:$0x70]  }
0x36: {  	v11 =	vld [tilespmem:s25+$0xF0]  }
0x37: {  	v13 =	vld [tilespmem:s25+$0x80]  }
0x38: {  	v14 =	vld [tilespmem:s25+$0x90]  }
0x39: {  	v3 =	vld [tilespmem:$0x60]  }
0x3a: {  	v22 =	vld [tilespmem:s25+$0xA0]  }
0x3b: {  	v19 =	vld [tilespmem:s25+$0xB0]  }
0x3c: {  	v18 =	vld [tilespmem:s25+$0xC0];
	v12 =	vmin.f32 v10, v11;
	v10 =	vmax.f32 v10, v11;
	v11 =	vmin.f32 v4, v13  }
0x3d: {  	v23 =	vld [tilespmem:s25+$0xD0];
	v13 =	vmax.f32 v4, v13;
	v15 =	vmin.f32 v7, v14;
	v16 =	vmax.f32 v7, v14  }
0x3e: {  	s23 =	simm.s32 $0x80;
	s24 =	simm.s32 $0x400;
	v25 =	vld [tilespmem:s25+$0xE0];
	v26 =	vmovc v5;
	v24 =	vmovc v9;
	v21 =	vmov v6;
	v20 =	vmov v8;
	v17 =	vmov v3  }
.LBB2_4:
0x3f: {  	p0 =	sne.s32 s24, $0xFC00;
	v4 =	vld [tilespmem:s23+$0xF0];
	v5 =	vmin.f32 v5, v22;
	v26 =	vmax.f32 v26, v22  }
0x40: {  	v7 =	vld [tilespmem:s23+$0x80];
	v9 =	vmin.f32 v9, v19;
	v24 =	vmax.f32 v24, v19  }
0x41: {  	v14 =	vld [tilespmem:s23+$0x90];
	v6 =	vmin.f32 v6, v18;
	v21 =	vmax.f32 v21, v18  }
.Ltmp1:
0x42: {  	v22 =	vld [tilespmem:s23+$0xA0];
	v8 =	vmin.f32 v8, v23;
	v20 =	vmax.f32 v20, v23;
	(pc) =	sbr.rel @p0 .LBB2_4-.Ltmp1, $4  }
0x43: {  	v19 =	vld [tilespmem:s23+$0xB0];
	v3 =	vmin.f32 v3, v25;
	v17 =	vmax.f32 v17, v25  }
0x44: {  	v18 =	vld [tilespmem:s23+$0xC0];
	v12 =	vmin.f32 v12, v4;
	v10 =	vmax.f32 v10, v4  }
0x45: {  	v11 =	vmin.f32 v11, v7;
	v13 =	vmax.f32 v13, v7;
	v23 =	vld [tilespmem:s23+$0xD0]  }
0x46: {  	v15 =	vmin.f32 v15, v14;
	v16 =	vmax.f32 v16, v14;
	v25 =	vld [tilespmem:s23+$0xE0];
	s23 =	sshra.s32 s24, $0x2;
	s24 =	sadd.s32 $0x200, s24  }
0x47: {  	v27 =	vld [tilespmem:s23+$0xF0]  }
0x48: {  	v28 =	vld [tilespmem:s23+$0x80]  }
0x49: {  	v30 =	vld [tilespmem:s23+$0x90]  }
0x4a: {  	v31 =	vld [tilespmem:s23+$0xA0]  }
0x4b: {  	v33 =	vld [tilespmem:s23+$0xB0]  }
0x4c: {  	v35 =	vld [tilespmem:s23+$0xC0]  }
0x4d: {  	v37 =	vld [tilespmem:s23+$0xD0]  }
0x4e: {  	v39 =	vld [tilespmem:s23+$0xE0];
	_ =	swait.ge [sflag:s15], $0x4000  }
0x4f: {  	[sflag:s15] =	ssyncset.done $0x0  }
0x50: {  	[sflag:s15] =	ssyncadd.s32 $0xFFFFC000  }
0x51: {  	v40 =	vld [tilespmem:$0x4000]  }
0x52: {  	v41 =	vld [tilespmem:$0x4010]  }
0x53: {  	v14 =	vld [tilespmem:$0x4020]  }
0x54: {  	v7 =	vld [tilespmem:$0x4030]  }
0x55: {  	v4 =	vld [tilespmem:$0x4040]  }
0x56: {  	v32 =	vmin.f32 v5, v22;
	v22 =	vmax.f32 v26, v22;
	v9 =	vmin.f32 v9, v19;
	v5 =	vld [tilespmem:$0x4050]  }
0x57: {  	v19 =	vmax.f32 v24, v19;
	v24 =	vmin.f32 v6, v18;
	v18 =	vmax.f32 v21, v18;
	v6 =	vld [tilespmem:$0x4060]  }
0x58: {  	s25 =	simm.s32 $0x0;
	v8 =	vmin.f32 v8, v23;
	v23 =	vmax.f32 v20, v23;
	v26 =	vld [tilespmem:$0x4070];
	v38 =	vmin.f32 v3, v25  }
0x59: {  	v25 =	vmax.f32 v17, v25;
	v3 =	vmin.f32 v12, v27;
	v12 =	vld [tilespmem:s25+$0x40F0];
	v20 =	vmax.f32 v10, v27  }
0x5a: {  	v21 =	vmin.f32 v11, v28;
	v27 =	vmax.f32 v13, v28;
	v11 =	vld [tilespmem:s25+$0x4080];
	v29 =	vmin.f32 v15, v30  }
0x5b: {  	v30 =	vmax.f32 v16, v30;
	v28 =	vmin.f32 v32, v31;
	v13 =	vld [tilespmem:s25+$0x4090];
	v31 =	vmax.f32 v22, v31  }
0x5c: {  	v32 =	vmin.f32 v9, v33;
	v33 =	vmax.f32 v19, v33;
	v22 =	vld [tilespmem:s25+$0x40A0];
	v34 =	vmin.f32 v24, v35  }
0x5d: {  	v17 =	vld [tilespmem:s25+$0x40B0];
	v35 =	vmax.f32 v18, v35;
	v36 =	vmin.f32 v8, v37;
	v37 =	vmax.f32 v23, v37  }
0x5e: {  	v38 =	vmin.f32 v38, v39;
	v39 =	vmax.f32 v25, v39;
	v18 =	vld [tilespmem:s25+$0x40C0];
	v25 =	vmovc v7;
	v23 =	vmovc v4;
	v16 =	vmov v5  }
0x5f: {  	v19 =	vld [tilespmem:s25+$0x40D0];
	v15 =	vmovc v6;
	v9 =	vmin.f32 v26, v12;
	v10 =	vmax.f32 v26, v12;
	v8 =	vmin.f32 v40, v11  }
0x60: {  	s23 =	simm.s32 $0x80;
	s24 =	simm.s32 $0x400;
	v24 =	vld [tilespmem:s25+$0x40E0];
	v11 =	vmax.f32 v40, v11;
	v12 =	vmin.f32 v41, v13;
	v13 =	vmax.f32 v41, v13;
	v26 =	vmovc v14  }
.LBB2_6:
0x61: {  	p0 =	sne.s32 s24, $0xFC00;
	v40 =	vld [tilespmem:s23+$0x40F0];
	v14 =	vmin.f32 v14, v22;
	v26 =	vmax.f32 v26, v22  }
0x62: {  	v41 =	vld [tilespmem:s23+$0x4080];
	v7 =	vmin.f32 v7, v17;
	v25 =	vmax.f32 v25, v17  }
0x63: {  	v42 =	vld [tilespmem:s23+$0x4090];
	v4 =	vmin.f32 v4, v18;
	v23 =	vmax.f32 v23, v18  }
.Ltmp2:
0x64: {  	v22 =	vld [tilespmem:s23+$0x40A0];
	v5 =	vmin.f32 v5, v19;
	v16 =	vmax.f32 v16, v19;
	(pc) =	sbr.rel @p0 .LBB2_6-.Ltmp2, $4  }
0x65: {  	v17 =	vld [tilespmem:s23+$0x40B0];
	v6 =	vmin.f32 v6, v24;
	v15 =	vmax.f32 v15, v24  }
0x66: {  	v18 =	vld [tilespmem:s23+$0x40C0];
	v9 =	vmin.f32 v9, v40;
	v10 =	vmax.f32 v10, v40  }
0x67: {  	v8 =	vmin.f32 v8, v41;
	v11 =	vmax.f32 v11, v41;
	v19 =	vld [tilespmem:s23+$0x40D0]  }
0x68: {  	v12 =	vmin.f32 v12, v42;
	v13 =	vmax.f32 v13, v42;
	v24 =	vld [tilespmem:s23+$0x40E0];
	s23 =	sshra.s32 s24, $0x2;
	s24 =	sadd.s32 $0x200, s24  }
0x69: {  	v21 =	vmin.f32 v21, v29  }
0x6a: {  	v27 =	vmax.f32 v27, v30;
	v21 =	vmin.f32 v21, v28  }
0x6b: {  	v27 =	vmax.f32 v27, v31;
	v21 =	vmin.f32 v21, v32  }
0x6c: {  	v27 =	vmax.f32 v27, v33;
	v21 =	vmin.f32 v21, v34  }
0x6d: {  	v27 =	vmax.f32 v27, v35;
	v21 =	vmin.f32 v21, v36  }
0x6e: {  	v27 =	vmax.f32 v27, v37;
	v21 =	vmin.f32 v21, v38  }
0x6f: {  	v27 =	vmax.f32 v27, v39;
	v3 =	vmin.f32 v21, v3  }
0x70: {  	v20 =	vmax.f32 v27, v20;
	(xrf0) =	vmin.scan.msk.f32 $0xffff, v3  }
0x71: {  	(xrf0) =	vmax.scan.msk.f32 $0xffff, v20;
	_ =	sdelay $0x4  }
0x72: {  	v3, _, _ =	vpop (xrf0)  }
0x73: {  	(v2sf) =	vpush v3, $0xF;
	v3, _, _ =	vpop (xrf0)  }
0x74: {  	(v2sf) =	vpush v3, $0xF;
	_ =	sdelay $0xd  }
0x75: {  	s24 =	spop (v2sf)  }
0x76: {  	s25 =	spop (v2sf)  }
0x77: {  	s26 =	ssub.f32 s25, s24;
	_ =	sdelay $0x1  }
0x78: {  	s28 =	sadd.f32 $9.999999740e-06, s25;
	s26 =	sand.u32 $0x7FFFFFFF, s26  }
0x79: {  	p0 =	slt.f32 s26, $1.000000010e-10;
	s26 =	sadd.f32 $-9.999999740e-06, s24  }
0x7a: {  	_ = 	snop  }
0x7b: {  	s25 =	smov.u32 @p0 s28;
	s24 =	smov.u32 @p0 s26  }
0x7c: {  	s25 =	ssub.f32 s25, s24;
	_ =	sdelay $0x1  }
0x7d: {  	s25 =	smul.f32 $1.562500000e-02, s25;
	_ =	sdelay $0x1  }
0x7e: {  	v3 =	vmov s25  }
0x7f: {  	(erf) = vrcp.f32 v3;
	_ =	sdelay $0x2  }
0x80: {  	v29 =	vld [tilespmem:s23+$0x4090]  }
0x81: {  	v30 =	vld [tilespmem:s23+$0x40A0]  }
0x82: {  	v48 =	vld [tilespmem:s23+$0x40C0]  }
0x83: {  	v49 =	vld [tilespmem:s23+$0x40D0]  }
0x84: {  	v50 =	vld [tilespmem:s23+$0x40E0]  }
0x85: {  	v28 =	vld [tilespmem:s23+$0x4080]  }
0x86: {  	v31 =	vld [tilespmem:s23+$0x40B0];
	v20 =	vpop (erf)  }
0x87: {  	v27 =	vld [tilespmem:s23+$0x40F0];
	_ =	swait.ge [sflag:s16], $0x4000  }
0x88: {  	[sflag:s16] =	ssyncset.done $0x0  }
0x89: {  	s25 =	simm.s32 $0x40;
	[sflag:s16] =	ssyncadd.s32 $0xFFFFC000  }
0x8a: {  	v51 =	vld [tilespmem:s25+$0x30]  }
0x8b: {  	v52 =	vld [tilespmem:s25+$0xFFFFFFD0]  }
0x8c: {  	v53 =	vld [tilespmem:s25+$0xFFFFFFE0]  }
0x8d: {  	v54 =	vld [tilespmem:s25+$0xFFFFFFF0]  }
0x8e: {  	v55 =	vld [tilespmem:s25+$0xFFFFFFC0]  }
0x8f: {  	v40 =	vld [tilespmem:s25+$0x0]  }
0x90: {  	v14 =	vmin.f32 v14, v22;
	v21 =	vmov s24;
	v42 =	vld [tilespmem:s25+$0x20]  }
0x91: {  	v22 =	vmax.f32 v26, v22;
	v59 =	vmin.f32 v7, v17;
	v35 =	vsub.f32 v51, v21  }
0x92: {  	v17 =	vmax.f32 v25, v17;
	v36 =	vsub.f32 v52, v21;
	v37 =	vsub.f32 v53, v21  }
0x93: {  	v60 =	vmin.f32 v6, v24;
	v41 =	vld [tilespmem:s25+$0x10];
	v38 =	vsub.f32 v54, v21;
	v39 =	vsub.f32 v55, v21  }
0x94: {  	v40 =	vsub.f32 v40, v21;
	v35 =	vmul.f32 v35, v20;
	v36 =	vmul.f32 v36, v20  }
0x95: {  	v42 =	vsub.f32 v42, v21;
	v37 =	vmul.f32 v37, v20;
	v38 =	vmul.f32 v38, v20  }
0x96: {  	v24 =	vmax.f32 v15, v24;
	v39 =	vmul.f32 v39, v20;
	v40 =	vmul.f32 v40, v20  }
0x97: {  	v6 =	vmin.f32 v8, v28;
	v42 =	vmul.f32 v42, v20;
	v35 =	vtrunc.f32 v35  }
0x98: {  	v41 =	vsub.f32 v41, v21;
	v39 =	vtrunc.f32 v39;
	v35 =	vcvt.f32.s32 v35  }
0x99: {  	s31 =	simm.s32 $0xC0;
	v8 =	vmin.f32 v12, v29;
	v36 =	vtrunc.f32 v36;
	v39 =	vcvt.f32.s32 v39  }
0x9a: {  	v51 =	vld [tilespmem:s31+$0xFFFFFFF0];
	v41 =	vmul.f32 v41, v20;
	v36 =	vcvt.f32.s32 v36;
	v35 =	vadd.s32 v1, v35  }
0x9b: {  	v53 =	vld [tilespmem:s31+$0x10];
	v37 =	vtrunc.f32 v37;
	v57 =	vtrunc.f32 v42;
	v39 =	vadd.s32 v1, v39  }
0x9c: {  	v38 =	vtrunc.f32 v38;
	v26 =	vcvt.f32.s32 v57;
	v36 =	vadd.s32 v1, v36  }
0x9d: {  	v12 =	vmin.f32 v59, v31;
	v40 =	vtrunc.f32 v40;
	v41 =	vtrunc.f32 v41  }
0x9e: {  	s23 =	simm.s32 $0x10000;
	v52 =	vld [tilespmem:s31+$0x0];
	v37 =	vcvt.f32.s32 v37;
	v38 =	vcvt.f32.s32 v38;
	v25 =	vadd.s32 v1, v26  }
0x9f: {  	v56 =	vcvt.f32.s32 v40;
	v41 =	vcvt.f32.s32 v41;
	v40 =	vsub.f32 v51, v21;
	[tilespmem:v35+s23+$0x0] =	vst.idx.add.f32.msk $0xffff, v2  }
0xa0: {  	v42 =	vsub.f32 v53, v21;
	v37 =	vadd.s32 v1, v37;
	[tilespmem:v39+s23+$0x0] =	vst.idx.add.f32.msk $0xffff, v2  }
0xa1: {  	s26 =	simm.s32 $0x8040;
	v38 =	vadd.s32 v1, v38;
	v7 =	vadd.s32 v1, v41;
	[tilespmem:v36+s23+$0x0] =	vst.idx.add.f32.msk $0xffff, v2  }
0xa2: {  	v26 =	vmin.f32 v4, v18;
	v18 =	vmax.f32 v23, v18;
	v23 =	vmin.f32 v5, v19;
	v58 =	vld [tilespmem:s26+$0x30]  }
0xa3: {  	v19 =	vmax.f32 v16, v19;
	v41 =	vsub.f32 v52, v21;
	[tilespmem:v25+s23+$0x0] =	vst.idx.add.f32.msk $0xffff, v2  }
0xa4: {  	v5 =	vmax.f32 v10, v27;
	v40 =	vmul.f32 v40, v20;
	v42 =	vmul.f32 v42, v20;
	v25 =	vld [tilespmem:s26+$0xFFFFFFC0]  }
0xa5: {  	v16 =	vmin.f32 v23, v49;
	v41 =	vmul.f32 v41, v20;
	[tilespmem:v37+s23+$0x0] =	vst.idx.add.f32.msk $0xffff, v2  }
0xa6: {  	v40 =	vtrunc.f32 v40;
	v42 =	vtrunc.f32 v42;
	v35 =	vadd.s32 v1, v56;
	[tilespmem:v38+s23+$0x0] =	vst.idx.add.f32.msk $0xffff, v2  }
0xa7: {  	v40 =	vcvt.f32.s32 v40;
	v42 =	vcvt.f32.s32 v42;
	[tilespmem:v7+s23+$0x0] =	vst.idx.add.f32.msk $0xffff, v2;
	v4 =	vsub.f32 v58, v21  }
0xa8: {  	v41 =	vtrunc.f32 v41;
	v7 =	vmax.f32 v11, v28;
	v11 =	vmax.f32 v22, v30;
	v28 =	vld [tilespmem:s26+$0xFFFFFFD0]  }
0xa9: {  	v22 =	vld [tilespmem:s26+$0xFFFFFFE0];
	v25 =	vsub.f32 v25, v21;
	v61 =	vmul.f32 v4, v20;
	v4 =	vmin.f32 v9, v27  }
0xaa: {  	v9 =	vmax.f32 v13, v29;
	v13 =	vmax.f32 v17, v31;
	v17 =	vmax.f32 v19, v49;
	v49 =	vld [tilespmem:s31+$0xFFFFFFD0]  }
0xab: {  	v15 =	vmax.f32 v18, v48;
	v41 =	vcvt.f32.s32 v41;
	v40 =	vadd.s32 v1, v40;
	[tilespmem:v35+s23+$0x0] =	vst.idx.add.f32.msk $0xffff, v2  }
0xac: {  	v42 =	vadd.s32 v1, v42;
	v23 =	vld [tilespmem:s26+$0x0];
	v63 =	vmul.f32 v25, v20;
	v10 =	vtrunc.f32 v61  }
0xad: {  	v27 =	vcvt.f32.s32 v10;
	v10 =	vmin.f32 v14, v30;
	v14 =	vmin.f32 v26, v48;
	v26 =	vld [tilespmem:s26+$0xFFFFFFF0]  }
0xae: {  	v41 =	vadd.s32 v1, v41;
	v22 =	vsub.f32 v22, v21;
	v19 =	vmax.f32 v24, v50;
	v30 =	vld [tilespmem:s26+$0x10]  }
0xaf: {  	v43 =	vtrunc.f32 v63;
	v48 =	vld [tilespmem:s31+$0x30];
	vm1 =	vgt.s32 v27, $0x0;
	v38 =	vsub.f32 v49, v21  }
0xb0: {  	v34 =	vcvt.f32.s32 v43;
	v43 =	vld [tilespmem:s31+$0x20];
	v18 =	vnsel vm1, $0x0, v27;
	v27 =	vsub.f32 v28, v21  }
0xb1: {  	v29 =	vmin.u32 v18, $0x40;
	v18 =	vmin.f32 v60, v50;
	v38 =	vmul.f32 v38, v20  }
0xb2: {  	v62 =	vld [tilespmem:s26+$0x20];
	v31 =	vcvt.s32.f32 v29;
	v28 =	vmul.f32 v27, v20;
	v24 =	vsub.f32 v26, v21  }
0xb3: {  	v27 =	vmul.f32 v22, v20;
	v22 =	vsub.f32 v23, v21;
	v26 =	vsub.f32 v30, v21  }
0xb4: {  	v37 =	vsub.f32 v48, v21;
	v38 =	vtrunc.f32 v38;
	v44 =	vtrunc.f32 v28  }
0xb5: {  	v43 =	vsub.f32 v43, v21;
	v23 =	vmul.f32 v24, v20;
	v30 =	vtrunc.f32 v27  }
0xb6: {  	v50 =	vld [tilespmem:s31+$0xFFFFFFE0];
	v25 =	vadd.f32 $1.000000000e+00, v31;
	v24 =	vmul.f32 v22, v20;
	v26 =	vmul.f32 v26, v20  }
0xb7: {  	v22 =	vsub.f32 v62, v21;
	v37 =	vmul.f32 v37, v20;
	v43 =	vmul.f32 v43, v20  }
0xb8: {  	vm1 =	vgt.f32 v61, v31;
	v56 =	vcvt.f32.s32 v38;
	v30 =	vcvt.f32.s32 v30  }
0xb9: {  	v31 =	vtrunc.f32 v23;
	vm2 =	vlt.f32 v61, v25;
	v45 =	vtrunc.f32 v24  }
0xba: {  	v22 =	vmul.f32 v22, v20;
	v46 =	vtrunc.f32 v26;
	v25 =	vadd.s32 v1, v29  }
0xbb: {  	v29 =	vcvt.f32.s32 v44;
	v39 =	vsub.f32 v50, v21;
	v37 =	vtrunc.f32 v37  }
0xbc: {  	v54 =	vtrunc.f32 v43;
	vm1 =	vmand vm1, vm2;
	v31 =	vcvt.f32.s32 v31  }
0xbd: {  	vm2 =	vgt.s32 v34, $0x0;
	v32 =	vcvt.f32.s32 v45;
	v35 =	vcvt.f32.s32 v46  }
0xbe: {  	vm4 =	vgt.s32 v30, $0x0;
	v37 =	vcvt.f32.s32 v37;
	v33 =	vcvt.f32.s32 v54  }
0xbf: {  	v47 =	vtrunc.f32 v22;
	vm3 =	vgt.s32 v29, $0x0;
	v34 =	vnsel vm2, $0x0, v34  }
0xc0: {  	v30 =	vnsel vm4, $0x0, v30;
	v39 =	vmul.f32 v39, v20;
	vm5 =	vgt.s32 v31, $0x0  }
0xc1: {  	v36 =	vcvt.f32.s32 v47;
	vm2 =	vgt.s32 v32, $0x0;
	vm6 =	vgt.s32 v35, $0x0  }
0xc2: {  	v44 =	vld [tilespmem:s31+$0xFFFFFFC0];
	v29 =	vnsel vm3, $0x0, v29;
	v34 =	vmin.u32 v34, $0x40;
	v30 =	vmin.u32 v30, $0x40  }
0xc3: {  	v37 =	vadd.s32 v1, v37;
	v33 =	vadd.s32 v1, v33;
	v31 =	vnsel vm5, $0x0, v31  }
0xc4: {  	v32 =	vnsel vm2, $0x0, v32;
	v35 =	vnsel vm6, $0x0, v35;
	v29 =	vmin.u32 v29, $0x40  }
0xc5: {  	v45 =	vcvt.s32.f32 v34;
	v39 =	vtrunc.f32 v39;
	v34 =	vadd.s32 v1, v34  }
0xc6: {  	v58 =	vcvt.s32.f32 v30;
	v30 =	vadd.s32 v1, v30;
	vm3 =	vgt.s32 v36, $0x0  }
0xc7: {  	v31 =	vmin.u32 v31, $0x40;
	v32 =	vmin.u32 v32, $0x40;
	v44 =	vsub.f32 v44, v21  }
0xc8: {  	v35 =	vmin.u32 v35, $0x40;
	v39 =	vcvt.f32.s32 v39;
	v36 =	vnsel vm3, $0x0, v36  }
0xc9: {  	s24 =	simm.s32 $0x80C0;
	v46 =	vadd.f32 $1.000000000e+00, v45;
	vm2 =	vgt.f32 v63, v45;
	v59 =	vcvt.s32.f32 v31;
	[tilespmem:v37+s23+$0x0] =	vst.idx.add.f32.msk $0xffff, v2  }
0xca: {  	v47 =	vcvt.s32.f32 v32;
	v62 =	vadd.f32 $1.000000000e+00, v58;
	v44 =	vmul.f32 v44, v20;
	v57 =	vld [tilespmem:s24+$0x30]  }
0xcb: {  	v48 =	vcvt.s32.f32 v35;
	vm7 =	vgt.f32 v27, v58;
	v37 =	vadd.s32 v1, v56  }
0xcc: {  	v31 =	vadd.s32 v1, v31;
	v32 =	vadd.s32 v1, v32;
	v44 =	vtrunc.f32 v44  }
0xcd: {  	[tilespmem:v40+s23+$0x0] =	vst.idx.add.f32.msk $0xffff, v2;
	v36 =	vmin.u32 v36, $0x40;
	v39 =	vadd.s32 v1, v39;
	v55 =	vcvt.f32.s32 v44  }
0xce: {  	[tilespmem:v42+s23+$0x0] =	vst.idx.add.f32.msk $0xffff, v2;
	vm3 =	vlt.f32 v63, v46;
	v49 =	vadd.f32 $1.000000000e+00, v59;
	v44 =	vadd.s32 v1, v29  }
0xcf: {  	v53 =	vld [tilespmem:s24+$0xFFFFFFF0];
	v29 =	vcvt.s32.f32 v29;
	v43 =	vadd.s32 v1, v55;
	v38 =	vsub.f32 v57, v21  }
0xd0: {  	v63 =	vcvt.s32.f32 v36;
	vm5 =	vlt.f32 v27, v62;
	vm12 =	vgt.f32 v23, v59;
	[tilespmem:v37+s23+$0x0] =	vst.idx.add.f32.msk $0xffff, v2  }
0xd1: {  	vm9 =	vlt.f32 v23, v49;
	v60 =	vadd.f32 $1.000000000e+00, v29;
	v23 =	vld [tilespmem:s24+$0xFFFFFFD0];
	v61 =	vmul.f32 v38, v20  }
0xd2: {  	[tilespmem:v41+s23+$0x0] =	vst.idx.add.f32.msk $0xffff, v2;
	v51 =	vadd.f32 $1.000000000e+00, v47;
	vm2 =	vmand vm2, vm3;
	vm6 =	vgt.f32 v28, v29  }
0xd3: {  	v54 =	vld [tilespmem:s24+$0x0];
	vm3 =	vlt.f32 v28, v60;
	v28 =	vadd.f32 $1.000000000e+00, v63;
	v50 =	vtrunc.f32 v61  }
0xd4: {  	v52 =	vadd.f32 $1.000000000e+00, v48;
	vm13 =	vgt.f32 v24, v47;
	[tilespmem:v43+s23+$0x0] =	vst.idx.add.f32.msk $0xffff, v2;
	v40 =	vcvt.f32.s32 v50  }
0xd5: {  	v62 =	vadd.s32 v1, v35;
	vm7 =	vmand vm7, vm5;
	vm4 =	vlt.f32 v22, v28;
	v28 =	vld [tilespmem:s24+$0xFFFFFFC0]  }
0xd6: {  	vm11 =	vlt.f32 v26, v52;
	[tilespmem:v39+s23+$0x0] =	vst.idx.add.f32.msk $0xffff, v2;
	v23 =	vsub.f32 v23, v21;
	vm8 =	vgt.s32 v40, $0x0  }
0xd7: {  	v27 =	vnsel vm8, $0x0, v40;
	vm8 =	vmand vm6, vm3;
	vm3 =	vgt.f32 v26, v48;
	v26 =	vld [tilespmem:s24+$0xFFFFFFE0]  }
0xd8: {  	[tilespmem:v33+s23+$0x0] =	vst.idx.add.f32.msk $0xffff, v2;
	vm10 =	vlt.f32 v24, v51;
	v23 =	vmul.f32 v23, v20;
	v24 =	vmin.u32 v27, $0x40  }
0xd9: {  	v56 =	vld [tilespmem:s24+$0x20];
	vm5 =	vmand vm13, vm10;
	vm6 =	vmand vm12, vm9;
	v27 =	vcvt.s32.f32 v24  }
0xda: {  	s25 =	simm.s32 $0x10820;
	v55 =	vld [tilespmem:s24+$0x10];
	vm3 =	vmand vm3, vm11;
	v28 =	vsub.f32 v28, v21;
	v59 =	vtrunc.f32 v23  }
0xdb: {  	[tilespmem:v30+s25+$0x0] =	vst.idx.add.f32.msk vm7, v2;
	v57 =	vadd.s32 v1, v24;
	v30 =	vcvt.f32.s32 v59;
	v29 =	vadd.f32 $1.000000000e+00, v27  }
0xdc: {  	vm14 =	vgt.f32 v61, v27;
	v27 =	vsub.f32 v53, v21;
	v26 =	vsub.f32 v26, v21  }
0xdd: {  	vm15 =	vlt.f32 v61, v29;
	v29 =	vmul.f32 v28, v20;
	v28 =	vsub.f32 v54, v21  }
0xde: {  	vm9 =	vmand vm14, vm15;
	v24 =	vmul.f32 v26, v20;
	v26 =	vmul.f32 v27, v20  }
0xdf: {  	[tilespmem:v25+s25+$0x0] =	vst.idx.add.f32.msk vm1, v2;
	v27 =	vsub.f32 v55, v21;
	v58 =	vtrunc.f32 v29;
	v25 =	vmul.f32 v28, v20  }
0xe0: {  	[tilespmem:v34+s25+$0x0] =	vst.idx.add.f32.msk vm2, v2;
	v28 =	vsub.f32 v56, v21;
	v60 =	vtrunc.f32 v24;
	v61 =	vtrunc.f32 v26  }
0xe1: {  	v35 =	vadd.s32 v1, v36;
	[tilespmem:v31+s25+$0x0] =	vst.idx.add.f32.msk vm6, v2;
	v27 =	vmul.f32 v27, v20;
	v31 =	vcvt.f32.s32 v58  }
0xe2: {  	vm1 =	vgt.f32 v22, v63;
	[tilespmem:v32+s25+$0x0] =	vst.idx.add.f32.msk vm5, v2;
	v22 =	vtrunc.f32 v25;
	v28 =	vmul.f32 v28, v20  }
0xe3: {  	vm1 =	vmand vm1, vm4;
	[tilespmem:v44+s25+$0x0] =	vst.idx.add.f32.msk vm8, v2;
	v36 =	vcvt.f32.s32 v60;
	v32 =	vcvt.f32.s32 v61  }
0xe4: {  	vm5 =	vgt.s32 v30, $0x0;
	[tilespmem:v62+s25+$0x0] =	vst.idx.add.f32.msk vm3, v2;
	v63 =	vtrunc.f32 v27;
	v33 =	vcvt.f32.s32 v22  }
0xe5: {  	s29 =	simm.s32 $0x140;
	s28 =	simm.s32 $0x8;
	s26 =	simm.s32 $0x10820;
	vm4 =	vgt.s32 v31, $0x0;
	v37 =	vtrunc.f32 v28;
	v34 =	vcvt.f32.s32 v63;
	[tilespmem:v57+s25+$0x0] =	vst.idx.add.f32.msk vm9, v2  }
.LBB2_8:
0xe6: {  	v22 =	vld [tilespmem:s29+$0x30];
	s28 =	sadd.s32 $0x8, s28;
	vm2 =	vgt.s32 v36, $0x0;
	vm3 =	vgt.s32 v32, $0x0;
	v37 =	vcvt.f32.s32 v37  }
0xe7: {  	v31 =	vnsel vm4, $0x0, v31;
	v38 =	vld [tilespmem:s29+$0xFFFFFFD0];
	p0 =	slt.u32 s28, $0x3F8;
	vm4 =	vgt.s32 v33, $0x0;
	vm6 =	vgt.s32 v34, $0x0  }
0xe8: {  	v30 =	vnsel vm5, $0x0, v30;
	v36 =	vnsel vm2, $0x0, v36;
	v39 =	vld [tilespmem:s29+$0xFFFFFFE0];
	vm2 =	vgt.s32 v37, $0x0  }
0xe9: {  	v32 =	vnsel vm3, $0x0, v32;
	v33 =	vnsel vm4, $0x0, v33;
	v41 =	vnsel vm6, $0x0, v34;
	v40 =	vld [tilespmem:s29+$0xFFFFFFF0]  }
0xea: {  	v43 =	vmin.u32 v31, $0x40;
	v44 =	vmin.u32 v30, $0x40;
	v30 =	vnsel vm2, $0x0, v37;
	v42 =	vld [tilespmem:s29+$0x0]  }
0xeb: {  	v34 =	vmin.u32 v36, $0x40;
	v32 =	vmin.u32 v32, $0x40;
	v37 =	vld [tilespmem:s29+$0x10];
	v22 =	vsub.f32 v22, v21  }
0xec: {  	v33 =	vmin.u32 v33, $0x40;
	v31 =	vmin.u32 v41, $0x40;
	v36 =	vsub.f32 v38, v21;
	v38 =	vld [tilespmem:s29+$0x20]  }
0xed: {  	v30 =	vmin.u32 v30, $0x40;
	v41 =	vld [tilespmem:s29+$0xFFFFFFC0];
	v39 =	vsub.f32 v39, v21;
	v22 =	vmul.f32 v22, v20  }
0xee: {  	v45 =	vcvt.s32.f32 v43;
	v36 =	vmul.f32 v36, v20;
	v40 =	vsub.f32 v40, v21;
	[tilespmem:v35+s26+$0x0] =	vst.idx.add.f32.msk vm1, v2;
	s26 =	smov.u32 s25  }
0xef: {  	v35 =	vmul.f32 v39, v20;
	v39 =	vsub.f32 v42, v21;
	v22 =	vtrunc.f32 v22  }
0xf0: {  	v40 =	vmul.f32 v40, v20;
	v37 =	vsub.f32 v37, v21;
	v22 =	vcvt.f32.s32 v22  }
0xf1: {  	v36 =	vtrunc.f32 v36;
	v39 =	vmul.f32 v39, v20;
	v38 =	vsub.f32 v38, v21  }
0xf2: {  	v41 =	vsub.f32 v41, v21;
	v37 =	vmul.f32 v37, v20;
	v22 =	vadd.s32 v1, v22  }
0xf3: {  	v42 =	vadd.f32 $1.000000000e+00, v45;
	v35 =	vtrunc.f32 v35;
	v38 =	vmul.f32 v38, v20  }
0xf4: {  	vm1 =	vgt.f32 v29, v45;
	v40 =	vtrunc.f32 v40;
	v41 =	vmul.f32 v41, v20  }
0xf5: {  	vm2 =	vlt.f32 v29, v42;
	v39 =	vtrunc.f32 v39;
	v37 =	vtrunc.f32 v37  }
0xf6: {  	vm1 =	vmand vm1, vm2;
	v38 =	vtrunc.f32 v38;
	v29 =	vtrunc.f32 v41  }
0xf7: {  	s24 =	sadd.s32 $0x80, s24;
	v36 =	vcvt.f32.s32 v36;
	v29 =	vcvt.f32.s32 v29;
	[tilespmem:v22+s23+$0x0] =	vst.idx.add.f32.msk $0xffff, v2;
	v22 =	vadd.s32 v1, v43  }
0xf8: {  	v42 =	vadd.s32 v1, v44;
	v35 =	vcvt.f32.s32 v35;
	v40 =	vcvt.f32.s32 v40;
	v41 =	vld [tilespmem:s24+$0x30]  }
0xf9: {  	v39 =	vcvt.f32.s32 v39;
	v37 =	vcvt.f32.s32 v37;
	v29 =	vadd.s32 v1, v29  }
0xfa: {  	v36 =	vadd.s32 v1, v36;
	v35 =	vadd.s32 v1, v35;
	v38 =	vcvt.f32.s32 v38  }
0xfb: {  	v40 =	vadd.s32 v1, v40;
	v39 =	vadd.s32 v1, v39;
	v37 =	vadd.s32 v1, v37  }
0xfc: {  	v43 =	vcvt.s32.f32 v44;
	v44 =	vcvt.s32.f32 v34;
	v38 =	vadd.s32 v1, v38;
	[tilespmem:v22+s26+$0x0] =	vst.idx.add.f32.msk vm1, v2  }
0xfd: {  	v45 =	vcvt.s32.f32 v33;
	v22 =	vsub.f32 v41, v21;
	v41 =	vcvt.s32.f32 v32  }
0xfe: {  	v46 =	vcvt.s32.f32 v31;
	v47 =	vcvt.s32.f32 v30;
	[tilespmem:v29+s23+$0x0] =	vst.idx.add.f32.msk $0xffff, v2;
	v29 =	vadd.f32 $1.000000000e+00, v43  }
0xff: {  	[tilespmem:v36+s23+$0x0] =	vst.idx.add.f32.msk $0xffff, v2;
	v36 =	vmul.f32 v22, v20;
	v22 =	vadd.f32 $1.000000000e+00, v44;
	v48 =	vadd.f32 $1.000000000e+00, v41  }
0x100: {  	[tilespmem:v35+s23+$0x0] =	vst.idx.add.f32.msk $0xffff, v2;
	vm1 =	vlt.f32 v23, v29;
	v29 =	vadd.f32 $1.000000000e+00, v45;
	v35 =	vadd.f32 $1.000000000e+00, v46  }
0x101: {  	v49 =	vadd.f32 $1.000000000e+00, v47;
	[tilespmem:v40+s23+$0x0] =	vst.idx.add.f32.msk $0xffff, v2;
	v40 =	vtrunc.f32 v36;
	vm2 =	vlt.f32 v24, v22  }
0x102: {  	vm3 =	vlt.f32 v26, v48;
	[tilespmem:v39+s23+$0x0] =	vst.idx.add.f32.msk $0xffff, v2;
	v39 =	vcvt.f32.s32 v40;
	vm7 =	vlt.f32 v25, v29  }
0x103: {  	vm9 =	vlt.f32 v28, v49;
	v22 =	vimm.f32 $0.0e+00;
	vm8 =	vlt.f32 v27, v35;
	[tilespmem:v37+s23+$0x0] =	vst.idx.add.f32.msk $0xffff, v2  }
0x104: {  	vm5 =	vgt.f32 v23, v43;
	vm10 =	vgt.f32 v24, v44;
	[tilespmem:v38+s23+$0x0] =	vst.idx.add.f32.msk $0xffff, v2;
	vm4 =	vgt.s32 v39, $0x0  }
0x105: {  	vm11 =	vgt.f32 v25, v45;
	v23 =	vld [tilespmem:s24+$0xFFFFFFC0];
	v24 =	vnsel vm4, $0x0, v39;
	vm4 =	vgt.f32 v26, v41  }
0x106: {  	vm12 =	vgt.f32 v27, v46;
	vm13 =	vgt.f32 v28, v47;
	v25 =	vld [tilespmem:s24+$0xFFFFFFD0];
	v24 =	vmin.u32 v24, $0x40  }
0x107: {  	vm6 =	vmand vm5, vm1;
	vm5 =	vmand vm10, vm2;
	v26 =	vld [tilespmem:s24+$0xFFFFFFE0];
	v27 =	vcvt.s32.f32 v24  }
0x108: {  	vm2 =	vmand vm12, vm8;
	vm4 =	vmand vm4, vm3;
	vm3 =	vmand vm11, vm7;
	v28 =	vld [tilespmem:s24+$0xFFFFFFF0]  }
0x109: {  	v34 =	vadd.s32 v1, v34;
	vm1 =	vmand vm13, vm9;
	v35 =	vld [tilespmem:s24+$0x0];
	v29 =	vadd.f32 $1.000000000e+00, v27  }
0x10a: {  	v33 =	vadd.s32 v1, v33;
	v32 =	vadd.s32 v1, v32;
	v23 =	vsub.f32 v23, v21;
	v37 =	vld [tilespmem:s24+$0x10]  }
0x10b: {  	vm7 =	vgt.f32 v36, v27;
	v25 =	vsub.f32 v25, v21;
	v38 =	vld [tilespmem:s24+$0x20];
	vm8 =	vlt.f32 v36, v29  }
0x10c: {  	v29 =	vmul.f32 v23, v20;
	v26 =	vsub.f32 v26, v21;
	vm7 =	vmand vm7, vm8  }
0x10d: {  	v36 =	vadd.s32 v1, v24;
	v23 =	vmul.f32 v25, v20;
	v25 =	vsub.f32 v28, v21  }
0x10e: {  	v39 =	vtrunc.f32 v29;
	v24 =	vmul.f32 v26, v20;
	v27 =	vsub.f32 v35, v21;
	[tilespmem:v42+s26+$0x0] =	vst.idx.add.f32.msk vm6, v2  }
0x10f: {  	v40 =	vtrunc.f32 v23;
	v26 =	vmul.f32 v25, v20;
	v28 =	vsub.f32 v37, v21;
	[tilespmem:v34+s26+$0x0] =	vst.idx.add.f32.msk vm5, v2  }
0x110: {  	v34 =	vtrunc.f32 v24;
	v25 =	vmul.f32 v27, v20;
	v35 =	vsub.f32 v38, v21;
	[tilespmem:v32+s26+$0x0] =	vst.idx.add.f32.msk vm4, v2  }
0x111: {  	v38 =	vadd.s32 v1, v31;
	v32 =	vtrunc.f32 v26;
	v27 =	vmul.f32 v28, v20;
	[tilespmem:v33+s26+$0x0] =	vst.idx.add.f32.msk vm3, v2  }
.Ltmp3:
0x112: {  	v33 =	vtrunc.f32 v25;
	v28 =	vmul.f32 v35, v20;
	[tilespmem:v36+s25+$0x0] =	vst.idx.add.f32.msk vm7, v2;
	v35 =	vadd.s32 v1, v30;
	(pc) =	sbr.rel @p0 .LBB2_8-.Ltmp3, $4  }
0x113: {  	v31 =	vcvt.f32.s32 v39;
	v39 =	vtrunc.f32 v27  }
0x114: {  	v30 =	vcvt.f32.s32 v40;
	v37 =	vtrunc.f32 v28  }
0x115: {  	vm4 =	vgt.s32 v31, $0x0;
	v36 =	vcvt.f32.s32 v34;
	v32 =	vcvt.f32.s32 v32  }
0x116: {  	s29 =	sadd.s32 $0x80, s29;
	v33 =	vcvt.f32.s32 v33;
	vm5 =	vgt.s32 v30, $0x0;
	v34 =	vcvt.f32.s32 v39;
	[tilespmem:v38+s26+$0x0] =	vst.idx.add.f32.msk vm2, v2  }
0x117: {  	vm2 =	vgt.s32 v36, $0x0;
	vm3 =	vgt.s32 v32, $0x0;
	v20 =	vcvt.f32.s32 v37  }
0x118: {  	v21 =	vnsel vm4, $0x0, v31;
	v30 =	vnsel vm5, $0x0, v30;
	vm12 =	vgt.s32 v33, $0x0  }
0x119: {  	vm6 =	vgt.s32 v34, $0x0;
	v31 =	vnsel vm2, $0x0, v36;
	v32 =	vnsel vm3, $0x0, v32  }
0x11a: {  	v21 =	vmin.u32 v21, $0x40;
	v30 =	vmin.u32 v30, $0x40;
	vm2 =	vgt.s32 v20, $0x0  }
0x11b: {  	v33 =	vnsel vm12, $0x0, v33;
	v34 =	vnsel vm6, $0x0, v34;
	v60 =	vcvt.s32.f32 v21  }
0x11c: {  	v31 =	vmin.u32 v31, $0x40;
	v32 =	vmin.u32 v32, $0x40;
	v38 =	vcvt.s32.f32 v30  }
0x11d: {  	v21 =	vadd.s32 v1, v21;
	v30 =	vadd.s32 v1, v30;
	v20 =	vnsel vm2, $0x0, v20  }
0x11e: {  	v33 =	vmin.u32 v33, $0x40;
	v34 =	vmin.u32 v34, $0x40;
	v62 =	vcvt.s32.f32 v32  }
0x11f: {  	v61 =	vadd.f32 $1.000000000e+00, v60;
	v20 =	vmin.u32 v20, $0x40;
	vm2 =	vgt.f32 v29, v60  }
0x120: {  	v63 =	vadd.f32 $1.000000000e+00, v38;
	v39 =	vcvt.s32.f32 v33;
	v40 =	vcvt.s32.f32 v34  }
0x121: {  	vm13 =	vgt.f32 v23, v38;
	v42 =	vadd.f32 $1.000000000e+00, v62;
	vm3 =	vlt.f32 v29, v61  }
0x122: {  	vm8 =	vgt.f32 v26, v62;
	v29 =	vcvt.s32.f32 v31;
	vm2 =	vmand vm2, vm3  }
0x123: {  	vm3 =	vlt.f32 v23, v63;
	v23 =	vcvt.s32.f32 v20;
	vm7 =	vlt.f32 v26, v42  }
0x124: {  	v26 =	vadd.f32 $1.000000000e+00, v40;
	v41 =	vadd.f32 $1.000000000e+00, v29;
	vm15 =	vgt.f32 v24, v29  }
0x125: {  	vm3 =	vmand vm13, vm3;
	vm13 =	vgt.f32 v25, v39;
	vm7 =	vmand vm8, vm7  }
0x126: {  	v29 =	vadd.f32 $1.000000000e+00, v23;
	vm14 =	vlt.f32 v24, v41;
	v24 =	vadd.f32 $1.000000000e+00, v39  }
0x127: {  	[tilespmem:v35+s26+$0x0] =	vst.idx.add.f32.msk vm1, v2;
	vm9 =	vlt.f32 v27, v26;
	vm1 =	vgt.f32 v28, v23;
	vm5 =	vmand vm15, vm14  }
0x128: {  	vm14 =	vgt.f32 v27, v40;
	vm12 =	vlt.f32 v25, v24;
	v24 =	vadd.s32 v1, v31  }
0x129: {  	vm10 =	vlt.f32 v28, v29;
	v25 =	vadd.s32 v1, v32;
	vm15 =	vmand vm14, vm9  }
0x12a: {  	vm1 =	vmand vm1, vm10;
	[tilespmem:v21+s25+$0x0] =	vst.idx.add.f32.msk vm2, v2;
	v21 =	vadd.s32 v1, v34  }
0x12b: {  	v20 =	vadd.s32 v1, v20;
	vm4 =	vmand vm13, vm12  }
0x12c: {  	v23 =	vadd.s32 v1, v33;
	[tilespmem:v30+s25+$0x0] =	vst.idx.add.f32.msk vm3, v2  }
0x12d: {  	[tilespmem:v24+s25+$0x0] =	vst.idx.add.f32.msk vm5, v2  }
0x12e: {  	[tilespmem:v25+s25+$0x0] =	vst.idx.add.f32.msk vm7, v2  }
0x12f: {  	[tilespmem:v21+s25+$0x0] =	vst.idx.add.f32.msk vm15, v2  }
0x130: {  	[tilespmem:v20+s25+$0x0] =	vst.idx.add.f32.msk vm1, v2  }
0x131: {  	[tilespmem:v23+s25+$0x0] =	vst.idx.add.f32.msk vm4, v2  }
0x132: {  	v20 =	vld [tilespmem:s25+$0x0]  }
0x133: {  	s29 =	sand.u32 $0x3FF, s30;
	v23 =	vld [tilespmem:s23+$0x0]  }
0x134: {  	v24 =	vld [tilespmem:s29+$0x10850]  }
0x135: {  	v25 =	vld [tilespmem:s29+$0x10010]  }
0x136: {  	v30 =	vld [tilespmem:s29+$0x10020]  }
0x137: {  	v26 =	vld [tilespmem:s29+$0x10030]  }
0x138: {  	v27 =	vld [tilespmem:s29+$0x10830]  }
0x139: {  	s24 =	simm.s32 $0x10861;
	v28 =	vld [tilespmem:s29+$0x10840];
	v21 =	vadd.f32 v20, v22  }
0x13a: {  	s31 =	simm.s32 $0x41;
	v32 =	vimm.f32 $0.0e+00;
	v29 =	vld [tilespmem:s24+$0x0];
	s25 =	simm.s32 $0x10041;
	v20 =	vadd.f32 v23, v22;
	v24 =	vadd.f32 v24, v22  }
0x13b: {  	s26 =	simm.s32 $0x82;
	s23 =	sand.u32 $0x3FF, s31;
	v31 =	vld [tilespmem:s25+$0x0];
	v23 =	vadd.f32 v25, v22;
	v25 =	vadd.f32 v30, v22;
	v30 =	vimm.f32 $0.0e+00  }
.LBB2_10:
0x13c: {  	p0 =	sne.s32 s26, $0x3CF;
	v33 =	vld [tilespmem:s23+$0x10850];
	v22 =	vadd.f32 v26, v22  }
0x13d: {  	v34 =	vld [tilespmem:s23+$0x10010];
	v32 =	vadd.f32 v27, v32  }
0x13e: {  	v35 =	vld [tilespmem:s23+$0x10020];
	v30 =	vadd.f32 v28, v30  }
.Ltmp4:
0x13f: {  	v26 =	vld [tilespmem:s23+$0x10030];
	(pc) =	sbr.rel @p0 .LBB2_10-.Ltmp4, $4  }
0x140: {  	v21 =	vadd.f32 v29, v21;
	v27 =	vld [tilespmem:s23+$0x10830]  }
0x141: {  	s24 =	sadd.s32 $0x41, s24;
	v20 =	vadd.f32 v31, v20;
	v28 =	vld [tilespmem:s23+$0x10840];
	v24 =	vadd.f32 v33, v24  }
0x142: {  	s25 =	sadd.s32 $0x41, s25;
	v29 =	vld [tilespmem:s24+$0x0];
	v23 =	vadd.f32 v34, v23  }
0x143: {  	s23 =	sand.u32 $0x3FF, s26;
	s26 =	sadd.s32 $0x41, s26;
	v31 =	vld [tilespmem:s25+$0x0];
	v25 =	vadd.f32 v35, v25  }
0x144: {  	v6 =	vmin.f32 v6, v8  }
0x145: {  	v7 =	vmax.f32 v7, v9;
	v6 =	vmin.f32 v6, v10  }
0x146: {  	v7 =	vmax.f32 v7, v11;
	v6 =	vmin.f32 v6, v12  }
0x147: {  	v7 =	vmax.f32 v7, v13;
	v6 =	vmin.f32 v6, v14  }
0x148: {  	v7 =	vmax.f32 v7, v15;
	v6 =	vmin.f32 v6, v16  }
0x149: {  	v7 =	vmax.f32 v7, v17;
	v6 =	vmin.f32 v6, v18  }
0x14a: {  	v7 =	vmax.f32 v7, v19;
	v4 =	vmin.f32 v6, v4  }
0x14b: {  	v5 =	vmax.f32 v7, v5;
	(xrf0) =	vmin.scan.msk.f32 $0xffff, v4  }
0x14c: {  	(xrf0) =	vmax.scan.msk.f32 $0xffff, v5;
	_ =	sdelay $0x4  }
0x14d: {  	v4, _, _ =	vpop (xrf0)  }
0x14e: {  	(v2sf) =	vpush v4, $0xF;
	v4, _, _ =	vpop (xrf0)  }
0x14f: {  	(v2sf) =	vpush v4, $0xF;
	_ =	sdelay $0xd  }
0x150: {  	s24 =	spop (v2sf)  }
0x151: {  	s25 =	spop (v2sf)  }
0x152: {  	s26 =	ssub.f32 s25, s24;
	_ =	sdelay $0x1  }
0x153: {  	s28 =	sadd.f32 $9.999999740e-06, s25;
	s26 =	sand.u32 $0x7FFFFFFF, s26  }
0x154: {  	p0 =	slt.f32 s26, $1.000000010e-10;
	s26 =	sadd.f32 $-9.999999740e-06, s24  }
0x155: {  	_ = 	snop  }
0x156: {  	s25 =	smov.u32 @p0 s28;
	s24 =	smov.u32 @p0 s26  }
0x157: {  	s25 =	ssub.f32 s25, s24;
	_ =	sdelay $0x1  }
0x158: {  	s25 =	smul.f32 $1.562500000e-02, s25;
	_ =	sdelay $0x1  }
0x159: {  	v4 =	vmov s25  }
0x15a: {  	(erf) = vrcp.f32 v4;
	_ =	sdelay $0x3  }
0x15b: {  	v9 =	vld [tilespmem:s23+$0x10010]  }
0x15c: {  	v11 =	vld [tilespmem:s23+$0x10020];
	v5 =	vadd.s32 $0x40, v1  }
0x15d: {  	v12 =	vld [tilespmem:s23+$0x10030]  }
0x15e: {  	v17 =	vld [tilespmem:s23+$0x10830]  }
0x15f: {  	v18 =	vld [tilespmem:s23+$0x10840]  }
0x160: {  	v7 =	vld [tilespmem:s23+$0x10850];
	v14 =	vpop (erf)  }
0x161: {  	v5 =	vld.idx.msk [tilespmem:v5+s17+$0x0], $0xffff;
	_ =	swait.ge [sflag:s18], $0x4000  }
0x162: {  	[sflag:s18] =	ssyncset.done $0x0  }
0x163: {  	s29 =	simm.s32 $0x0;
	[sflag:s18] =	ssyncadd.s32 $0xFFFFC000  }
0x164: {  	v6 =	vld [tilespmem:s29+$0x4070]  }
0x165: {  	v8 =	vld [tilespmem:s29+$0x4000]  }
0x166: {  	v10 =	vld [tilespmem:s29+$0x4010]  }
0x167: {  	v13 =	vld [tilespmem:s29+$0x4020]  }
0x168: {  	v16 =	vld [tilespmem:s29+$0x4030]  }
0x169: {  	v19 =	vld [tilespmem:s29+$0x4040]  }
0x16a: {  	v33 =	vld [tilespmem:s29+$0x4050]  }
0x16b: {  	s31 =	simm.s32 $0x80;
	v28 =	vadd.f32 v28, v30;
	v9 =	vadd.f32 v9, v23;
	v15 =	vmov s24;
	v34 =	vld [tilespmem:s29+$0x4060]  }
0x16c: {  	v36 =	vld [tilespmem:s31+$0x4030];
	v6 =	vsub.f32 v6, v15;
	v8 =	vsub.f32 v8, v15  }
0x16d: {  	v37 =	vld [tilespmem:s31+$0x4040];
	v10 =	vsub.f32 v10, v15;
	v13 =	vsub.f32 v13, v15  }
0x16e: {  	v38 =	vld [tilespmem:s31+$0x4050];
	v35 =	vsub.f32 v16, v15;
	v19 =	vsub.f32 v19, v15;
	v16 =	vadd.s32 $0x410, v1  }
0x16f: {  	v33 =	vsub.f32 v33, v15;
	v6 =	vmul.f32 v6, v14;
	v8 =	vmul.f32 v8, v14  }
0x170: {  	v34 =	vsub.f32 v34, v15;
	v10 =	vmul.f32 v10, v14;
	v13 =	vmul.f32 v13, v14  }
0x171: {  	v39 =	vld [tilespmem:s31+$0x4060];
	v36 =	vsub.f32 v36, v15;
	v35 =	vmul.f32 v35, v14;
	v6 =	vtrunc.f32 v6  }
0x172: {  	v37 =	vsub.f32 v37, v15;
	v13 =	vtrunc.f32 v13;
	v6 =	vcvt.f32.s32 v6  }
0x173: {  	v38 =	vsub.f32 v38, v15;
	v19 =	vmul.f32 v19, v14;
	v13 =	vcvt.f32.s32 v13  }
0x174: {  	v33 =	vmul.f32 v33, v14;
	v8 =	vtrunc.f32 v8;
	v6 =	vadd.s32 v16, v6  }
0x175: {  	v10 =	vtrunc.f32 v10;
	v8 =	vcvt.f32.s32 v8;
	v13 =	vadd.s32 v16, v13  }
0x176: {  	v59 =	vld [tilespmem:s31+$0x4070];
	v39 =	vsub.f32 v39, v15;
	v35 =	vtrunc.f32 v35;
	v10 =	vcvt.f32.s32 v10  }
0x177: {  	v60 =	vld [tilespmem:s31+$0x4000];
	v33 =	vtrunc.f32 v33;
	v35 =	vcvt.f32.s32 v35;
	v8 =	vadd.s32 v16, v8  }
0x178: {  	v62 =	vld [tilespmem:s31+$0x4020];
	v34 =	vmul.f32 v34, v14;
	v33 =	vcvt.f32.s32 v33;
	v10 =	vadd.s32 v16, v10  }
0x179: {  	v36 =	vmul.f32 v36, v14;
	v35 =	vadd.s32 v16, v35;
	[tilespmem:v6+s17+$0x0] =	vst.idx.add.f32.msk $0xffff, v2  }
0x17a: {  	v37 =	vmul.f32 v37, v14;
	v19 =	vtrunc.f32 v19;
	v33 =	vadd.s32 v16, v33;
	[tilespmem:v13+s17+$0x0] =	vst.idx.add.f32.msk $0xffff, v2  }
0x17b: {  	v6 =	vcvt.f32.s32 v19;
	v19 =	vtrunc.f32 v34;
	v13 =	vadd.f32 v26, v22;
	v58 =	vld [tilespmem:s29+$0xC070]  }
0x17c: {  	[tilespmem:v8+s17+$0x0] =	vst.idx.add.f32.msk $0xffff, v2;
	v22 =	vadd.f32 v27, v32;
	v32 =	vsub.f32 v59, v15;
	v19 =	vcvt.f32.s32 v19  }
0x17d: {  	v63 =	vmul.f32 v38, v14;
	[tilespmem:v10+s17+$0x0] =	vst.idx.add.f32.msk $0xffff, v2;
	v6 =	vadd.s32 v16, v6  }
0x17e: {  	v36 =	vtrunc.f32 v36;
	[tilespmem:v35+s17+$0x0] =	vst.idx.add.f32.msk $0xffff, v2;
	v32 =	vmul.f32 v32, v14;
	v8 =	vadd.s32 v16, v19  }
0x17f: {  	v42 =	vmul.f32 v39, v14;
	v36 =	vcvt.f32.s32 v36;
	[tilespmem:v33+s17+$0x0] =	vst.idx.add.f32.msk $0xffff, v2;
	v35 =	vsub.f32 v62, v15  }
0x180: {  	v44 =	vtrunc.f32 v37;
	v27 =	vld [tilespmem:s29+$0xC010];
	v32 =	vtrunc.f32 v32;
	v10 =	vsub.f32 v58, v15  }
0x181: {  	v36 =	vadd.s32 v16, v36;
	v35 =	vmul.f32 v35, v14;
	v19 =	vld [tilespmem:s29+$0xC000];
	v32 =	vcvt.f32.s32 v32  }
0x182: {  	v48 =	vtrunc.f32 v42;
	v33 =	vsub.f32 v60, v15;
	[tilespmem:v6+s17+$0x0] =	vst.idx.add.f32.msk $0xffff, v2;
	v34 =	vmul.f32 v10, v14  }
0x183: {  	v13 =	vadd.f32 v12, v13;
	v35 =	vtrunc.f32 v35;
	v32 =	vadd.s32 v16, v32;
	[tilespmem:v8+s17+$0x0] =	vst.idx.add.f32.msk $0xffff, v2  }
0x184: {  	v47 =	vcvt.f32.s32 v35;
	v8 =	vadd.f32 v31, v20;
	v20 =	vld [tilespmem:s29+$0xC030];
	v6 =	vtrunc.f32 v34  }
0x185: {  	v12 =	vadd.f32 v18, v28;
	v35 =	vcvt.f32.s32 v48;
	v23 =	vld [tilespmem:s29+$0xC040];
	v26 =	vcvt.f32.s32 v6  }
0x186: {  	v33 =	vmul.f32 v33, v14;
	v10 =	vadd.f32 v7, v24;
	v7 =	vadd.f32 v11, v25;
	v25 =	vld [tilespmem:s29+$0xC050]  }
0x187: {  	v35 =	vadd.s32 v16, v35;
	v6 =	vadd.f32 v29, v21;
	v21 =	vld [tilespmem:s29+$0xC020];
	vm1 =	vgt.s32 v26, $0x0  }
0x188: {  	v19 =	vsub.f32 v19, v15;
	[tilespmem:v32+s17+$0x0] =	vst.idx.add.f32.msk $0xffff, v2;
	v32 =	vcvt.f32.s32 v44;
	v11 =	vnsel vm1, $0x0, v26  }
0x189: {  	v24 =	vmin.u32 v11, $0x40;
	v11 =	vadd.f32 v17, v22;
	v22 =	vsub.f32 v27, v15  }
0x18a: {  	v45 =	vld [tilespmem:s31+$0xC070];
	v32 =	vadd.s32 v16, v32;
	v27 =	vmul.f32 v19, v14;
	v19 =	vsub.f32 v20, v15  }
0x18b: {  	v26 =	vld [tilespmem:s29+$0xC060];
	v20 =	vsub.f32 v23, v15;
	v17 =	vcvt.s32.f32 v24;
	v29 =	vmul.f32 v22, v14  }
0x18c: {  	[tilespmem:v35+s17+$0x0] =	vst.idx.add.f32.msk $0xffff, v2;
	v18 =	vsub.f32 v21, v15;
	v30 =	vtrunc.f32 v27;
	v21 =	vmul.f32 v19, v14  }
0x18d: {  	v60 =	vld [tilespmem:s31+$0xC060];
	v22 =	vsub.f32 v25, v15;
	v19 =	vmul.f32 v20, v14;
	v28 =	vadd.f32 $1.000000000e+00, v17  }
0x18e: {  	v61 =	vld [tilespmem:s31+$0x4010];
	v18 =	vmul.f32 v18, v14;
	vm1 =	vgt.f32 v34, v17;
	v17 =	vadd.s32 v16, v24  }
0x18f: {  	v37 =	vsub.f32 v45, v15;
	v23 =	vtrunc.f32 v29;
	v31 =	vtrunc.f32 v21  }
0x190: {  	v26 =	vsub.f32 v26, v15;
	v20 =	vmul.f32 v22, v14;
	v25 =	vtrunc.f32 v18  }
0x191: {  	vm2 =	vlt.f32 v34, v28;
	v28 =	vtrunc.f32 v19;
	v23 =	vcvt.f32.s32 v23  }
0x192: {  	v62 =	vsub.f32 v60, v15;
	v31 =	vcvt.f32.s32 v31;
	v22 =	vmul.f32 v26, v14  }
0x193: {  	v34 =	vsub.f32 v61, v15;
	v26 =	vcvt.f32.s32 v30;
	v30 =	vtrunc.f32 v20  }
0x194: {  	vm2 =	vmand vm1, vm2;
	v25 =	vcvt.f32.s32 v25;
	v28 =	vcvt.f32.s32 v28  }
0x195: {  	vm3 =	vgt.s32 v23, $0x0;
	v30 =	vcvt.f32.s32 v30;
	vm5 =	vgt.s32 v31, $0x0  }
0x196: {  	v34 =	vmul.f32 v34, v14;
	v24 =	vtrunc.f32 v22;
	vm1 =	vgt.s32 v26, $0x0  }
0x197: {  	vm4 =	vgt.s32 v25, $0x0;
	v23 =	vnsel vm3, $0x0, v23;
	v31 =	vnsel vm5, $0x0, v31  }
0x198: {  	v24 =	vcvt.f32.s32 v24;
	v26 =	vnsel vm1, $0x0, v26;
	vm1 =	vgt.s32 v28, $0x0  }
0x199: {  	vm6 =	vgt.s32 v30, $0x0;
	v25 =	vnsel vm4, $0x0, v25;
	v23 =	vmin.u32 v23, $0x40  }
0x19a: {  	v31 =	vmin.u32 v31, $0x40;
	v34 =	vtrunc.f32 v34;
	v28 =	vnsel vm1, $0x0, v28  }
0x19b: {  	v30 =	vnsel vm6, $0x0, v30;
	v26 =	vmin.u32 v26, $0x40;
	v25 =	vmin.u32 v25, $0x40  }
0x19c: {  	v46 =	vcvt.f32.s32 v34;
	v34 =	vadd.s32 v16, v47;
	v49 =	vadd.s32 v16, v23  }
0x19d: {  	v23 =	vcvt.s32.f32 v23;
	v51 =	vcvt.s32.f32 v31;
	v31 =	vadd.s32 v16, v31  }
0x19e: {  	vm3 =	vgt.s32 v24, $0x0;
	v28 =	vmin.u32 v28, $0x40;
	v40 =	vcvt.s32.f32 v26  }
0x19f: {  	v41 =	vmin.u32 v30, $0x40;
	v30 =	vtrunc.f32 v33;
	v50 =	vcvt.s32.f32 v25  }
0x1a0: {  	v24 =	vnsel vm3, $0x0, v24;
	v30 =	vcvt.f32.s32 v30;
	v43 =	vadd.f32 $1.000000000e+00, v40  }
0x1a1: {  	v33 =	vadd.s32 v16, v46;
	v53 =	vcvt.s32.f32 v28;
	vm1 =	vgt.f32 v27, v40  }
0x1a2: {  	v30 =	vadd.s32 v16, v30;
	vm3 =	vlt.f32 v27, v43;
	v27 =	vtrunc.f32 v63  }
0x1a3: {  	[tilespmem:v36+s17+$0x0] =	vst.idx.add.f32.msk $0xffff, v2;
	v52 =	vadd.f32 $1.000000000e+00, v23;
	v42 =	vcvt.s32.f32 v41;
	v27 =	vcvt.f32.s32 v27  }
0x1a4: {  	[tilespmem:v32+s17+$0x0] =	vst.idx.add.f32.msk $0xffff, v2;
	v56 =	vadd.f32 $1.000000000e+00, v51;
	vm12 =	vgt.f32 v21, v51;
	v24 =	vmin.u32 v24, $0x40  }
0x1a5: {  	vm8 =	vgt.f32 v18, v50;
	v55 =	vcvt.s32.f32 v24;
	[tilespmem:v34+s17+$0x0] =	vst.idx.add.f32.msk $0xffff, v2;
	v27 =	vadd.s32 v16, v27  }
0x1a6: {  	vm9 =	vlt.f32 v21, v56;
	vm13 =	vgt.f32 v20, v42;
	v43 =	vadd.f32 $1.000000000e+00, v50;
	[tilespmem:v33+s17+$0x0] =	vst.idx.add.f32.msk $0xffff, v2  }
0x1a7: {  	vm4 =	vmand vm1, vm3;
	vm1 =	vlt.f32 v29, v52;
	[tilespmem:v30+s17+$0x0] =	vst.idx.add.f32.msk $0xffff, v2;
	v30 =	vmul.f32 v37, v14  }
0x1a8: {  	vm3 =	vgt.f32 v29, v23;
	v23 =	vadd.f32 $1.000000000e+00, v42;
	vm6 =	vlt.f32 v18, v43;
	v18 =	vld [tilespmem:s31+$0xC000]  }
0x1a9: {  	v57 =	vadd.f32 $1.000000000e+00, v55;
	vm7 =	vmand vm3, vm1;
	v21 =	vld [tilespmem:s31+$0xC010];
	v54 =	vtrunc.f32 v30  }
0x1aa: {  	vm1 =	vgt.f32 v19, v53;
	v34 =	vcvt.f32.s32 v54;
	[tilespmem:v27+s17+$0x0] =	vst.idx.add.f32.msk $0xffff, v2;
	v27 =	vadd.f32 $1.000000000e+00, v53  }
0x1ab: {  	vm11 =	vlt.f32 v20, v23;
	vm8 =	vmand vm8, vm6;
	vm6 =	vmand vm12, vm9;
	v20 =	vld [tilespmem:s31+$0xC030]  }
0x1ac: {  	vm12 =	vgt.f32 v22, v55;
	vm5 =	vgt.s32 v34, $0x0;
	vm10 =	vlt.f32 v19, v27;
	v19 =	vld [tilespmem:s31+$0xC020]  }
0x1ad: {  	v29 =	vnsel vm5, $0x0, v34;
	vm5 =	vlt.f32 v22, v57;
	v22 =	vld [tilespmem:s31+$0xC040];
	v18 =	vsub.f32 v18, v15  }
0x1ae: {  	v26 =	vadd.s32 v16, v26;
	v21 =	vsub.f32 v21, v15;
	v23 =	vmin.u32 v29, $0x40  }
0x1af: {  	v59 =	vadd.s32 v16, v25;
	v58 =	vld [tilespmem:s31+$0xC050];
	v27 =	vcvt.s32.f32 v23;
	v25 =	vmul.f32 v18, v14  }
0x1b0: {  	v20 =	vsub.f32 v20, v15;
	vm3 =	vmand vm1, vm10;
	v18 =	vmul.f32 v21, v14  }
0x1b1: {  	v29 =	vadd.f32 $1.000000000e+00, v27;
	vm14 =	vgt.f32 v30, v27;
	v27 =	vtrunc.f32 v25  }
0x1b2: {  	v61 =	vtrunc.f32 v18;
	v19 =	vsub.f32 v19, v15;
	v21 =	vsub.f32 v22, v15  }
0x1b3: {  	[tilespmem:v26+s19+$0x0] =	vst.idx.add.f32.msk vm4, v2;
	v26 =	vcvt.f32.s32 v27;
	vm15 =	vlt.f32 v30, v29;
	v29 =	vadd.s32 v16, v23  }
0x1b4: {  	v23 =	vmul.f32 v20, v14;
	v20 =	vsub.f32 v58, v15;
	vm10 =	vmand vm14, vm15  }
0x1b5: {  	[tilespmem:v17+s19+$0x0] =	vst.idx.add.f32.msk vm2, v2;
	v28 =	vadd.s32 v16, v28;
	v27 =	vcvt.f32.s32 v61;
	v19 =	vmul.f32 v19, v14  }
0x1b6: {  	v32 =	vadd.s32 v16, v41;
	v22 =	vmul.f32 v21, v14;
	v21 =	vmul.f32 v20, v14  }
0x1b7: {  	[tilespmem:v31+s19+$0x0] =	vst.idx.add.f32.msk vm6, v2;
	v31 =	vadd.s32 v16, v24;
	v20 =	vmul.f32 v62, v14;
	v17 =	vtrunc.f32 v19  }
0x1b8: {  	[tilespmem:v49+s19+$0x0] =	vst.idx.add.f32.msk vm7, v2;
	vm1 =	vmand vm13, vm11;
	v63 =	vtrunc.f32 v23;
	v30 =	vtrunc.f32 v22  }
0x1b9: {  	[tilespmem:v59+s19+$0x0] =	vst.idx.add.f32.msk vm8, v2;
	vm2 =	vmand vm12, vm5;
	v35 =	vtrunc.f32 v21;
	v34 =	vtrunc.f32 v20  }
0x1ba: {  	s23 =	simm.s32 $0x0;
	s24 =	simm.s32 $0x8;
	s25 =	simm.s32 $0x400;
	vm4 =	vgt.s32 v26, $0x0;
	v33 =	vcvt.f32.s32 v17;
	v17 =	vmovc v16;
	[tilespmem:v29+s19+$0x0] =	vst.idx.add.f32.msk vm10, v2;
	v29 =	vcvt.f32.s32 v63  }
.LBB2_12:
0x1bb: {  	s26 =	sshra.s32 s25, $0x2;
	s24 =	sadd.s32 $0x8, s24;
	vm5 =	vgt.s32 v27, $0x0;
	v24 =	vcvt.f32.s32 v30;
	v30 =	vcvt.f32.s32 v35;
	[tilespmem:v28+s19+$0x0] =	vst.idx.add.f32.msk vm3, v2  }
0x1bc: {  	v34 =	vcvt.f32.s32 v34;
	v28 =	vld [tilespmem:s26+$0x4070];
	p0 =	slt.u32 s24, $0x3F8;
	vm3 =	vgt.s32 v33, $0x0;
	vm6 =	vgt.s32 v29, $0x0  }
0x1bd: {  	v26 =	vnsel vm4, $0x0, v26;
	v35 =	vld [tilespmem:s26+$0x4000];
	vm4 =	vgt.s32 v24, $0x0;
	vm7 =	vgt.s32 v30, $0x0  }
0x1be: {  	v27 =	vnsel vm5, $0x0, v27;
	v33 =	vnsel vm3, $0x0, v33;
	vm3 =	vgt.s32 v34, $0x0;
	v36 =	vld [tilespmem:s26+$0x4010]  }
0x1bf: {  	v38 =	vnsel vm6, $0x0, v29;
	v24 =	vnsel vm4, $0x0, v24;
	v39 =	vnsel vm7, $0x0, v30;
	v37 =	vld [tilespmem:s26+$0x4020]  }
0x1c0: {  	v41 =	vmin.u32 v26, $0x40;
	v42 =	vmin.u32 v27, $0x40;
	v27 =	vnsel vm3, $0x0, v34;
	v40 =	vld [tilespmem:s26+$0x4030]  }
0x1c1: {  	v29 =	vmin.u32 v33, $0x40;
	v30 =	vmin.u32 v38, $0x40;
	v34 =	vld [tilespmem:s26+$0x4040];
	v43 =	vsub.f32 v28, v15  }
0x1c2: {  	v26 =	vmin.u32 v39, $0x40;
	v28 =	vmin.u32 v24, $0x40;
	v33 =	vsub.f32 v35, v15;
	v35 =	vld [tilespmem:s26+$0x4050]  }
0x1c3: {  	v27 =	vmin.u32 v27, $0x40;
	v24 =	vsub.f32 v36, v15;
	v36 =	vld [tilespmem:s26+$0x4060];
	v38 =	vmul.f32 v43, v14  }
0x1c4: {  	v39 =	vcvt.s32.f32 v41;
	v33 =	vmul.f32 v33, v14;
	v37 =	vsub.f32 v37, v15;
	[tilespmem:v32+s19+$0x0] =	vst.idx.add.f32.msk vm1, v2  }
0x1c5: {  	v24 =	vmul.f32 v24, v14;
	v32 =	vsub.f32 v40, v15;
	v38 =	vtrunc.f32 v38;
	[tilespmem:v31+s19+$0x0] =	vst.idx.add.f32.msk vm2, v2  }
0x1c6: {  	v31 =	vmul.f32 v37, v14;
	v34 =	vsub.f32 v34, v15;
	v37 =	vcvt.f32.s32 v38  }
0x1c7: {  	v32 =	vmul.f32 v32, v14;
	v35 =	vsub.f32 v35, v15  }
0x1c8: {  	v34 =	vmul.f32 v34, v14;
	v36 =	vsub.f32 v36, v15;
	v37 =	vadd.s32 v16, v37  }
0x1c9: {  	v33 =	vtrunc.f32 v33;
	v38 =	vadd.f32 $1.000000000e+00, v39;
	v35 =	vmul.f32 v35, v14  }
0x1ca: {  	vm1 =	vgt.f32 v25, v39;
	v24 =	vtrunc.f32 v24;
	v36 =	vmul.f32 v36, v14  }
0x1cb: {  	v31 =	vtrunc.f32 v31;
	vm2 =	vlt.f32 v25, v38;
	v32 =	vtrunc.f32 v32  }
0x1cc: {  	vm1 =	vmand vm1, vm2;
	v25 =	vtrunc.f32 v34;
	v34 =	vtrunc.f32 v35  }
0x1cd: {  	v33 =	vcvt.f32.s32 v33;
	v35 =	vtrunc.f32 v36;
	v36 =	vadd.s32 v17, v41;
	[tilespmem:v37+s17+$0x0] =	vst.idx.add.f32.msk $0xffff, v2  }
0x1ce: {  	v24 =	vcvt.f32.s32 v24;
	v38 =	vadd.s32 v17, v42;
	v31 =	vcvt.f32.s32 v31;
	v37 =	vld [tilespmem:s26+$0xC070]  }
0x1cf: {  	v33 =	vadd.s32 v16, v33;
	v32 =	vcvt.f32.s32 v32;
	v25 =	vcvt.f32.s32 v25  }
0x1d0: {  	v24 =	vadd.s32 v16, v24;
	v34 =	vcvt.f32.s32 v34;
	v35 =	vcvt.f32.s32 v35  }
0x1d1: {  	v31 =	vadd.s32 v16, v31;
	v32 =	vadd.s32 v16, v32;
	v25 =	vadd.s32 v16, v25  }
0x1d2: {  	v34 =	vadd.s32 v16, v34;
	v35 =	vadd.s32 v16, v35;
	[tilespmem:v36+s19+$0x0] =	vst.idx.add.f32.msk vm1, v2;
	v36 =	vcvt.s32.f32 v42  }
0x1d3: {  	v40 =	vcvt.s32.f32 v30;
	v39 =	vcvt.s32.f32 v29;
	v37 =	vsub.f32 v37, v15  }
0x1d4: {  	v41 =	vcvt.s32.f32 v28;
	v42 =	vcvt.s32.f32 v26;
	[tilespmem:v33+s17+$0x0] =	vst.idx.add.f32.msk $0xffff, v2;
	v33 =	vadd.f32 $1.000000000e+00, v36  }
0x1d5: {  	v43 =	vcvt.s32.f32 v27;
	[tilespmem:v24+s17+$0x0] =	vst.idx.add.f32.msk $0xffff, v2;
	v37 =	vmul.f32 v37, v14;
	v24 =	vadd.f32 $1.000000000e+00, v39  }
0x1d6: {  	[tilespmem:v31+s17+$0x0] =	vst.idx.add.f32.msk $0xffff, v2;
	vm1 =	vlt.f32 v18, v33;
	v31 =	vadd.f32 $1.000000000e+00, v40;
	v33 =	vadd.f32 $1.000000000e+00, v41  }
0x1d7: {  	v45 =	vadd.f32 $1.000000000e+00, v43;
	v44 =	vadd.f32 $1.000000000e+00, v42;
	[tilespmem:v32+s17+$0x0] =	vst.idx.add.f32.msk $0xffff, v2;
	v32 =	vtrunc.f32 v37  }
0x1d8: {  	vm2 =	vlt.f32 v19, v24;
	[tilespmem:v25+s17+$0x0] =	vst.idx.add.f32.msk $0xffff, v2;
	v25 =	vcvt.f32.s32 v32;
	vm3 =	vlt.f32 v23, v31  }
0x1d9: {  	vm8 =	vlt.f32 v21, v44;
	v24 =	vimm.f32 $0.0e+00;
	vm7 =	vlt.f32 v22, v33;
	[tilespmem:v34+s17+$0x0] =	vst.idx.add.f32.msk $0xffff, v2  }
0x1da: {  	vm9 =	vlt.f32 v20, v45;
	vm5 =	vgt.f32 v18, v36;
	[tilespmem:v35+s17+$0x0] =	vst.idx.add.f32.msk $0xffff, v2;
	vm4 =	vgt.s32 v25, $0x0  }
0x1db: {  	vm10 =	vgt.f32 v23, v40;
	v18 =	vld [tilespmem:s26+$0xC000];
	v25 =	vnsel vm4, $0x0, v25;
	vm4 =	vgt.f32 v19, v39  }
0x1dc: {  	vm11 =	vgt.f32 v22, v41;
	vm12 =	vgt.f32 v21, v42;
	v19 =	vld [tilespmem:s26+$0xC010];
	v23 =	vmin.u32 v25, $0x40  }
0x1dd: {  	vm13 =	vgt.f32 v20, v43;
	vm6 =	vmand vm5, vm1;
	v21 =	vld [tilespmem:s26+$0xC020];
	v22 =	vcvt.s32.f32 v23  }
0x1de: {  	vm5 =	vmand vm4, vm2;
	vm4 =	vmand vm10, vm3;
	vm3 =	vmand vm11, vm7;
	v20 =	vld [tilespmem:s26+$0xC030]  }
0x1df: {  	vm1 =	vmand vm12, vm8;
	vm2 =	vmand vm13, vm9;
	v31 =	vld [tilespmem:s26+$0xC040];
	v25 =	vadd.f32 $1.000000000e+00, v22  }
0x1e0: {  	v30 =	vadd.s32 v17, v30;
	v29 =	vadd.s32 v17, v29;
	v18 =	vsub.f32 v18, v15;
	v32 =	vld [tilespmem:s26+$0xC050]  }
0x1e1: {  	vm7 =	vgt.f32 v37, v22;
	v19 =	vsub.f32 v19, v15;
	v33 =	vld [tilespmem:s26+$0xC060];
	vm8 =	vlt.f32 v37, v25  }
0x1e2: {  	v25 =	vmul.f32 v18, v14;
	v21 =	vsub.f32 v21, v15;
	vm7 =	vmand vm7, vm8  }
0x1e3: {  	v34 =	vadd.s32 v16, v23;
	v18 =	vmul.f32 v19, v14;
	v20 =	vsub.f32 v20, v15  }
0x1e4: {  	v35 =	vtrunc.f32 v25;
	v19 =	vmul.f32 v21, v14;
	v21 =	vsub.f32 v31, v15;
	[tilespmem:v38+s19+$0x0] =	vst.idx.add.f32.msk vm6, v2  }
0x1e5: {  	v36 =	vtrunc.f32 v18;
	v23 =	vmul.f32 v20, v14;
	v20 =	vsub.f32 v32, v15;
	[tilespmem:v29+s19+$0x0] =	vst.idx.add.f32.msk vm5, v2  }
0x1e6: {  	v29 =	vtrunc.f32 v19;
	v22 =	vmul.f32 v21, v14;
	v31 =	vsub.f32 v33, v15;
	[tilespmem:v30+s19+$0x0] =	vst.idx.add.f32.msk vm4, v2  }
.Ltmp5:
0x1e7: {  	v28 =	vadd.s32 v17, v28;
	v37 =	vtrunc.f32 v23;
	v21 =	vmul.f32 v20, v14;
	(pc) =	sbr.rel @p0 .LBB2_12-.Ltmp5, $4  }
0x1e8: {  	v32 =	vadd.s32 v17, v26;
	v30 =	vtrunc.f32 v22;
	v20 =	vmul.f32 v31, v14;
	[tilespmem:v34+s19+$0x0] =	vst.idx.add.f32.msk vm7, v2  }
0x1e9: {  	v26 =	vcvt.f32.s32 v35;
	v31 =	vadd.s32 v17, v27;
	v17 =	vmovc v16;
	v35 =	vtrunc.f32 v21  }
0x1ea: {  	v27 =	vcvt.f32.s32 v36;
	v34 =	vtrunc.f32 v20  }
0x1eb: {  	s25 =	sadd.s32 $0x200, s25;
	vm4 =	vgt.s32 v26, $0x0;
	v33 =	vcvt.f32.s32 v29;
	v29 =	vcvt.f32.s32 v37  }
0x1ec: {  	vm5 =	vgt.s32 v27, $0x0;
	v14 =	vcvt.f32.s32 v30  }
0x1ed: {  	v15 =	vcvt.f32.s32 v35;
	v16 =	vcvt.f32.s32 v34;
	v26 =	vnsel vm4, $0x0, v26  }
0x1ee: {  	vm6 =	vgt.s32 v33, $0x0;
	vm7 =	vgt.s32 v29, $0x0;
	v27 =	vnsel vm5, $0x0, v27  }
0x1ef: {  	v26 =	vmin.u32 v26, $0x40;
	vm15 =	vgt.s32 v14, $0x0;
	vm8 =	vgt.s32 v15, $0x0  }
0x1f0: {  	v58 =	vnsel vm6, $0x0, v33;
	vm11 =	vgt.s32 v16, $0x0;
	v29 =	vnsel vm7, $0x0, v29  }
0x1f1: {  	v59 =	vcvt.s32.f32 v26;
	v27 =	vmin.u32 v27, $0x40;
	v14 =	vnsel vm15, $0x0, v14  }
0x1f2: {  	v15 =	vnsel vm8, $0x0, v15;
	v16 =	vnsel vm11, $0x0, v16;
	v30 =	vmin.u32 v58, $0x40  }
0x1f3: {  	v29 =	vmin.u32 v29, $0x40;
	v61 =	vcvt.s32.f32 v27;
	v14 =	vmin.u32 v14, $0x40  }
0x1f4: {  	v60 =	vadd.f32 $1.000000000e+00, v59;
	v15 =	vmin.u32 v15, $0x40;
	v16 =	vmin.u32 v16, $0x40  }
0x1f5: {  	vm12 =	vgt.f32 v25, v59;
	v62 =	vcvt.s32.f32 v29;
	v63 =	vadd.f32 $1.000000000e+00, v61  }
0x1f6: {  	v36 =	vcvt.s32.f32 v14;
	v37 =	vcvt.s32.f32 v15;
	vm15 =	vgt.f32 v18, v61  }
0x1f7: {  	vm13 =	vlt.f32 v25, v60;
	v25 =	vcvt.s32.f32 v30;
	vm10 =	vgt.f32 v23, v62  }
0x1f8: {  	vm4 =	vmand vm12, vm13;
	vm14 =	vlt.f32 v18, v63;
	v18 =	vadd.f32 $1.000000000e+00, v62  }
0x1f9: {  	[tilespmem:v32+s19+$0x0] =	vst.idx.add.f32.msk vm1, v2;
	vm11 =	vgt.f32 v22, v36;
	vm1 =	vgt.f32 v21, v37;
	v38 =	vadd.f32 $1.000000000e+00, v25  }
0x1fa: {  	vm13 =	vgt.f32 v19, v25;
	vm5 =	vmand vm15, vm14;
	v25 =	vadd.f32 $1.000000000e+00, v37  }
0x1fb: {  	vm9 =	vlt.f32 v23, v18;
	v18 =	vadd.f32 $1.000000000e+00, v36;
	v23 =	vadd.s32 v17, v26  }
0x1fc: {  	vm12 =	vlt.f32 v19, v38;
	v19 =	vcvt.s32.f32 v16;
	vm15 =	vlt.f32 v21, v25  }
0x1fd: {  	vm9 =	vmand vm10, vm9;
	vm14 =	vlt.f32 v22, v18;
	v22 =	vadd.s32 v17, v27  }
0x1fe: {  	v21 =	vadd.s32 v17, v29;
	vm1 =	vmand vm1, vm15;
	v18 =	vadd.f32 $1.000000000e+00, v19  }
0x1ff: {  	[tilespmem:v28+s19+$0x0] =	vst.idx.add.f32.msk vm3, v2;
	v14 =	vadd.s32 v17, v14;
	v15 =	vadd.s32 v17, v15;
	vm6 =	vmand vm11, vm14  }
0x200: {  	[tilespmem:v31+s19+$0x0] =	vst.idx.add.f32.msk vm2, v2;
	vm7 =	vmand vm13, vm12;
	vm2 =	vgt.f32 v20, v19;
	vm3 =	vlt.f32 v20, v18  }
0x201: {  	v18 =	vadd.s32 v17, v30;
	[tilespmem:v23+s19+$0x0] =	vst.idx.add.f32.msk vm4, v2;
	vm2 =	vmand vm2, vm3  }
0x202: {  	v16 =	vadd.s32 v17, v16;
	[tilespmem:v22+s19+$0x0] =	vst.idx.add.f32.msk vm5, v2  }
0x203: {  	[tilespmem:v21+s19+$0x0] =	vst.idx.add.f32.msk vm9, v2  }
0x204: {  	[tilespmem:v15+s19+$0x0] =	vst.idx.add.f32.msk vm1, v2  }
0x205: {  	[tilespmem:v14+s19+$0x0] =	vst.idx.add.f32.msk vm6, v2  }
0x206: {  	[tilespmem:v18+s19+$0x0] =	vst.idx.add.f32.msk vm7, v2  }
0x207: {  	s25 =	sand.u32 $0x3FF, s23;
	[tilespmem:v16+s19+$0x0] =	vst.idx.add.f32.msk vm2, v2  }
0x208: {  	v14 =	vld [tilespmem:s25+$0x10C60]  }
0x209: {  	v15 =	vld [tilespmem:s25+$0x10410]  }
0x20a: {  	v18 =	vld [tilespmem:s25+$0x10420]  }
0x20b: {  	v21 =	vld [tilespmem:s25+$0x10430]  }
0x20c: {  	v22 =	vld [tilespmem:s25+$0x10440]  }
0x20d: {  	v19 =	vimm.f32 $0.0e+00;
	v17 =	vld [tilespmem:s25+$0x10C30]  }
0x20e: {  	s31 =	simm.s32 $0x41;
	v23 =	vimm.f32 $0.0e+00;
	v20 =	vimm.f32 $0.0e+00;
	v25 =	vld [tilespmem:s25+$0x10C40];
	v14 =	vadd.f32 v14, v24  }
0x20f: {  	s24 =	simm.s32 $0x82;
	s23 =	sand.u32 $0x3FF, s31;
	v26 =	vld [tilespmem:s25+$0x10C50];
	v16 =	vadd.f32 v15, v24;
	v15 =	vadd.f32 v18, v24;
	v18 =	vimm.f32 $0.0e+00  }
.LBB2_14:
0x210: {  	p0 =	sne.s32 s24, $0x3CF;
	v27 =	vld [tilespmem:s23+$0x10C60];
	v24 =	vadd.f32 v21, v24  }
0x211: {  	v28 =	vld [tilespmem:s23+$0x10410];
	v18 =	vadd.f32 v22, v18  }
0x212: {  	v29 =	vld [tilespmem:s23+$0x10420];
	v23 =	vadd.f32 v17, v23  }
.Ltmp6:
0x213: {  	v21 =	vld [tilespmem:s23+$0x10430];
	v19 =	vadd.f32 v25, v19;
	(pc) =	sbr.rel @p0 .LBB2_14-.Ltmp6, $4  }
0x214: {  	v22 =	vld [tilespmem:s23+$0x10440];
	v20 =	vadd.f32 v26, v20  }
0x215: {  	v17 =	vld [tilespmem:s23+$0x10C30];
	v14 =	vadd.f32 v27, v14  }
0x216: {  	v16 =	vadd.f32 v28, v16;
	v25 =	vld [tilespmem:s23+$0x10C40]  }
0x217: {  	v15 =	vadd.f32 v29, v15;
	v26 =	vld [tilespmem:s23+$0x10C50];
	s23 =	sand.u32 $0x3FF, s24;
	s24 =	sadd.s32 $0x41, s24  }
0x218: {  	(xrf2) =	vadd.scan.msk.f32 $0xffff, v5;
	_ =	sdelay $0x9  }
0x219: {  	v5, _, _ =	vpop (xrf2)  }
0x21a: {  	v5 =	vbroadcast v5, $0xF  }
0x21b: {  	v27 =	vsel vm0, $0x0, v2  }
0x21c: {  	v5 =	vmul.f32 v27, v5;
	_ =	sdelay $0x1  }
0x21d: {  	v5 =	vadd.f32 v5, v13;
	_ =	sdelay $0x1  }
0x21e: {  	v6 =	vsub.f32 v6, v8;
	v42 =	vadd.s32 $0x450, v1;
	v5 =	vsub.f32 v10, v5;
	_ =	sdelay $0x1  }
0x21f: {  	v9 =	vsub.f32 v11, v9;
	v6 =	vand.u32 $0x7FFFFFFF, v6;
	v5 =	vand.u32 $0x7FFFFFFF, v5  }
0x220: {  	v5 =	vadd.f32 v5, v6  }
0x221: {  	v7 =	vsub.f32 v12, v7;
	v43 =	vand.u32 $0x7FFFFFFF, v9  }
0x222: {  	v44 =	vld.idx.msk [tilespmem:v42+s17+$0x0], $0xffff;
	v5 =	vadd.f32 v5, v43  }
0x223: {  	v7 =	vand.u32 $0x7FFFFFFF, v7  }
0x224: {  	v5 =	vadd.f32 v5, v7;
	_ =	sdelay $0x1  }
0x225: {  	(xrf2) =	vadd.scan.msk.f32 $0xffff, v5  }
0x226: {  	(xrf2) =	vadd.scan.msk.f32 $0xffff, v44;
	_ =	sdelay $0x5  }
0x227: {  	v45 =	vld [tilespmem:s23+$0x10C60]  }
0x228: {  	v46 =	vld [tilespmem:s23+$0x10410]  }
0x229: {  	v47 =	vld [tilespmem:s23+$0x10440]  }
0x22a: {  	v50 =	vld [tilespmem:s23+$0x10C30];
	v48, _, _ =	vpop (xrf2)  }
0x22b: {  	v49 =	vld [tilespmem:s23+$0x10420];
	v51, _, _ =	vpop (xrf2)  }
0x22c: {  	v52 =	vadd.f32 v21, v24;
	v54 =	vld [tilespmem:s23+$0x10C40];
	v53 =	vadd.f32 v22, v18;
	v11 =	vbroadcast v51, $0xF  }
0x22d: {  	v55 =	vld [tilespmem:s23+$0x10430];
	v17 =	vadd.f32 v17, v23;
	v19 =	vadd.f32 v25, v19  }
0x22e: {  	v56 =	vld [tilespmem:s23+$0x10C50];
	v20 =	vadd.f32 v26, v20;
	v7 =	vadd.f32 v47, v53;
	v11 =	vmul.f32 v27, v11  }
0x22f: {  	v10 =	vadd.f32 v50, v17;
	v6 =	vadd.f32 v46, v16  }
0x230: {  	v5 =	vadd.f32 v45, v14;
	v7 =	vadd.f32 v11, v7  }
0x231: {  	v9 =	vadd.f32 v49, v15;
	v57 =	vadd.f32 v54, v19  }
0x232: {  	v6 =	vsub.f32 v10, v6;
	v5 =	vsub.f32 v5, v7  }
0x233: {  	v58 =	vadd.f32 v55, v52;
	v59 =	vadd.f32 v56, v20  }
0x234: {  	v9 =	vsub.f32 v57, v9;
	v6 =	vand.u32 $0x7FFFFFFF, v6;
	v5 =	vand.u32 $0x7FFFFFFF, v5  }
0x235: {  	v5 =	vadd.f32 v5, v6  }
0x236: {  	v60 =	vand.u32 $0x7FFFFFFF, v9;
	v7 =	vsub.f32 v59, v58  }
0x237: {  	v5 =	vadd.f32 v5, v60  }
0x238: {  	v61 =	vand.u32 $0x7FFFFFFF, v7  }
0x239: {  	v5 =	vadd.f32 v5, v61;
	_ =	sdelay $0x1  }
0x23a: {  	vm1 =	vmmov $0x1;
	(xrf2) =	vadd.scan.msk.f32 $0xffff, v5  }
0x23b: {  	v3 =	vsel vm1, v3, v4  }
0x23c: {  	v3 =	vmul.f32 $1.048576000e+06, v3;
	_ =	sdelay $0x1  }
0x23d: {  	(erf) = vrcp.f32 v3;
	_ =	sdelay $0x5  }
0x23e: {  	v3, _, _ =	vpop (xrf2)  }
0x23f: {  	v62 =	vbroadcast v48, $0xF;
	v3 =	vbroadcast v3, $0xF;
	_ =	sdelay $0x1  }
0x240: {  	v63 =	vpop (erf);
	v3 =	vsel vm1, v62, v3  }
0x241: {  	s22 =	sadd.s32 $0x1, s22;
	v3 =	vmul.f32 v3, v63  }
0x242: {  	p0 =	sne.s32 s22, s8  }
.Ltmp7:
0x243: {  	[tilespmem:$0x11040] =	vst v3;
	(pc) =	sbr.rel @p0 .LBB2_1-.Ltmp7, $4  }
0x244: {  	[hbm4b:s7+s2] =	stream.linear.scatter [tilespmem:s20], [sflag:$0x5], $0x10, $0x38;
	[tilespmem:$0x11050] =	vst v63  }
0x245: {  	_ =	swait.ge [sflag:s21], $0x10  }
0x246: {  	[sflag:s21] =	ssyncset.done $0x0  }
0x247: {  	[sflag:s21] =	ssyncadd.s32 $0xFFFFFFF0  }
0x248: {  	_ =	sfence.sel $0x180000  }
0x249: {  	[bflag:$0x0] =	sbarrier.arrive $0xFFFF  }
0x24a: {  	p0 =	sne.s32 s1, $0x0;
	_ =	strace $0x90000047  }
0x24b: {  	s0 =	sadd.s32 @!p0 $0x100000, s0;
	[bflag:$0x2] =	sbarrier.arrive $0xFFFF  }
0x24c: {  	[sflag:s0] =	ssyncadd.tile.s32 @!p0 $0x1;
	_ =	shalt  }
.Lfunc_end2:
_tile_overlayer_lowered:
.L_overlay_start_2:
0x24d: {  	(tag) =	ssettag $0x2  }
0x24e: {  	s0 =	rddreg [dreg:$0x0];
	s2 =	stileid.u32  }
0x24f: {  	s1 =	rddreg [dreg:$0x1];
	p0 =	sne.s32 s2, $0x0  }
0x250: {  	s3 =	rddreg [dreg:$0x2];
	[bflag:$0x3] =	sbarrier.arrive $0xFFFF;
	s2 =	simm.s32 @!p0 $0x1C05  }
0x251: {  	[timem:s3], [sflag:s2] =	dma.local @!p0 [hbm:s0], s1  }
0x252: {  	s0 =	simm.s32 @!p0 $0x5  }
0x253: {  	_ =	swait.ge @!p0 [sflag:s0], s1  }
0x254: {  	s1 =	ssub.s32 @!p0 $0x0, s1;
	[sflag:s0] =	ssyncset.done @!p0 $0x0  }
0x255: {  	[sflag:s0] =	ssyncadd.s32 @!p0 s1  }
0x256: {  	[bflag:$0x3] =	sbarrier.arrive $0xFFFF  }
0x257: {  	_ =	shalt  }

</sc_bundles>
